<compile_context>
chip_gen: v7x
topology: tpu7x:2x2x1
jax: 0.10.2.dev20260603
libtpu: 0.0.44.dev20260713+nightly
codegen_flags: <defaults>
</compile_context>

<pallas_src>
import jax
import jax.numpy as jnp
from jax import lax
from jax.experimental import pallas as pl
from jax.experimental.pallas import tpu as pltpu
from jax.experimental.pallas import tpu_sc as plsc

THRESH = 0.5
ROWS = 100000
COLS = 512
NUM_WORKERS = 32
CHUNK_ROWS = 32
NCHUNKS = ROWS // CHUNK_ROWS
ITERS = -(-NCHUNKS // NUM_WORKERS)
NBUF = 3


def _compute_chunk(w_v, m_v, o_v):
    m32 = m_v.bitcast(jnp.int32)

    @plsc.parallel_loop(0, (CHUNK_ROWS // 4) * (COLS // 16), 1, unroll=3)
    def s_body(t):
        s = t // (COLS // 16)
        c0 = (t % (COLS // 16)) * 16
        mw = m32[s, pl.ds(c0, 16)]
        for b in range(4):
            w = w_v[s * 4 + b, pl.ds(c0, 16)]
            sel = (mw << (31 - 8 * b)) < 0
            res = jnp.where(sel, jnp.where(w > THRESH, 1.0, 0.0), w)
            o_v[s * 4 + b, pl.ds(c0, 16)] = res


def _sc_body(w_hbm, m_hbm, out_hbm, w_bufs, m_bufs, o_bufs,
             w_sems, m_sems, o_sems):
    wid = lax.axis_index("s") * 2 + lax.axis_index("c")

    def chunk_of(i):
        return i * NUM_WORKERS + wid

    def fill(i, b):
        k = chunk_of(i)

        @pl.when(k < NCHUNKS)
        def _():
            r0 = k * CHUNK_ROWS
            pltpu.make_async_copy(
                w_hbm.at[pl.ds(r0, CHUNK_ROWS)], w_bufs.at[b], w_sems.at[b]
            ).start()
            pltpu.make_async_copy(
                m_hbm.at[pl.ds(r0, CHUNK_ROWS)], m_bufs.at[b], m_sems.at[b]
            ).start()

    def wait_fill(i, b):
        k = chunk_of(i)

        @pl.when(k < NCHUNKS)
        def _():
            r0 = k * CHUNK_ROWS
            pltpu.make_async_copy(
                w_hbm.at[pl.ds(r0, CHUNK_ROWS)], w_bufs.at[b], w_sems.at[b]
            ).wait()
            pltpu.make_async_copy(
                m_hbm.at[pl.ds(r0, CHUNK_ROWS)], m_bufs.at[b], m_sems.at[b]
            ).wait()

    def flush(i, b):
        k = chunk_of(i)

        @pl.when(k < NCHUNKS)
        def _():
            r0 = k * CHUNK_ROWS
            pltpu.make_async_copy(
                o_bufs.at[b], out_hbm.at[pl.ds(r0, CHUNK_ROWS)], o_sems.at[b]
            ).start()

    def wait_flush(i, b):
        k = chunk_of(i)

        @pl.when(k < NCHUNKS)
        def _():
            r0 = k * CHUNK_ROWS
            pltpu.make_async_copy(
                o_bufs.at[b], out_hbm.at[pl.ds(r0, CHUNK_ROWS)], o_sems.at[b]
            ).wait()

    def step(i, b):
        wait_fill(i, b)

        k = chunk_of(i)

        @pl.when(k < NCHUNKS)
        def _():
            _compute_chunk(w_bufs.at[b], m_bufs.at[b], o_bufs.at[b])

        flush(i, b)

        @pl.when(i >= 2)
        def _():
            wait_flush(i - 2, (i + 1) % NBUF)

        fill(i + NBUF - 1, (i + NBUF - 1) % NBUF)

    for b in range(NBUF - 1):
        fill(b, b)

    T = -(-ITERS // NBUF)

    def outer(t, carry):
        for j in range(NBUF):
            step(NBUF * t + j, j)
        return carry

    lax.fori_loop(0, T, outer, None)
    wait_flush(T * NBUF - 2, (T * NBUF - 2) % NBUF)
    wait_flush(T * NBUF - 1, (T * NBUF - 1) % NBUF)


@jax.jit
def _sc_binarize(w, m8):
    mesh = plsc.VectorSubcoreMesh(core_axis_name="c", subcore_axis_name="s")
    return pl.kernel(
        _sc_body,
        out_type=jax.ShapeDtypeStruct((ROWS, COLS), jnp.float32),
        mesh=mesh,
        scratch_types=[
            pltpu.VMEM((NBUF, CHUNK_ROWS, COLS), jnp.float32),
            pltpu.VMEM((NBUF, CHUNK_ROWS, COLS), jnp.int8),
            pltpu.VMEM((NBUF, CHUNK_ROWS, COLS), jnp.float32),
            pltpu.SemaphoreType.DMA((NBUF,)),
            pltpu.SemaphoreType.DMA((NBUF,)),
            pltpu.SemaphoreType.DMA((NBUF,)),
        ],
    )(w, m8)


def kernel(W, M):
    M8 = M.view(jnp.int8)
    return _sc_binarize(W, M8)

# --- scband reference (transcript-rebuilt; emitter-appended) ---
"""Pipeline reference for scband-random-binarization-layer-5205500363084 (READ-ONLY COPY).

The authoritative reference and input builder live on the scoring server;
editing this copy changes nothing except your own understanding.
"""

import jax, jax.numpy as jnp
import numpy as np

THRESHOLD = 0.5
SHAPE = (100000, 512)
PROBABILITY = 0.5

def setup_inputs(seed: int = 0) -> dict:
    key = jax.random.key(seed)
    k_w, k_m = jax.random.split(key)
    W = jax.random.uniform(k_w, SHAPE, dtype=jnp.float32)
    # Random binarization mask, element selected with probability PROBABILITY
    M = jax.random.uniform(k_m, SHAPE, dtype=jnp.float32) < PROBABILITY
    return {"W": W, "M": M}

def reference(W, M):
    # W[M] = where(W[M] > THRESHOLD, 1, 0); other entries passed through unchanged
    binarized = jnp.where(W > THRESHOLD, jnp.ones_like(W), jnp.zeros_like(W))
    out = jnp.where(M, binarized, W)
    return out

if __name__ == "__main__":
    import jax
    _d = setup_inputs()
    print(jax.jit(kernel)(*tuple(_d.values())))

</pallas_src>

<mosaic_0001>
#map = affine_map<(d0, d1) -> (0, 0)>
module attributes {stable_mosaic.version = 14 : i64} {
  func.func @_sc_body(%arg0: i32, %arg1: i32, %arg2: memref<100000x512xf32, #tpu.memory_space<hbm>>, %arg3: memref<100000x512xi8, #tpu.memory_space<hbm>>, %arg4: memref<100000x512xf32, #tpu.memory_space<hbm>>, %arg5: memref<3x32x512xf32, #tpu.memory_space<vmem>>, %arg6: memref<3x32x512xi8, #tpu.memory_space<vmem>>, %arg7: memref<3x32x512xf32, #tpu.memory_space<vmem>>, %arg8: memref<3x!tpu.dma_semaphore, #tpu.memory_space<semaphore_mem>>, %arg9: memref<3x!tpu.dma_semaphore, #tpu.memory_space<semaphore_mem>>, %arg10: memref<3x!tpu.dma_semaphore, #tpu.memory_space<semaphore_mem>>) attributes {dimension_semantics = [#tpu.dimension_semantics<core_parallel>, #tpu.dimension_semantics<subcore_parallel>], iteration_bounds = array<i64: 2, 16>, scalar_prefetch = 0 : i64, scratch_operands = 6 : i64, tpu.core_type = #tpu.core_type<sc_vector_subcore>, window_params = [{transform_indices = #map}, {transform_indices = #map}, {transform_indices = #map}]} {
    %mul3A = arith.constant 2 : i32
    %mul3A_0 = arith.muli %arg1, %mul3A : i32
    %add3A = arith.addi %mul3A_0, %arg0 : i32
    %add3A_1 = arith.constant 0 : i32
    %add3A_2 = arith.addi %add3A_1, %add3A : i32
    %lt3A = arith.constant 3125 : i32
    %lt3A_3 = arith.cmpi slt, %add3A_2, %lt3A : i32
    %convert_element_type3A = arith.extui %lt3A_3 : i1 to i32
    %cond3A = arith.constant 0 : i32
    %cond3A_4 = arith.cmpi ne, %convert_element_type3A, %cond3A : i32
    scf.if %cond3A_4 {
      %mul3A_30 = arith.constant 32 : i32
      %mul3A_31 = arith.muli %add3A_2, %mul3A_30 : i32
      %dma_start3A = arith.constant 0 : i32
      %dma_start3A_32 = arith.constant 0 : i32
      %dma_start3A_33 = arith.constant 0 : i32
      %dma_start3A_34 = arith.constant 0 : i32
      %dma_start3A_35 = tpu.memref_slice %arg5[%dma_start3A, %dma_start3A_33, %dma_start3A_34] : memref<3x32x512xf32, #tpu.memory_space<vmem>> -> memref<1x32x512xf32, #tpu.memory_space<vmem>>
      %dma_start3A_36 = tpu.memref_squeeze %dma_start3A_35 : memref<1x32x512xf32, #tpu.memory_space<vmem>> -> memref<32x512xf32, #tpu.memory_space<vmem>>
      %dma_start3A_37 = arith.constant 0 : i32
      %dma_start3A_38 = tpu.memref_slice %arg2[%mul3A_31, %dma_start3A_37] : memref<100000x512xf32, #tpu.memory_space<hbm>> -> memref<32x512xf32, #tpu.memory_space<hbm>>
      %dma_start3A_39 = tpu.memref_slice %arg8[%dma_start3A_32] : memref<3x!tpu.dma_semaphore, #tpu.memory_space<semaphore_mem>> -> memref<1x!tpu.dma_semaphore, #tpu.memory_space<semaphore_mem>>
      %dma_start3A_40 = tpu.memref_squeeze %dma_start3A_39 : memref<1x!tpu.dma_semaphore, #tpu.memory_space<semaphore_mem>> -> memref<!tpu.dma_semaphore, #tpu.memory_space<semaphore_mem>>
      %dma_start3A_41 = arith.constant 0 : i32
      %dma_start3A_42 = arith.constant 0 : i32
      %dma_start3A_43 = tpu.memref_slice %arg5[%dma_start3A, %dma_start3A_41, %dma_start3A_42] : memref<3x32x512xf32, #tpu.memory_space<vmem>> -> memref<1x32x512xf32, #tpu.memory_space<vmem>>
      %dma_start3A_44 = tpu.memref_squeeze %dma_start3A_43 : memref<1x32x512xf32, #tpu.memory_space<vmem>> -> memref<32x512xf32, #tpu.memory_space<vmem>>
      %dma_start3A_45 = arith.constant 0 : i32
      %dma_start3A_46 = tpu.memref_slice %arg2[%mul3A_31, %dma_start3A_45] : memref<100000x512xf32, #tpu.memory_space<hbm>> -> memref<32x512xf32, #tpu.memory_space<hbm>>
      tpu.enqueue_dma source(%dma_start3A_46 : memref<32x512xf32, #tpu.memory_space<hbm>>) target(%dma_start3A_44 : memref<32x512xf32, #tpu.memory_space<vmem>>) target_semaphore(%dma_start3A_40 : memref<!tpu.dma_semaphore, #tpu.memory_space<semaphore_mem>>)
      %dma_start3A_47 = arith.constant 0 : i32
      %dma_start3A_48 = arith.constant 0 : i32
      %dma_start3A_49 = arith.constant 0 : i32
      %dma_start3A_50 = arith.constant 0 : i32
      %dma_start3A_51 = tpu.memref_slice %arg6[%dma_start3A_47, %dma_start3A_49, %dma_start3A_50] : memref<3x32x512xi8, #tpu.memory_space<vmem>> -> memref<1x32x512xi8, #tpu.memory_space<vmem>>
      %dma_start3A_52 = tpu.memref_squeeze %dma_start3A_51 : memref<1x32x512xi8, #tpu.memory_space<vmem>> -> memref<32x512xi8, #tpu.memory_space<vmem>>
      %dma_start3A_53 = arith.constant 0 : i32
      %dma_start3A_54 = tpu.memref_slice %arg3[%mul3A_31, %dma_start3A_53] : memref<100000x512xi8, #tpu.memory_space<hbm>> -> memref<32x512xi8, #tpu.memory_space<hbm>>
      %dma_start3A_55 = tpu.memref_slice %arg9[%dma_start3A_48] : memref<3x!tpu.dma_semaphore, #tpu.memory_space<semaphore_mem>> -> memref<1x!tpu.dma_semaphore, #tpu.memory_space<semaphore_mem>>
      %dma_start3A_56 = tpu.memref_squeeze %dma_start3A_55 : memref<1x!tpu.dma_semaphore, #tpu.memory_space<semaphore_mem>> -> memref<!tpu.dma_semaphore, #tpu.memory_space<semaphore_mem>>
      %dma_start3A_57 = arith.constant 0 : i32
      %dma_start3A_58 = arith.constant 0 : i32
      %dma_start3A_59 = tpu.memref_slice %arg6[%dma_start3A_47, %dma_start3A_57, %dma_start3A_58] : memref<3x32x512xi8, #tpu.memory_space<vmem>> -> memref<1x32x512xi8, #tpu.memory_space<vmem>>
      %dma_start3A_60 = tpu.memref_squeeze %dma_start3A_59 : memref<1x32x512xi8, #tpu.memory_space<vmem>> -> memref<32x512xi8, #tpu.memory_space<vmem>>
      %dma_start3A_61 = arith.constant 0 : i32
      %dma_start3A_62 = tpu.memref_slice %arg3[%mul3A_31, %dma_start3A_61] : memref<100000x512xi8, #tpu.memory_space<hbm>> -> memref<32x512xi8, #tpu.memory_space<hbm>>
      tpu.enqueue_dma source(%dma_start3A_62 : memref<32x512xi8, #tpu.memory_space<hbm>>) target(%dma_start3A_60 : memref<32x512xi8, #tpu.memory_space<vmem>>) target_semaphore(%dma_start3A_56 : memref<!tpu.dma_semaphore, #tpu.memory_space<semaphore_mem>>)
    } else {
    }
    %add3A_5 = arith.constant 32 : i32
    %add3A_6 = arith.addi %add3A_5, %add3A : i32
    %lt3A_7 = arith.constant 3125 : i32
    %lt3A_8 = arith.cmpi slt, %add3A_6, %lt3A_7 : i32
    %convert_element_type3A_9 = arith.extui %lt3A_8 : i1 to i32
    %cond3A_10 = arith.constant 0 : i32
    %cond3A_11 = arith.cmpi ne, %convert_element_type3A_9, %cond3A_10 : i32
    scf.if %cond3A_11 {
      %mul3A_30 = arith.constant 32 : i32
      %mul3A_31 = arith.muli %add3A_6, %mul3A_30 : i32
      %dma_start3A = arith.constant 1 : i32
      %dma_start3A_32 = arith.constant 1 : i32
      %dma_start3A_33 = arith.constant 0 : i32
      %dma_start3A_34 = arith.constant 0 : i32
      %dma_start3A_35 = tpu.memref_slice %arg5[%dma_start3A, %dma_start3A_33, %dma_start3A_34] : memref<3x32x512xf32, #tpu.memory_space<vmem>> -> memref<1x32x512xf32, #tpu.memory_space<vmem>>
      %dma_start3A_36 = tpu.memref_squeeze %dma_start3A_35 : memref<1x32x512xf32, #tpu.memory_space<vmem>> -> memref<32x512xf32, #tpu.memory_space<vmem>>
      %dma_start3A_37 = arith.constant 0 : i32
      %dma_start3A_38 = tpu.memref_slice %arg2[%mul3A_31, %dma_start3A_37] : memref<100000x512xf32, #tpu.memory_space<hbm>> -> memref<32x512xf32, #tpu.memory_space<hbm>>
      %dma_start3A_39 = tpu.memref_slice %arg8[%dma_start3A_32] : memref<3x!tpu.dma_semaphore, #tpu.memory_space<semaphore_mem>> -> memref<1x!tpu.dma_semaphore, #tpu.memory_space<semaphore_mem>>
      %dma_start3A_40 = tpu.memref_squeeze %dma_start3A_39 : memref<1x!tpu.dma_semaphore, #tpu.memory_space<semaphore_mem>> -> memref<!tpu.dma_semaphore, #tpu.memory_space<semaphore_mem>>
      %dma_start3A_41 = arith.constant 0 : i32
      %dma_start3A_42 = arith.constant 0 : i32
      %dma_start3A_43 = tpu.memref_slice %arg5[%dma_start3A, %dma_start3A_41, %dma_start3A_42] : memref<3x32x512xf32, #tpu.memory_space<vmem>> -> memref<1x32x512xf32, #tpu.memory_space<vmem>>
      %dma_start3A_44 = tpu.memref_squeeze %dma_start3A_43 : memref<1x32x512xf32, #tpu.memory_space<vmem>> -> memref<32x512xf32, #tpu.memory_space<vmem>>
      %dma_start3A_45 = arith.constant 0 : i32
      %dma_start3A_46 = tpu.memref_slice %arg2[%mul3A_31, %dma_start3A_45] : memref<100000x512xf32, #tpu.memory_space<hbm>> -> memref<32x512xf32, #tpu.memory_space<hbm>>
      tpu.enqueue_dma source(%dma_start3A_46 : memref<32x512xf32, #tpu.memory_space<hbm>>) target(%dma_start3A_44 : memref<32x512xf32, #tpu.memory_space<vmem>>) target_semaphore(%dma_start3A_40 : memref<!tpu.dma_semaphore, #tpu.memory_space<semaphore_mem>>)
      %dma_start3A_47 = arith.constant 1 : i32
      %dma_start3A_48 = arith.constant 1 : i32
      %dma_start3A_49 = arith.constant 0 : i32
      %dma_start3A_50 = arith.constant 0 : i32
      %dma_start3A_51 = tpu.memref_slice %arg6[%dma_start3A_47, %dma_start3A_49, %dma_start3A_50] : memref<3x32x512xi8, #tpu.memory_space<vmem>> -> memref<1x32x512xi8, #tpu.memory_space<vmem>>
      %dma_start3A_52 = tpu.memref_squeeze %dma_start3A_51 : memref<1x32x512xi8, #tpu.memory_space<vmem>> -> memref<32x512xi8, #tpu.memory_space<vmem>>
      %dma_start3A_53 = arith.constant 0 : i32
      %dma_start3A_54 = tpu.memref_slice %arg3[%mul3A_31, %dma_start3A_53] : memref<100000x512xi8, #tpu.memory_space<hbm>> -> memref<32x512xi8, #tpu.memory_space<hbm>>
      %dma_start3A_55 = tpu.memref_slice %arg9[%dma_start3A_48] : memref<3x!tpu.dma_semaphore, #tpu.memory_space<semaphore_mem>> -> memref<1x!tpu.dma_semaphore, #tpu.memory_space<semaphore_mem>>
      %dma_start3A_56 = tpu.memref_squeeze %dma_start3A_55 : memref<1x!tpu.dma_semaphore, #tpu.memory_space<semaphore_mem>> -> memref<!tpu.dma_semaphore, #tpu.memory_space<semaphore_mem>>
      %dma_start3A_57 = arith.constant 0 : i32
      %dma_start3A_58 = arith.constant 0 : i32
      %dma_start3A_59 = tpu.memref_slice %arg6[%dma_start3A_47, %dma_start3A_57, %dma_start3A_58] : memref<3x32x512xi8, #tpu.memory_space<vmem>> -> memref<1x32x512xi8, #tpu.memory_space<vmem>>
      %dma_start3A_60 = tpu.memref_squeeze %dma_start3A_59 : memref<1x32x512xi8, #tpu.memory_space<vmem>> -> memref<32x512xi8, #tpu.memory_space<vmem>>
      %dma_start3A_61 = arith.constant 0 : i32
      %dma_start3A_62 = tpu.memref_slice %arg3[%mul3A_31, %dma_start3A_61] : memref<100000x512xi8, #tpu.memory_space<hbm>> -> memref<32x512xi8, #tpu.memory_space<hbm>>
      tpu.enqueue_dma source(%dma_start3A_62 : memref<32x512xi8, #tpu.memory_space<hbm>>) target(%dma_start3A_60 : memref<32x512xi8, #tpu.memory_space<vmem>>) target_semaphore(%dma_start3A_56 : memref<!tpu.dma_semaphore, #tpu.memory_space<semaphore_mem>>)
    } else {
    }
    %scan3A = arith.constant 0 : i32
    %scan3A_12 = arith.constant 33 : i32
    %scan3A_13 = arith.addi %scan3A, %scan3A_12 : i32
    %scan3A_14 = arith.constant 1 : i32
    scf.for %scan3A_30 = %scan3A to %scan3A_13 step %scan3A_14  : i32 {
      %mul3A_31 = arith.constant 3 : i32
      %mul3A_32 = arith.muli %mul3A_31, %scan3A_30 : i32
      %add3A_33 = arith.constant 0 : i32
      %add3A_34 = arith.addi %mul3A_32, %add3A_33 : i32
      %mul3A_35 = arith.constant 32 : i32
      %mul3A_36 = arith.muli %add3A_34, %mul3A_35 : i32
      %add3A_37 = arith.addi %mul3A_36, %add3A : i32
      %lt3A_38 = arith.constant 3125 : i32
      %lt3A_39 = arith.cmpi slt, %add3A_37, %lt3A_38 : i32
      %convert_element_type3A_40 = arith.extui %lt3A_39 : i1 to i32
      %cond3A_41 = arith.constant 0 : i32
      %cond3A_42 = arith.cmpi ne, %convert_element_type3A_40, %cond3A_41 : i32
      scf.if %cond3A_42 {
        %mul3A_218 = arith.constant 32 : i32
        %mul3A_219 = arith.muli %add3A_37, %mul3A_218 : i32
        %dma_wait3A = arith.constant 0 : i32
        %dma_wait3A_220 = arith.constant 0 : i32
        %dma_wait3A_221 = arith.constant 0 : i32
        %dma_wait3A_222 = arith.constant 0 : i32
        %dma_wait3A_223 = tpu.memref_slice %arg5[%dma_wait3A, %dma_wait3A_221, %dma_wait3A_222] : memref<3x32x512xf32, #tpu.memory_space<vmem>> -> memref<1x32x512xf32, #tpu.memory_space<vmem>>
        %dma_wait3A_224 = tpu.memref_squeeze %dma_wait3A_223 : memref<1x32x512xf32, #tpu.memory_space<vmem>> -> memref<32x512xf32, #tpu.memory_space<vmem>>
        %dma_wait3A_225 = arith.constant 0 : i32
        %dma_wait3A_226 = tpu.memref_slice %arg2[%mul3A_219, %dma_wait3A_225] : memref<100000x512xf32, #tpu.memory_space<hbm>> -> memref<32x512xf32, #tpu.memory_space<hbm>>
        %dma_wait3A_227 = tpu.memref_slice %arg8[%dma_wait3A_220] : memref<3x!tpu.dma_semaphore, #tpu.memory_space<semaphore_mem>> -> memref<1x!tpu.dma_semaphore, #tpu.memory_space<semaphore_mem>>
        %dma_wait3A_228 = tpu.memref_squeeze %dma_wait3A_227 : memref<1x!tpu.dma_semaphore, #tpu.memory_space<semaphore_mem>> -> memref<!tpu.dma_semaphore, #tpu.memory_space<semaphore_mem>>
        %dma_wait3A_229 = arith.constant 0 : i32
        %dma_wait3A_230 = arith.constant 0 : i32
        %dma_wait3A_231 = tpu.memref_slice %arg5[%dma_wait3A, %dma_wait3A_229, %dma_wait3A_230] : memref<3x32x512xf32, #tpu.memory_space<vmem>> -> memref<1x32x512xf32, #tpu.memory_space<vmem>>
        %dma_wait3A_232 = tpu.memref_squeeze %dma_wait3A_231 : memref<1x32x512xf32, #tpu.memory_space<vmem>> -> memref<32x512xf32, #tpu.memory_space<vmem>>
        %dma_wait3A_233 = arith.constant 0 : i32
        %dma_wait3A_234 = tpu.memref_slice %arg2[%mul3A_219, %dma_wait3A_233] : memref<100000x512xf32, #tpu.memory_space<hbm>> -> memref<32x512xf32, #tpu.memory_space<hbm>>
        tpu.wait_dma2 semaphore(%dma_wait3A_228 : memref<!tpu.dma_semaphore, #tpu.memory_space<semaphore_mem>>) src(%dma_wait3A_234 : memref<32x512xf32, #tpu.memory_space<hbm>>) dst(%dma_wait3A_232 : memref<32x512xf32, #tpu.memory_space<vmem>>)
        %dma_wait3A_235 = arith.constant 0 : i32
        %dma_wait3A_236 = arith.constant 0 : i32
        %dma_wait3A_237 = arith.constant 0 : i32
        %dma_wait3A_238 = arith.constant 0 : i32
        %dma_wait3A_239 = tpu.memref_slice %arg6[%dma_wait3A_235, %dma_wait3A_237, %dma_wait3A_238] : memref<3x32x512xi8, #tpu.memory_space<vmem>> -> memref<1x32x512xi8, #tpu.memory_space<vmem>>
        %dma_wait3A_240 = tpu.memref_squeeze %dma_wait3A_239 : memref<1x32x512xi8, #tpu.memory_space<vmem>> -> memref<32x512xi8, #tpu.memory_space<vmem>>
        %dma_wait3A_241 = arith.constant 0 : i32
        %dma_wait3A_242 = tpu.memref_slice %arg3[%mul3A_219, %dma_wait3A_241] : memref<100000x512xi8, #tpu.memory_space<hbm>> -> memref<32x512xi8, #tpu.memory_space<hbm>>
        %dma_wait3A_243 = tpu.memref_slice %arg9[%dma_wait3A_236] : memref<3x!tpu.dma_semaphore, #tpu.memory_space<semaphore_mem>> -> memref<1x!tpu.dma_semaphore, #tpu.memory_space<semaphore_mem>>
        %dma_wait3A_244 = tpu.memref_squeeze %dma_wait3A_243 : memref<1x!tpu.dma_semaphore, #tpu.memory_space<semaphore_mem>> -> memref<!tpu.dma_semaphore, #tpu.memory_space<semaphore_mem>>
        %dma_wait3A_245 = arith.constant 0 : i32
        %dma_wait3A_246 = arith.constant 0 : i32
        %dma_wait3A_247 = tpu.memref_slice %arg6[%dma_wait3A_235, %dma_wait3A_245, %dma_wait3A_246] : memref<3x32x512xi8, #tpu.memory_space<vmem>> -> memref<1x32x512xi8, #tpu.memory_space<vmem>>
        %dma_wait3A_248 = tpu.memref_squeeze %dma_wait3A_247 : memref<1x32x512xi8, #tpu.memory_space<vmem>> -> memref<32x512xi8, #tpu.memory_space<vmem>>
        %dma_wait3A_249 = arith.constant 0 : i32
        %dma_wait3A_250 = tpu.memref_slice %arg3[%mul3A_219, %dma_wait3A_249] : memref<100000x512xi8, #tpu.memory_space<hbm>> -> memref<32x512xi8, #tpu.memory_space<hbm>>
        tpu.wait_dma2 semaphore(%dma_wait3A_244 : memref<!tpu.dma_semaphore, #tpu.memory_space<semaphore_mem>>) src(%dma_wait3A_250 : memref<32x512xi8, #tpu.memory_space<hbm>>) dst(%dma_wait3A_248 : memref<32x512xi8, #tpu.memory_space<vmem>>)
      } else {
      }
      %mul3A_43 = arith.constant 32 : i32
      %mul3A_44 = arith.muli %add3A_34, %mul3A_43 : i32
      %add3A_45 = arith.addi %mul3A_44, %add3A : i32
      %lt3A_46 = arith.constant 3125 : i32
      %lt3A_47 = arith.cmpi slt, %add3A_45, %lt3A_46 : i32
      %convert_element_type3A_48 = arith.extui %lt3A_47 : i1 to i32
      %cond3A_49 = arith.constant 0 : i32
      %cond3A_50 = arith.cmpi ne, %convert_element_type3A_48, %cond3A_49 : i32
      scf.if %cond3A_50 {
        %parallel_loop3A = arith.constant 0 : i32
        %parallel_loop3A_218 = arith.constant 256 : i32
        %parallel_loop3A_219 = arith.constant 1 : i32
        %parallel_loop3A_220 = arith.constant 0 : i32
        %parallel_loop3A_221 = arith.constant 0 : i32
        %parallel_loop3A_222 = arith.constant 0 : i32
        scf.for %parallel_loop3A_223 = %parallel_loop3A to %parallel_loop3A_218 step %parallel_loop3A_219  : i32 {
          %parallel_loop3A_224 = arith.constant 32 : i32
          %parallel_loop3A_225 = arith.divsi %parallel_loop3A_223, %parallel_loop3A_224 : i32
          %parallel_loop3A_226 = arith.constant 0 : i32
          %parallel_loop3A_227 = arith.cmpi sgt, %parallel_loop3A_223, %parallel_loop3A_226 : i32
          %parallel_loop3A_228 = arith.extui %parallel_loop3A_227 : i1 to i32
          %parallel_loop3A_229 = arith.constant 0 : i32
          %parallel_loop3A_230 = arith.cmpi slt, %parallel_loop3A_223, %parallel_loop3A_229 : i32
          %parallel_loop3A_231 = arith.extui %parallel_loop3A_230 : i1 to i32
          %parallel_loop3A_232 = arith.subi %parallel_loop3A_228, %parallel_loop3A_231 : i32
          %parallel_loop3A_233 = arith.constant 0 : i32
          %parallel_loop3A_234 = arith.cmpi sgt, %parallel_loop3A_224, %parallel_loop3A_233 : i32
          %parallel_loop3A_235 = arith.extui %parallel_loop3A_234 : i1 to i32
          %parallel_loop3A_236 = arith.constant 0 : i32
          %parallel_loop3A_237 = arith.cmpi slt, %parallel_loop3A_224, %parallel_loop3A_236 : i32
          %parallel_loop3A_238 = arith.extui %parallel_loop3A_237 : i1 to i32
          %parallel_loop3A_239 = arith.subi %parallel_loop3A_235, %parallel_loop3A_238 : i32
          %parallel_loop3A_240 = arith.cmpi ne, %parallel_loop3A_232, %parallel_loop3A_239 : i32
          %parallel_loop3A_241 = arith.remsi %parallel_loop3A_223, %parallel_loop3A_224 : i32
          %parallel_loop3A_242 = arith.constant 0 : i32
          %parallel_loop3A_243 = arith.cmpi ne, %parallel_loop3A_241, %parallel_loop3A_242 : i32
          %parallel_loop3A_244 = arith.andi %parallel_loop3A_240, %parallel_loop3A_243 : i1
          %parallel_loop3A_245 = arith.constant 1 : i32
          %parallel_loop3A_246 = arith.subi %parallel_loop3A_225, %parallel_loop3A_245 : i32
          %parallel_loop3A_247 = arith.select %parallel_loop3A_244, %parallel_loop3A_246, %parallel_loop3A_225 : i32
          %parallel_loop3A_248 = arith.constant 32 : i32
          %parallel_loop3A_249 = arith.constant 0 : i32
          %parallel_loop3A_250 = arith.cmpi eq, %parallel_loop3A_248, %parallel_loop3A_249 : i32
          %parallel_loop3A_251 = arith.constant 1 : i32
          %parallel_loop3A_252 = arith.select %parallel_loop3A_250, %parallel_loop3A_251, %parallel_loop3A_248 : i32
          %parallel_loop3A_253 = arith.remsi %parallel_loop3A_223, %parallel_loop3A_252 : i32
          %parallel_loop3A_254 = arith.constant 0 : i32
          %parallel_loop3A_255 = arith.cmpi ne, %parallel_loop3A_253, %parallel_loop3A_254 : i32
          %parallel_loop3A_256 = arith.constant 0 : i32
          %parallel_loop3A_257 = arith.cmpi slt, %parallel_loop3A_253, %parallel_loop3A_256 : i32
          %parallel_loop3A_258 = arith.constant 0 : i32
          %parallel_loop3A_259 = arith.cmpi slt, %parallel_loop3A_252, %parallel_loop3A_258 : i32
          %parallel_loop3A_260 = arith.xori %parallel_loop3A_257, %parallel_loop3A_259 : i1
          %parallel_loop3A_261 = arith.andi %parallel_loop3A_260, %parallel_loop3A_255 : i1
          %parallel_loop3A_262 = arith.addi %parallel_loop3A_253, %parallel_loop3A_252 : i32
          %parallel_loop3A_263 = arith.select %parallel_loop3A_261, %parallel_loop3A_262, %parallel_loop3A_253 : i32
          %parallel_loop3A_264 = arith.constant 16 : i32
          %parallel_loop3A_265 = arith.muli %parallel_loop3A_263, %parallel_loop3A_264 : i32
          %parallel_loop3A_266 = arith.constant 0 : i32
          %parallel_loop3A_267 = arith.constant 0 : i32
          %parallel_loop3A_268 = tpu.memref_slice %arg6[%parallel_loop3A_220, %parallel_loop3A_266, %parallel_loop3A_267] : memref<3x32x512xi8, #tpu.memory_space<vmem>> -> memref<1x32x512xi8, #tpu.memory_space<vmem>>
          %parallel_loop3A_269 = tpu.memref_squeeze %parallel_loop3A_268 : memref<1x32x512xi8, #tpu.memory_space<vmem>> -> memref<32x512xi8, #tpu.memory_space<vmem>>
          %parallel_loop3A_270 = tpu.memref_bitcast %parallel_loop3A_269 : memref<32x512xi8, #tpu.memory_space<vmem>> -> memref<8x512xi32, #tpu.memory_space<vmem>>
          %parallel_loop3A_271 = arith.index_cast %parallel_loop3A_247 : i32 to index
          %parallel_loop3A_272 = arith.index_cast %parallel_loop3A_265 : i32 to index
          %parallel_loop3A_273 = tpu.vector_load %parallel_loop3A_270[%parallel_loop3A_271, %parallel_loop3A_272] {strides = array<i32>} : memref<8x512xi32, #tpu.memory_space<vmem>>, vector<1x16xi32>,
          %parallel_loop3A_274 = vector.shape_cast %parallel_loop3A_273 : vector<1x16xi32> to vector<16xi32>
          %parallel_loop3A_275 = arith.constant 4 : i32
          %parallel_loop3A_276 = arith.muli %parallel_loop3A_247, %parallel_loop3A_275 : i32
          %parallel_loop3A_277 = arith.constant 0 : i32
          %parallel_loop3A_278 = arith.addi %parallel_loop3A_276, %parallel_loop3A_277 : i32
          %parallel_loop3A_279 = arith.constant 0 : i32
          %parallel_loop3A_280 = arith.constant 0 : i32
          %parallel_loop3A_281 = tpu.memref_slice %arg5[%parallel_loop3A_221, %parallel_loop3A_279, %parallel_loop3A_280] : memref<3x32x512xf32, #tpu.memory_space<vmem>> -> memref<1x32x512xf32, #tpu.memory_space<vmem>>
          %parallel_loop3A_282 = tpu.memref_squeeze %parallel_loop3A_281 : memref<1x32x512xf32, #tpu.memory_space<vmem>> -> memref<32x512xf32, #tpu.memory_space<vmem>>
          %parallel_loop3A_283 = arith.index_cast %parallel_loop3A_278 : i32 to index
          %parallel_loop3A_284 = arith.index_cast %parallel_loop3A_265 : i32 to index
          %parallel_loop3A_285 = tpu.vector_load %parallel_loop3A_282[%parallel_loop3A_283, %parallel_loop3A_284] {strides = array<i32>} : memref<32x512xf32, #tpu.memory_space<vmem>>, vector<1x16xf32>,
          %parallel_loop3A_286 = vector.shape_cast %parallel_loop3A_285 : vector<1x16xf32> to vector<16xf32>
          %parallel_loop3A_287 = arith.constant 31 : i32
          %parallel_loop3A_288 = vector.broadcast %parallel_loop3A_287 : i32 to vector<16xi32>
          %parallel_loop3A_289 = arith.shli %parallel_loop3A_274, %parallel_loop3A_288 : vector<16xi32>
          %parallel_loop3A_290 = arith.constant 0 : i32
          %parallel_loop3A_291 = vector.broadcast %parallel_loop3A_290 : i32 to vector<16xi32>
          %parallel_loop3A_292 = arith.cmpi slt, %parallel_loop3A_289, %parallel_loop3A_291 : vector<16xi32>
          %parallel_loop3A_293 = arith.constant 5.000000e-01 : f32
          %parallel_loop3A_294 = vector.broadcast %parallel_loop3A_293 : f32 to vector<16xf32>
          %parallel_loop3A_295 = arith.cmpf ogt, %parallel_loop3A_286, %parallel_loop3A_294 : vector<16xf32>
          %parallel_loop3A_296 = arith.constant 1.000000e+00 : f32
          %parallel_loop3A_297 = arith.constant 0.000000e+00 : f32
          %parallel_loop3A_298 = vector.broadcast %parallel_loop3A_296 : f32 to vector<16xf32>
          %parallel_loop3A_299 = vector.broadcast %parallel_loop3A_297 : f32 to vector<16xf32>
          %parallel_loop3A_300 = arith.select %parallel_loop3A_295, %parallel_loop3A_298, %parallel_loop3A_299 : vector<16xi1>, vector<16xf32>
          %parallel_loop3A_301 = arith.select %parallel_loop3A_292, %parallel_loop3A_300, %parallel_loop3A_286 : vector<16xi1>, vector<16xf32>
          %parallel_loop3A_302 = arith.constant 4 : i32
          %parallel_loop3A_303 = arith.muli %parallel_loop3A_247, %parallel_loop3A_302 : i32
          %parallel_loop3A_304 = arith.constant 0 : i32
          %parallel_loop3A_305 = arith.addi %parallel_loop3A_303, %parallel_loop3A_304 : i32
          %parallel_loop3A_306 = arith.constant 0 : i32
          %parallel_loop3A_307 = arith.constant 0 : i32
          %parallel_loop3A_308 = tpu.memref_slice %arg7[%parallel_loop3A_222, %parallel_loop3A_306, %parallel_loop3A_307] : memref<3x32x512xf32, #tpu.memory_space<vmem>> -> memref<1x32x512xf32, #tpu.memory_space<vmem>>
          %parallel_loop3A_309 = tpu.memref_squeeze %parallel_loop3A_308 : memref<1x32x512xf32, #tpu.memory_space<vmem>> -> memref<32x512xf32, #tpu.memory_space<vmem>>
          %parallel_loop3A_310 = arith.index_cast %parallel_loop3A_305 : i32 to index
          %parallel_loop3A_311 = arith.index_cast %parallel_loop3A_265 : i32 to index
          %parallel_loop3A_312 = tpu.vector_load %parallel_loop3A_309[%parallel_loop3A_310, %parallel_loop3A_311] {strides = array<i32>} : memref<32x512xf32, #tpu.memory_space<vmem>>, vector<1x16xf32>,
          %parallel_loop3A_313 = vector.shape_cast %parallel_loop3A_312 : vector<1x16xf32> to vector<16xf32>
          %parallel_loop3A_314 = vector.shape_cast %parallel_loop3A_301 : vector<16xf32> to vector<1x16xf32>
          tpu.vector_store %parallel_loop3A_309[%parallel_loop3A_310, %parallel_loop3A_311], %parallel_loop3A_314 {strides = array<i32>} : memref<32x512xf32, #tpu.memory_space<vmem>>, vector<1x16xf32>,
          %parallel_loop3A_315 = arith.constant 4 : i32
          %parallel_loop3A_316 = arith.muli %parallel_loop3A_247, %parallel_loop3A_315 : i32
          %parallel_loop3A_317 = arith.constant 1 : i32
          %parallel_loop3A_318 = arith.addi %parallel_loop3A_316, %parallel_loop3A_317 : i32
          %parallel_loop3A_319 = arith.constant 0 : i32
          %parallel_loop3A_320 = arith.constant 0 : i32
          %parallel_loop3A_321 = tpu.memref_slice %arg5[%parallel_loop3A_221, %parallel_loop3A_319, %parallel_loop3A_320] : memref<3x32x512xf32, #tpu.memory_space<vmem>> -> memref<1x32x512xf32, #tpu.memory_space<vmem>>
          %parallel_loop3A_322 = tpu.memref_squeeze %parallel_loop3A_321 : memref<1x32x512xf32, #tpu.memory_space<vmem>> -> memref<32x512xf32, #tpu.memory_space<vmem>>
          %parallel_loop3A_323 = arith.index_cast %parallel_loop3A_318 : i32 to index
          %parallel_loop3A_324 = arith.index_cast %parallel_loop3A_265 : i32 to index
          %parallel_loop3A_325 = tpu.vector_load %parallel_loop3A_322[%parallel_loop3A_323, %parallel_loop3A_324] {strides = array<i32>} : memref<32x512xf32, #tpu.memory_space<vmem>>, vector<1x16xf32>,
          %parallel_loop3A_326 = vector.shape_cast %parallel_loop3A_325 : vector<1x16xf32> to vector<16xf32>
          %parallel_loop3A_327 = arith.constant 23 : i32
          %parallel_loop3A_328 = vector.broadcast %parallel_loop3A_327 : i32 to vector<16xi32>
          %parallel_loop3A_329 = arith.shli %parallel_loop3A_274, %parallel_loop3A_328 : vector<16xi32>
          %parallel_loop3A_330 = arith.constant 0 : i32
          %parallel_loop3A_331 = vector.broadcast %parallel_loop3A_330 : i32 to vector<16xi32>
          %parallel_loop3A_332 = arith.cmpi slt, %parallel_loop3A_329, %parallel_loop3A_331 : vector<16xi32>
          %parallel_loop3A_333 = arith.constant 5.000000e-01 : f32
          %parallel_loop3A_334 = vector.broadcast %parallel_loop3A_333 : f32 to vector<16xf32>
          %parallel_loop3A_335 = arith.cmpf ogt, %parallel_loop3A_326, %parallel_loop3A_334 : vector<16xf32>
          %parallel_loop3A_336 = arith.constant 1.000000e+00 : f32
          %parallel_loop3A_337 = arith.constant 0.000000e+00 : f32
          %parallel_loop3A_338 = vector.broadcast %parallel_loop3A_336 : f32 to vector<16xf32>
          %parallel_loop3A_339 = vector.broadcast %parallel_loop3A_337 : f32 to vector<16xf32>
          %parallel_loop3A_340 = arith.select %parallel_loop3A_335, %parallel_loop3A_338, %parallel_loop3A_339 : vector<16xi1>, vector<16xf32>
          %parallel_loop3A_341 = arith.select %parallel_loop3A_332, %parallel_loop3A_340, %parallel_loop3A_326 : vector<16xi1>, vector<16xf32>
          %parallel_loop3A_342 = arith.constant 4 : i32
          %parallel_loop3A_343 = arith.muli %parallel_loop3A_247, %parallel_loop3A_342 : i32
          %parallel_loop3A_344 = arith.constant 1 : i32
          %parallel_loop3A_345 = arith.addi %parallel_loop3A_343, %parallel_loop3A_344 : i32
          %parallel_loop3A_346 = arith.constant 0 : i32
          %parallel_loop3A_347 = arith.constant 0 : i32
          %parallel_loop3A_348 = tpu.memref_slice %arg7[%parallel_loop3A_222, %parallel_loop3A_346, %parallel_loop3A_347] : memref<3x32x512xf32, #tpu.memory_space<vmem>> -> memref<1x32x512xf32, #tpu.memory_space<vmem>>
          %parallel_loop3A_349 = tpu.memref_squeeze %parallel_loop3A_348 : memref<1x32x512xf32, #tpu.memory_space<vmem>> -> memref<32x512xf32, #tpu.memory_space<vmem>>
          %parallel_loop3A_350 = arith.index_cast %parallel_loop3A_345 : i32 to index
          %parallel_loop3A_351 = arith.index_cast %parallel_loop3A_265 : i32 to index
          %parallel_loop3A_352 = tpu.vector_load %parallel_loop3A_349[%parallel_loop3A_350, %parallel_loop3A_351] {strides = array<i32>} : memref<32x512xf32, #tpu.memory_space<vmem>>, vector<1x16xf32>,
          %parallel_loop3A_353 = vector.shape_cast %parallel_loop3A_352 : vector<1x16xf32> to vector<16xf32>
          %parallel_loop3A_354 = vector.shape_cast %parallel_loop3A_341 : vector<16xf32> to vector<1x16xf32>
          tpu.vector_store %parallel_loop3A_349[%parallel_loop3A_350, %parallel_loop3A_351], %parallel_loop3A_354 {strides = array<i32>} : memref<32x512xf32, #tpu.memory_space<vmem>>, vector<1x16xf32>,
          %parallel_loop3A_355 = arith.constant 4 : i32
          %parallel_loop3A_356 = arith.muli %parallel_loop3A_247, %parallel_loop3A_355 : i32
          %parallel_loop3A_357 = arith.constant 2 : i32
          %parallel_loop3A_358 = arith.addi %parallel_loop3A_356, %parallel_loop3A_357 : i32
          %parallel_loop3A_359 = arith.constant 0 : i32
          %parallel_loop3A_360 = arith.constant 0 : i32
          %parallel_loop3A_361 = tpu.memref_slice %arg5[%parallel_loop3A_221, %parallel_loop3A_359, %parallel_loop3A_360] : memref<3x32x512xf32, #tpu.memory_space<vmem>> -> memref<1x32x512xf32, #tpu.memory_space<vmem>>
          %parallel_loop3A_362 = tpu.memref_squeeze %parallel_loop3A_361 : memref<1x32x512xf32, #tpu.memory_space<vmem>> -> memref<32x512xf32, #tpu.memory_space<vmem>>
          %parallel_loop3A_363 = arith.index_cast %parallel_loop3A_358 : i32 to index
          %parallel_loop3A_364 = arith.index_cast %parallel_loop3A_265 : i32 to index
          %parallel_loop3A_365 = tpu.vector_load %parallel_loop3A_362[%parallel_loop3A_363, %parallel_loop3A_364] {strides = array<i32>} : memref<32x512xf32, #tpu.memory_space<vmem>>, vector<1x16xf32>,
          %parallel_loop3A_366 = vector.shape_cast %parallel_loop3A_365 : vector<1x16xf32> to vector<16xf32>
          %parallel_loop3A_367 = arith.constant 15 : i32
          %parallel_loop3A_368 = vector.broadcast %parallel_loop3A_367 : i32 to vector<16xi32>
          %parallel_loop3A_369 = arith.shli %parallel_loop3A_274, %parallel_loop3A_368 : vector<16xi32>
          %parallel_loop3A_370 = arith.constant 0 : i32
          %parallel_loop3A_371 = vector.broadcast %parallel_loop3A_370 : i32 to vector<16xi32>
          %parallel_loop3A_372 = arith.cmpi slt, %parallel_loop3A_369, %parallel_loop3A_371 : vector<16xi32>
          %parallel_loop3A_373 = arith.constant 5.000000e-01 : f32
          %parallel_loop3A_374 = vector.broadcast %parallel_loop3A_373 : f32 to vector<16xf32>
          %parallel_loop3A_375 = arith.cmpf ogt, %parallel_loop3A_366, %parallel_loop3A_374 : vector<16xf32>
          %parallel_loop3A_376 = arith.constant 1.000000e+00 : f32
          %parallel_loop3A_377 = arith.constant 0.000000e+00 : f32
          %parallel_loop3A_378 = vector.broadcast %parallel_loop3A_376 : f32 to vector<16xf32>
          %parallel_loop3A_379 = vector.broadcast %parallel_loop3A_377 : f32 to vector<16xf32>
          %parallel_loop3A_380 = arith.select %parallel_loop3A_375, %parallel_loop3A_378, %parallel_loop3A_379 : vector<16xi1>, vector<16xf32>
          %parallel_loop3A_381 = arith.select %parallel_loop3A_372, %parallel_loop3A_380, %parallel_loop3A_366 : vector<16xi1>, vector<16xf32>
          %parallel_loop3A_382 = arith.constant 4 : i32
          %parallel_loop3A_383 = arith.muli %parallel_loop3A_247, %parallel_loop3A_382 : i32
          %parallel_loop3A_384 = arith.constant 2 : i32
          %parallel_loop3A_385 = arith.addi %parallel_loop3A_383, %parallel_loop3A_384 : i32
          %parallel_loop3A_386 = arith.constant 0 : i32
          %parallel_loop3A_387 = arith.constant 0 : i32
          %parallel_loop3A_388 = tpu.memref_slice %arg7[%parallel_loop3A_222, %parallel_loop3A_386, %parallel_loop3A_387] : memref<3x32x512xf32, #tpu.memory_space<vmem>> -> memref<1x32x512xf32, #tpu.memory_space<vmem>>
          %parallel_loop3A_389 = tpu.memref_squeeze %parallel_loop3A_388 : memref<1x32x512xf32, #tpu.memory_space<vmem>> -> memref<32x512xf32, #tpu.memory_space<vmem>>
          %parallel_loop3A_390 = arith.index_cast %parallel_loop3A_385 : i32 to index
          %parallel_loop3A_391 = arith.index_cast %parallel_loop3A_265 : i32 to index
          %parallel_loop3A_392 = tpu.vector_load %parallel_loop3A_389[%parallel_loop3A_390, %parallel_loop3A_391] {strides = array<i32>} : memref<32x512xf32, #tpu.memory_space<vmem>>, vector<1x16xf32>,
          %parallel_loop3A_393 = vector.shape_cast %parallel_loop3A_392 : vector<1x16xf32> to vector<16xf32>
          %parallel_loop3A_394 = vector.shape_cast %parallel_loop3A_381 : vector<16xf32> to vector<1x16xf32>
          tpu.vector_store %parallel_loop3A_389[%parallel_loop3A_390, %parallel_loop3A_391], %parallel_loop3A_394 {strides = array<i32>} : memref<32x512xf32, #tpu.memory_space<vmem>>, vector<1x16xf32>,
          %parallel_loop3A_395 = arith.constant 4 : i32
          %parallel_loop3A_396 = arith.muli %parallel_loop3A_247, %parallel_loop3A_395 : i32
          %parallel_loop3A_397 = arith.constant 3 : i32
          %parallel_loop3A_398 = arith.addi %parallel_loop3A_396, %parallel_loop3A_397 : i32
          %parallel_loop3A_399 = arith.constant 0 : i32
          %parallel_loop3A_400 = arith.constant 0 : i32
          %parallel_loop3A_401 = tpu.memref_slice %arg5[%parallel_loop3A_221, %parallel_loop3A_399, %parallel_loop3A_400] : memref<3x32x512xf32, #tpu.memory_space<vmem>> -> memref<1x32x512xf32, #tpu.memory_space<vmem>>
          %parallel_loop3A_402 = tpu.memref_squeeze %parallel_loop3A_401 : memref<1x32x512xf32, #tpu.memory_space<vmem>> -> memref<32x512xf32, #tpu.memory_space<vmem>>
          %parallel_loop3A_403 = arith.index_cast %parallel_loop3A_398 : i32 to index
          %parallel_loop3A_404 = arith.index_cast %parallel_loop3A_265 : i32 to index
          %parallel_loop3A_405 = tpu.vector_load %parallel_loop3A_402[%parallel_loop3A_403, %parallel_loop3A_404] {strides = array<i32>} : memref<32x512xf32, #tpu.memory_space<vmem>>, vector<1x16xf32>,
          %parallel_loop3A_406 = vector.shape_cast %parallel_loop3A_405 : vector<1x16xf32> to vector<16xf32>
          %parallel_loop3A_407 = arith.constant 7 : i32
          %parallel_loop3A_408 = vector.broadcast %parallel_loop3A_407 : i32 to vector<16xi32>
          %parallel_loop3A_409 = arith.shli %parallel_loop3A_274, %parallel_loop3A_408 : vector<16xi32>
          %parallel_loop3A_410 = arith.constant 0 : i32
          %parallel_loop3A_411 = vector.broadcast %parallel_loop3A_410 : i32 to vector<16xi32>
          %parallel_loop3A_412 = arith.cmpi slt, %parallel_loop3A_409, %parallel_loop3A_411 : vector<16xi32>
          %parallel_loop3A_413 = arith.constant 5.000000e-01 : f32
          %parallel_loop3A_414 = vector.broadcast %parallel_loop3A_413 : f32 to vector<16xf32>
          %parallel_loop3A_415 = arith.cmpf ogt, %parallel_loop3A_406, %parallel_loop3A_414 : vector<16xf32>
          %parallel_loop3A_416 = arith.constant 1.000000e+00 : f32
          %parallel_loop3A_417 = arith.constant 0.000000e+00 : f32
          %parallel_loop3A_418 = vector.broadcast %parallel_loop3A_416 : f32 to vector<16xf32>
          %parallel_loop3A_419 = vector.broadcast %parallel_loop3A_417 : f32 to vector<16xf32>
          %parallel_loop3A_420 = arith.select %parallel_loop3A_415, %parallel_loop3A_418, %parallel_loop3A_419 : vector<16xi1>, vector<16xf32>
          %parallel_loop3A_421 = arith.select %parallel_loop3A_412, %parallel_loop3A_420, %parallel_loop3A_406 : vector<16xi1>, vector<16xf32>
          %parallel_loop3A_422 = arith.constant 4 : i32
          %parallel_loop3A_423 = arith.muli %parallel_loop3A_247, %parallel_loop3A_422 : i32
          %parallel_loop3A_424 = arith.constant 3 : i32
          %parallel_loop3A_425 = arith.addi %parallel_loop3A_423, %parallel_loop3A_424 : i32
          %parallel_loop3A_426 = arith.constant 0 : i32
          %parallel_loop3A_427 = arith.constant 0 : i32
          %parallel_loop3A_428 = tpu.memref_slice %arg7[%parallel_loop3A_222, %parallel_loop3A_426, %parallel_loop3A_427] : memref<3x32x512xf32, #tpu.memory_space<vmem>> -> memref<1x32x512xf32, #tpu.memory_space<vmem>>
          %parallel_loop3A_429 = tpu.memref_squeeze %parallel_loop3A_428 : memref<1x32x512xf32, #tpu.memory_space<vmem>> -> memref<32x512xf32, #tpu.memory_space<vmem>>
          %parallel_loop3A_430 = arith.index_cast %parallel_loop3A_425 : i32 to index
          %parallel_loop3A_431 = arith.index_cast %parallel_loop3A_265 : i32 to index
          %parallel_loop3A_432 = tpu.vector_load %parallel_loop3A_429[%parallel_loop3A_430, %parallel_loop3A_431] {strides = array<i32>} : memref<32x512xf32, #tpu.memory_space<vmem>>, vector<1x16xf32>,
          %parallel_loop3A_433 = vector.shape_cast %parallel_loop3A_432 : vector<1x16xf32> to vector<16xf32>
          %parallel_loop3A_434 = vector.shape_cast %parallel_loop3A_421 : vector<16xf32> to vector<1x16xf32>
          tpu.vector_store %parallel_loop3A_429[%parallel_loop3A_430, %parallel_loop3A_431], %parallel_loop3A_434 {strides = array<i32>} : memref<32x512xf32, #tpu.memory_space<vmem>>, vector<1x16xf32>,
        } {sc.loop_unroll_factor = 3 : i64, sc.parallel_access}
      } else {
      }
      %mul3A_51 = arith.constant 32 : i32
      %mul3A_52 = arith.muli %add3A_34, %mul3A_51 : i32
      %add3A_53 = arith.addi %mul3A_52, %add3A : i32
      %lt3A_54 = arith.constant 3125 : i32
      %lt3A_55 = arith.cmpi slt, %add3A_53, %lt3A_54 : i32
      %convert_element_type3A_56 = arith.extui %lt3A_55 : i1 to i32
      %cond3A_57 = arith.constant 0 : i32
      %cond3A_58 = arith.cmpi ne, %convert_element_type3A_56, %cond3A_57 : i32
      scf.if %cond3A_58 {
        %mul3A_218 = arith.constant 32 : i32
        %mul3A_219 = arith.muli %add3A_53, %mul3A_218 : i32
        %dma_start3A = arith.constant 0 : i32
        %dma_start3A_220 = arith.constant 0 : i32
        %dma_start3A_221 = arith.constant 0 : i32
        %dma_start3A_222 = arith.constant 0 : i32
        %dma_start3A_223 = tpu.memref_slice %arg7[%dma_start3A, %dma_start3A_221, %dma_start3A_222] : memref<3x32x512xf32, #tpu.memory_space<vmem>> -> memref<1x32x512xf32, #tpu.memory_space<vmem>>
        %dma_start3A_224 = tpu.memref_squeeze %dma_start3A_223 : memref<1x32x512xf32, #tpu.memory_space<vmem>> -> memref<32x512xf32, #tpu.memory_space<vmem>>
        %dma_start3A_225 = arith.constant 0 : i32
        %dma_start3A_226 = tpu.memref_slice %arg4[%mul3A_219, %dma_start3A_225] : memref<100000x512xf32, #tpu.memory_space<hbm>> -> memref<32x512xf32, #tpu.memory_space<hbm>>
        %dma_start3A_227 = tpu.memref_slice %arg10[%dma_start3A_220] : memref<3x!tpu.dma_semaphore, #tpu.memory_space<semaphore_mem>> -> memref<1x!tpu.dma_semaphore, #tpu.memory_space<semaphore_mem>>
        %dma_start3A_228 = tpu.memref_squeeze %dma_start3A_227 : memref<1x!tpu.dma_semaphore, #tpu.memory_space<semaphore_mem>> -> memref<!tpu.dma_semaphore, #tpu.memory_space<semaphore_mem>>
        %dma_start3A_229 = arith.constant 0 : i32
        %dma_start3A_230 = tpu.memref_slice %arg4[%mul3A_219, %dma_start3A_229] : memref<100000x512xf32, #tpu.memory_space<hbm>> -> memref<32x512xf32, #tpu.memory_space<hbm>>
        %dma_start3A_231 = arith.constant 0 : i32
        %dma_start3A_232 = arith.constant 0 : i32
        %dma_start3A_233 = tpu.memref_slice %arg7[%dma_start3A, %dma_start3A_231, %dma_start3A_232] : memref<3x32x512xf32, #tpu.memory_space<vmem>> -> memref<1x32x512xf32, #tpu.memory_space<vmem>>
        %dma_start3A_234 = tpu.memref_squeeze %dma_start3A_233 : memref<1x32x512xf32, #tpu.memory_space<vmem>> -> memref<32x512xf32, #tpu.memory_space<vmem>>
        tpu.enqueue_dma source(%dma_start3A_234 : memref<32x512xf32, #tpu.memory_space<vmem>>) target(%dma_start3A_230 : memref<32x512xf32, #tpu.memory_space<hbm>>) target_semaphore(%dma_start3A_228 : memref<!tpu.dma_semaphore, #tpu.memory_space<semaphore_mem>>)
      } else {
      }
      %ge3A = arith.constant 2 : i32
      %ge3A_59 = arith.cmpi sge, %add3A_34, %ge3A : i32
      %convert_element_type3A_60 = arith.extui %ge3A_59 : i1 to i32
      %cond3A_61 = arith.constant 0 : i32
      %cond3A_62 = arith.cmpi ne, %convert_element_type3A_60, %cond3A_61 : i32
      scf.if %cond3A_62 {
        %sub3A_218 = arith.constant 2 : i32
        %sub3A_219 = arith.subi %add3A_34, %sub3A_218 : i32
        %add3A_220 = arith.constant 1 : i32
        %add3A_221 = arith.addi %add3A_34, %add3A_220 : i32
        %jit3A_222 = arith.constant 3 : i32
        %eq3A_223 = arith.constant 0 : i32
        %eq3A_224 = arith.cmpi eq, %jit3A_222, %eq3A_223 : i32
        %jit3A_225 = arith.constant 1 : i32
        %select_n3A_226 = arith.select %eq3A_224, %jit3A_225, %jit3A_222 : i32
        %rem3A_227 = arith.remsi %add3A_221, %select_n3A_226 : i32
        %ne3A_228 = arith.constant 0 : i32
        %ne3A_229 = arith.cmpi ne, %rem3A_227, %ne3A_228 : i32
        %lt3A_230 = arith.constant 0 : i32
        %lt3A_231 = arith.cmpi slt, %rem3A_227, %lt3A_230 : i32
        %lt3A_232 = arith.constant 0 : i32
        %lt3A_233 = arith.cmpi slt, %select_n3A_226, %lt3A_232 : i32
        %ne3A_234 = arith.xori %lt3A_231, %lt3A_233 : i1
        %and3A_235 = arith.andi %ne3A_234, %ne3A_229 : i1
        %add3A_236 = arith.addi %rem3A_227, %select_n3A_226 : i32
        %select_n3A_237 = arith.select %and3A_235, %add3A_236, %rem3A_227 : i32
        %mul3A_238 = arith.constant 32 : i32
        %mul3A_239 = arith.muli %sub3A_219, %mul3A_238 : i32
        %add3A_240 = arith.addi %mul3A_239, %add3A : i32
        %lt3A_241 = arith.constant 3125 : i32
        %lt3A_242 = arith.cmpi slt, %add3A_240, %lt3A_241 : i32
        %convert_element_type3A_243 = arith.extui %lt3A_242 : i1 to i32
        %cond3A_244 = arith.constant 0 : i32
        %cond3A_245 = arith.cmpi ne, %convert_element_type3A_243, %cond3A_244 : i32
        scf.if %cond3A_245 {
          %mul3A_246 = arith.constant 32 : i32
          %mul3A_247 = arith.muli %add3A_240, %mul3A_246 : i32
          %dma_wait3A = arith.constant 0 : i32
          %dma_wait3A_248 = arith.constant 0 : i32
          %dma_wait3A_249 = tpu.memref_slice %arg7[%select_n3A_237, %dma_wait3A, %dma_wait3A_248] : memref<3x32x512xf32, #tpu.memory_space<vmem>> -> memref<1x32x512xf32, #tpu.memory_space<vmem>>
          %dma_wait3A_250 = tpu.memref_squeeze %dma_wait3A_249 : memref<1x32x512xf32, #tpu.memory_space<vmem>> -> memref<32x512xf32, #tpu.memory_space<vmem>>
          %dma_wait3A_251 = arith.constant 0 : i32
          %dma_wait3A_252 = tpu.memref_slice %arg4[%mul3A_247, %dma_wait3A_251] : memref<100000x512xf32, #tpu.memory_space<hbm>> -> memref<32x512xf32, #tpu.memory_space<hbm>>
          %dma_wait3A_253 = tpu.memref_slice %arg10[%select_n3A_237] : memref<3x!tpu.dma_semaphore, #tpu.memory_space<semaphore_mem>> -> memref<1x!tpu.dma_semaphore, #tpu.memory_space<semaphore_mem>>
          %dma_wait3A_254 = tpu.memref_squeeze %dma_wait3A_253 : memref<1x!tpu.dma_semaphore, #tpu.memory_space<semaphore_mem>> -> memref<!tpu.dma_semaphore, #tpu.memory_space<semaphore_mem>>
          %dma_wait3A_255 = arith.constant 0 : i32
          %dma_wait3A_256 = tpu.memref_slice %arg4[%mul3A_247, %dma_wait3A_255] : memref<100000x512xf32, #tpu.memory_space<hbm>> -> memref<32x512xf32, #tpu.memory_space<hbm>>
          %dma_wait3A_257 = arith.constant 0 : i32
          %dma_wait3A_258 = arith.constant 0 : i32
          %dma_wait3A_259 = tpu.memref_slice %arg7[%select_n3A_237, %dma_wait3A_257, %dma_wait3A_258] : memref<3x32x512xf32, #tpu.memory_space<vmem>> -> memref<1x32x512xf32, #tpu.memory_space<vmem>>
          %dma_wait3A_260 = tpu.memref_squeeze %dma_wait3A_259 : memref<1x32x512xf32, #tpu.memory_space<vmem>> -> memref<32x512xf32, #tpu.memory_space<vmem>>
          tpu.wait_dma2 semaphore(%dma_wait3A_254 : memref<!tpu.dma_semaphore, #tpu.memory_space<semaphore_mem>>) src(%dma_wait3A_260 : memref<32x512xf32, #tpu.memory_space<vmem>>) dst(%dma_wait3A_256 : memref<32x512xf32, #tpu.memory_space<hbm>>)
        } else {
        }
      } else {
      }
      %add3A_63 = arith.constant 3 : i32
      %add3A_64 = arith.addi %add3A_34, %add3A_63 : i32
      %sub3A = arith.constant 1 : i32
      %sub3A_65 = arith.subi %add3A_64, %sub3A : i32
      %add3A_66 = arith.constant 3 : i32
      %add3A_67 = arith.addi %add3A_34, %add3A_66 : i32
      %sub3A_68 = arith.constant 1 : i32
      %sub3A_69 = arith.subi %add3A_67, %sub3A_68 : i32
      %jit3A = arith.constant 3 : i32
      %eq3A = arith.constant 0 : i32
      %eq3A_70 = arith.cmpi eq, %jit3A, %eq3A : i32
      %jit3A_71 = arith.constant 1 : i32
      %select_n3A = arith.select %eq3A_70, %jit3A_71, %jit3A : i32
      %rem3A = arith.remsi %sub3A_69, %select_n3A : i32
      %ne3A = arith.constant 0 : i32
      %ne3A_72 = arith.cmpi ne, %rem3A, %ne3A : i32
      %lt3A_73 = arith.constant 0 : i32
      %lt3A_74 = arith.cmpi slt, %rem3A, %lt3A_73 : i32
      %lt3A_75 = arith.constant 0 : i32
      %lt3A_76 = arith.cmpi slt, %select_n3A, %lt3A_75 : i32
      %ne3A_77 = arith.xori %lt3A_74, %lt3A_76 : i1
      %and3A = arith.andi %ne3A_77, %ne3A_72 : i1
      %add3A_78 = arith.addi %rem3A, %select_n3A : i32
      %select_n3A_79 = arith.select %and3A, %add3A_78, %rem3A : i32
      %mul3A_80 = arith.constant 32 : i32
      %mul3A_81 = arith.muli %sub3A_65, %mul3A_80 : i32
      %add3A_82 = arith.addi %mul3A_81, %add3A : i32
      %lt3A_83 = arith.constant 3125 : i32
      %lt3A_84 = arith.cmpi slt, %add3A_82, %lt3A_83 : i32
      %convert_element_type3A_85 = arith.extui %lt3A_84 : i1 to i32
      %cond3A_86 = arith.constant 0 : i32
      %cond3A_87 = arith.cmpi ne, %convert_element_type3A_85, %cond3A_86 : i32
      scf.if %cond3A_87 {
        %mul3A_218 = arith.constant 32 : i32
        %mul3A_219 = arith.muli %add3A_82, %mul3A_218 : i32
        %dma_start3A = arith.constant 0 : i32
        %dma_start3A_220 = arith.constant 0 : i32
        %dma_start3A_221 = tpu.memref_slice %arg5[%select_n3A_79, %dma_start3A, %dma_start3A_220] : memref<3x32x512xf32, #tpu.memory_space<vmem>> -> memref<1x32x512xf32, #tpu.memory_space<vmem>>
        %dma_start3A_222 = tpu.memref_squeeze %dma_start3A_221 : memref<1x32x512xf32, #tpu.memory_space<vmem>> -> memref<32x512xf32, #tpu.memory_space<vmem>>
        %dma_start3A_223 = arith.constant 0 : i32
        %dma_start3A_224 = tpu.memref_slice %arg2[%mul3A_219, %dma_start3A_223] : memref<100000x512xf32, #tpu.memory_space<hbm>> -> memref<32x512xf32, #tpu.memory_space<hbm>>
        %dma_start3A_225 = tpu.memref_slice %arg8[%select_n3A_79] : memref<3x!tpu.dma_semaphore, #tpu.memory_space<semaphore_mem>> -> memref<1x!tpu.dma_semaphore, #tpu.memory_space<semaphore_mem>>
        %dma_start3A_226 = tpu.memref_squeeze %dma_start3A_225 : memref<1x!tpu.dma_semaphore, #tpu.memory_space<semaphore_mem>> -> memref<!tpu.dma_semaphore, #tpu.memory_space<semaphore_mem>>
        %dma_start3A_227 = arith.constant 0 : i32
        %dma_start3A_228 = arith.constant 0 : i32
        %dma_start3A_229 = tpu.memref_slice %arg5[%select_n3A_79, %dma_start3A_227, %dma_start3A_228] : memref<3x32x512xf32, #tpu.memory_space<vmem>> -> memref<1x32x512xf32, #tpu.memory_space<vmem>>
        %dma_start3A_230 = tpu.memref_squeeze %dma_start3A_229 : memref<1x32x512xf32, #tpu.memory_space<vmem>> -> memref<32x512xf32, #tpu.memory_space<vmem>>
        %dma_start3A_231 = arith.constant 0 : i32
        %dma_start3A_232 = tpu.memref_slice %arg2[%mul3A_219, %dma_start3A_231] : memref<100000x512xf32, #tpu.memory_space<hbm>> -> memref<32x512xf32, #tpu.memory_space<hbm>>
        tpu.enqueue_dma source(%dma_start3A_232 : memref<32x512xf32, #tpu.memory_space<hbm>>) target(%dma_start3A_230 : memref<32x512xf32, #tpu.memory_space<vmem>>) target_semaphore(%dma_start3A_226 : memref<!tpu.dma_semaphore, #tpu.memory_space<semaphore_mem>>)
        %dma_start3A_233 = arith.constant 0 : i32
        %dma_start3A_234 = arith.constant 0 : i32
        %dma_start3A_235 = tpu.memref_slice %arg6[%select_n3A_79, %dma_start3A_233, %dma_start3A_234] : memref<3x32x512xi8, #tpu.memory_space<vmem>> -> memref<1x32x512xi8, #tpu.memory_space<vmem>>
        %dma_start3A_236 = tpu.memref_squeeze %dma_start3A_235 : memref<1x32x512xi8, #tpu.memory_space<vmem>> -> memref<32x512xi8, #tpu.memory_space<vmem>>
        %dma_start3A_237 = arith.constant 0 : i32
        %dma_start3A_238 = tpu.memref_slice %arg3[%mul3A_219, %dma_start3A_237] : memref<100000x512xi8, #tpu.memory_space<hbm>> -> memref<32x512xi8, #tpu.memory_space<hbm>>
        %dma_start3A_239 = tpu.memref_slice %arg9[%select_n3A_79] : memref<3x!tpu.dma_semaphore, #tpu.memory_space<semaphore_mem>> -> memref<1x!tpu.dma_semaphore, #tpu.memory_space<semaphore_mem>>
        %dma_start3A_240 = tpu.memref_squeeze %dma_start3A_239 : memref<1x!tpu.dma_semaphore, #tpu.memory_space<semaphore_mem>> -> memref<!tpu.dma_semaphore, #tpu.memory_space<semaphore_mem>>
        %dma_start3A_241 = arith.constant 0 : i32
        %dma_start3A_242 = arith.constant 0 : i32
        %dma_start3A_243 = tpu.memref_slice %arg6[%select_n3A_79, %dma_start3A_241, %dma_start3A_242] : memref<3x32x512xi8, #tpu.memory_space<vmem>> -> memref<1x32x512xi8, #tpu.memory_space<vmem>>
        %dma_start3A_244 = tpu.memref_squeeze %dma_start3A_243 : memref<1x32x512xi8, #tpu.memory_space<vmem>> -> memref<32x512xi8, #tpu.memory_space<vmem>>
        %dma_start3A_245 = arith.constant 0 : i32
        %dma_start3A_246 = tpu.memref_slice %arg3[%mul3A_219, %dma_start3A_245] : memref<100000x512xi8, #tpu.memory_space<hbm>> -> memref<32x512xi8, #tpu.memory_space<hbm>>
        tpu.enqueue_dma source(%dma_start3A_246 : memref<32x512xi8, #tpu.memory_space<hbm>>) target(%dma_start3A_244 : memref<32x512xi8, #tpu.memory_space<vmem>>) target_semaphore(%dma_start3A_240 : memref<!tpu.dma_semaphore, #tpu.memory_space<semaphore_mem>>)
      } else {
      }
      %mul3A_88 = arith.constant 3 : i32
      %mul3A_89 = arith.muli %mul3A_88, %scan3A_30 : i32
      %add3A_90 = arith.constant 1 : i32
      %add3A_91 = arith.addi %mul3A_89, %add3A_90 : i32
      %mul3A_92 = arith.constant 32 : i32
      %mul3A_93 = arith.muli %add3A_91, %mul3A_92 : i32
      %add3A_94 = arith.addi %mul3A_93, %add3A : i32
      %lt3A_95 = arith.constant 3125 : i32
      %lt3A_96 = arith.cmpi slt, %add3A_94, %lt3A_95 : i32
      %convert_element_type3A_97 = arith.extui %lt3A_96 : i1 to i32
      %cond3A_98 = arith.constant 0 : i32
      %cond3A_99 = arith.cmpi ne, %convert_element_type3A_97, %cond3A_98 : i32
      scf.if %cond3A_99 {
        %mul3A_218 = arith.constant 32 : i32
        %mul3A_219 = arith.muli %add3A_94, %mul3A_218 : i32
        %dma_wait3A = arith.constant 1 : i32
        %dma_wait3A_220 = arith.constant 1 : i32
        %dma_wait3A_221 = arith.constant 0 : i32
        %dma_wait3A_222 = arith.constant 0 : i32
        %dma_wait3A_223 = tpu.memref_slice %arg5[%dma_wait3A, %dma_wait3A_221, %dma_wait3A_222] : memref<3x32x512xf32, #tpu.memory_space<vmem>> -> memref<1x32x512xf32, #tpu.memory_space<vmem>>
        %dma_wait3A_224 = tpu.memref_squeeze %dma_wait3A_223 : memref<1x32x512xf32, #tpu.memory_space<vmem>> -> memref<32x512xf32, #tpu.memory_space<vmem>>
        %dma_wait3A_225 = arith.constant 0 : i32
        %dma_wait3A_226 = tpu.memref_slice %arg2[%mul3A_219, %dma_wait3A_225] : memref<100000x512xf32, #tpu.memory_space<hbm>> -> memref<32x512xf32, #tpu.memory_space<hbm>>
        %dma_wait3A_227 = tpu.memref_slice %arg8[%dma_wait3A_220] : memref<3x!tpu.dma_semaphore, #tpu.memory_space<semaphore_mem>> -> memref<1x!tpu.dma_semaphore, #tpu.memory_space<semaphore_mem>>
        %dma_wait3A_228 = tpu.memref_squeeze %dma_wait3A_227 : memref<1x!tpu.dma_semaphore, #tpu.memory_space<semaphore_mem>> -> memref<!tpu.dma_semaphore, #tpu.memory_space<semaphore_mem>>
        %dma_wait3A_229 = arith.constant 0 : i32
        %dma_wait3A_230 = arith.constant 0 : i32
        %dma_wait3A_231 = tpu.memref_slice %arg5[%dma_wait3A, %dma_wait3A_229, %dma_wait3A_230] : memref<3x32x512xf32, #tpu.memory_space<vmem>> -> memref<1x32x512xf32, #tpu.memory_space<vmem>>
        %dma_wait3A_232 = tpu.memref_squeeze %dma_wait3A_231 : memref<1x32x512xf32, #tpu.memory_space<vmem>> -> memref<32x512xf32, #tpu.memory_space<vmem>>
        %dma_wait3A_233 = arith.constant 0 : i32
        %dma_wait3A_234 = tpu.memref_slice %arg2[%mul3A_219, %dma_wait3A_233] : memref<100000x512xf32, #tpu.memory_space<hbm>> -> memref<32x512xf32, #tpu.memory_space<hbm>>
        tpu.wait_dma2 semaphore(%dma_wait3A_228 : memref<!tpu.dma_semaphore, #tpu.memory_space<semaphore_mem>>) src(%dma_wait3A_234 : memref<32x512xf32, #tpu.memory_space<hbm>>) dst(%dma_wait3A_232 : memref<32x512xf32, #tpu.memory_space<vmem>>)
        %dma_wait3A_235 = arith.constant 1 : i32
        %dma_wait3A_236 = arith.constant 1 : i32
        %dma_wait3A_237 = arith.constant 0 : i32
        %dma_wait3A_238 = arith.constant 0 : i32
        %dma_wait3A_239 = tpu.memref_slice %arg6[%dma_wait3A_235, %dma_wait3A_237, %dma_wait3A_238] : memref<3x32x512xi8, #tpu.memory_space<vmem>> -> memref<1x32x512xi8, #tpu.memory_space<vmem>>
        %dma_wait3A_240 = tpu.memref_squeeze %dma_wait3A_239 : memref<1x32x512xi8, #tpu.memory_space<vmem>> -> memref<32x512xi8, #tpu.memory_space<vmem>>
        %dma_wait3A_241 = arith.constant 0 : i32
        %dma_wait3A_242 = tpu.memref_slice %arg3[%mul3A_219, %dma_wait3A_241] : memref<100000x512xi8, #tpu.memory_space<hbm>> -> memref<32x512xi8, #tpu.memory_space<hbm>>
        %dma_wait3A_243 = tpu.memref_slice %arg9[%dma_wait3A_236] : memref<3x!tpu.dma_semaphore, #tpu.memory_space<semaphore_mem>> -> memref<1x!tpu.dma_semaphore, #tpu.memory_space<semaphore_mem>>
        %dma_wait3A_244 = tpu.memref_squeeze %dma_wait3A_243 : memref<1x!tpu.dma_semaphore, #tpu.memory_space<semaphore_mem>> -> memref<!tpu.dma_semaphore, #tpu.memory_space<semaphore_mem>>
        %dma_wait3A_245 = arith.constant 0 : i32
        %dma_wait3A_246 = arith.constant 0 : i32
        %dma_wait3A_247 = tpu.memref_slice %arg6[%dma_wait3A_235, %dma_wait3A_245, %dma_wait3A_246] : memref<3x32x512xi8, #tpu.memory_space<vmem>> -> memref<1x32x512xi8, #tpu.memory_space<vmem>>
        %dma_wait3A_248 = tpu.memref_squeeze %dma_wait3A_247 : memref<1x32x512xi8, #tpu.memory_space<vmem>> -> memref<32x512xi8, #tpu.memory_space<vmem>>
        %dma_wait3A_249 = arith.constant 0 : i32
        %dma_wait3A_250 = tpu.memref_slice %arg3[%mul3A_219, %dma_wait3A_249] : memref<100000x512xi8, #tpu.memory_space<hbm>> -> memref<32x512xi8, #tpu.memory_space<hbm>>
        tpu.wait_dma2 semaphore(%dma_wait3A_244 : memref<!tpu.dma_semaphore, #tpu.memory_space<semaphore_mem>>) src(%dma_wait3A_250 : memref<32x512xi8, #tpu.memory_space<hbm>>) dst(%dma_wait3A_248 : memref<32x512xi8, #tpu.memory_space<vmem>>)
      } else {
      }
      %mul3A_100 = arith.constant 32 : i32
      %mul3A_101 = arith.muli %add3A_91, %mul3A_100 : i32
      %add3A_102 = arith.addi %mul3A_101, %add3A : i32
      %lt3A_103 = arith.constant 3125 : i32
      %lt3A_104 = arith.cmpi slt, %add3A_102, %lt3A_103 : i32
      %convert_element_type3A_105 = arith.extui %lt3A_104 : i1 to i32
      %cond3A_106 = arith.constant 0 : i32
      %cond3A_107 = arith.cmpi ne, %convert_element_type3A_105, %cond3A_106 : i32
      scf.if %cond3A_107 {
        %parallel_loop3A = arith.constant 0 : i32
        %parallel_loop3A_218 = arith.constant 256 : i32
        %parallel_loop3A_219 = arith.constant 1 : i32
        %parallel_loop3A_220 = arith.constant 1 : i32
        %parallel_loop3A_221 = arith.constant 1 : i32
        %parallel_loop3A_222 = arith.constant 1 : i32
        scf.for %parallel_loop3A_223 = %parallel_loop3A to %parallel_loop3A_218 step %parallel_loop3A_219  : i32 {
          %parallel_loop3A_224 = arith.constant 32 : i32
          %parallel_loop3A_225 = arith.divsi %parallel_loop3A_223, %parallel_loop3A_224 : i32
          %parallel_loop3A_226 = arith.constant 0 : i32
          %parallel_loop3A_227 = arith.cmpi sgt, %parallel_loop3A_223, %parallel_loop3A_226 : i32
          %parallel_loop3A_228 = arith.extui %parallel_loop3A_227 : i1 to i32
          %parallel_loop3A_229 = arith.constant 0 : i32
          %parallel_loop3A_230 = arith.cmpi slt, %parallel_loop3A_223, %parallel_loop3A_229 : i32
          %parallel_loop3A_231 = arith.extui %parallel_loop3A_230 : i1 to i32
          %parallel_loop3A_232 = arith.subi %parallel_loop3A_228, %parallel_loop3A_231 : i32
          %parallel_loop3A_233 = arith.constant 0 : i32
          %parallel_loop3A_234 = arith.cmpi sgt, %parallel_loop3A_224, %parallel_loop3A_233 : i32
          %parallel_loop3A_235 = arith.extui %parallel_loop3A_234 : i1 to i32
          %parallel_loop3A_236 = arith.constant 0 : i32
          %parallel_loop3A_237 = arith.cmpi slt, %parallel_loop3A_224, %parallel_loop3A_236 : i32
          %parallel_loop3A_238 = arith.extui %parallel_loop3A_237 : i1 to i32
          %parallel_loop3A_239 = arith.subi %parallel_loop3A_235, %parallel_loop3A_238 : i32
          %parallel_loop3A_240 = arith.cmpi ne, %parallel_loop3A_232, %parallel_loop3A_239 : i32
          %parallel_loop3A_241 = arith.remsi %parallel_loop3A_223, %parallel_loop3A_224 : i32
          %parallel_loop3A_242 = arith.constant 0 : i32
          %parallel_loop3A_243 = arith.cmpi ne, %parallel_loop3A_241, %parallel_loop3A_242 : i32
          %parallel_loop3A_244 = arith.andi %parallel_loop3A_240, %parallel_loop3A_243 : i1
          %parallel_loop3A_245 = arith.constant 1 : i32
          %parallel_loop3A_246 = arith.subi %parallel_loop3A_225, %parallel_loop3A_245 : i32
          %parallel_loop3A_247 = arith.select %parallel_loop3A_244, %parallel_loop3A_246, %parallel_loop3A_225 : i32
          %parallel_loop3A_248 = arith.constant 32 : i32
          %parallel_loop3A_249 = arith.constant 0 : i32
          %parallel_loop3A_250 = arith.cmpi eq, %parallel_loop3A_248, %parallel_loop3A_249 : i32
          %parallel_loop3A_251 = arith.constant 1 : i32
          %parallel_loop3A_252 = arith.select %parallel_loop3A_250, %parallel_loop3A_251, %parallel_loop3A_248 : i32
          %parallel_loop3A_253 = arith.remsi %parallel_loop3A_223, %parallel_loop3A_252 : i32
          %parallel_loop3A_254 = arith.constant 0 : i32
          %parallel_loop3A_255 = arith.cmpi ne, %parallel_loop3A_253, %parallel_loop3A_254 : i32
          %parallel_loop3A_256 = arith.constant 0 : i32
          %parallel_loop3A_257 = arith.cmpi slt, %parallel_loop3A_253, %parallel_loop3A_256 : i32
          %parallel_loop3A_258 = arith.constant 0 : i32
          %parallel_loop3A_259 = arith.cmpi slt, %parallel_loop3A_252, %parallel_loop3A_258 : i32
          %parallel_loop3A_260 = arith.xori %parallel_loop3A_257, %parallel_loop3A_259 : i1
          %parallel_loop3A_261 = arith.andi %parallel_loop3A_260, %parallel_loop3A_255 : i1
          %parallel_loop3A_262 = arith.addi %parallel_loop3A_253, %parallel_loop3A_252 : i32
          %parallel_loop3A_263 = arith.select %parallel_loop3A_261, %parallel_loop3A_262, %parallel_loop3A_253 : i32
          %parallel_loop3A_264 = arith.constant 16 : i32
          %parallel_loop3A_265 = arith.muli %parallel_loop3A_263, %parallel_loop3A_264 : i32
          %parallel_loop3A_266 = arith.constant 0 : i32
          %parallel_loop3A_267 = arith.constant 0 : i32
          %parallel_loop3A_268 = tpu.memref_slice %arg6[%parallel_loop3A_220, %parallel_loop3A_266, %parallel_loop3A_267] : memref<3x32x512xi8, #tpu.memory_space<vmem>> -> memref<1x32x512xi8, #tpu.memory_space<vmem>>
          %parallel_loop3A_269 = tpu.memref_squeeze %parallel_loop3A_268 : memref<1x32x512xi8, #tpu.memory_space<vmem>> -> memref<32x512xi8, #tpu.memory_space<vmem>>
          %parallel_loop3A_270 = tpu.memref_bitcast %parallel_loop3A_269 : memref<32x512xi8, #tpu.memory_space<vmem>> -> memref<8x512xi32, #tpu.memory_space<vmem>>
          %parallel_loop3A_271 = arith.index_cast %parallel_loop3A_247 : i32 to index
          %parallel_loop3A_272 = arith.index_cast %parallel_loop3A_265 : i32 to index
          %parallel_loop3A_273 = tpu.vector_load %parallel_loop3A_270[%parallel_loop3A_271, %parallel_loop3A_272] {strides = array<i32>} : memref<8x512xi32, #tpu.memory_space<vmem>>, vector<1x16xi32>,
          %parallel_loop3A_274 = vector.shape_cast %parallel_loop3A_273 : vector<1x16xi32> to vector<16xi32>
          %parallel_loop3A_275 = arith.constant 4 : i32
          %parallel_loop3A_276 = arith.muli %parallel_loop3A_247, %parallel_loop3A_275 : i32
          %parallel_loop3A_277 = arith.constant 0 : i32
          %parallel_loop3A_278 = arith.addi %parallel_loop3A_276, %parallel_loop3A_277 : i32
          %parallel_loop3A_279 = arith.constant 0 : i32
          %parallel_loop3A_280 = arith.constant 0 : i32
          %parallel_loop3A_281 = tpu.memref_slice %arg5[%parallel_loop3A_221, %parallel_loop3A_279, %parallel_loop3A_280] : memref<3x32x512xf32, #tpu.memory_space<vmem>> -> memref<1x32x512xf32, #tpu.memory_space<vmem>>
          %parallel_loop3A_282 = tpu.memref_squeeze %parallel_loop3A_281 : memref<1x32x512xf32, #tpu.memory_space<vmem>> -> memref<32x512xf32, #tpu.memory_space<vmem>>
          %parallel_loop3A_283 = arith.index_cast %parallel_loop3A_278 : i32 to index
          %parallel_loop3A_284 = arith.index_cast %parallel_loop3A_265 : i32 to index
          %parallel_loop3A_285 = tpu.vector_load %parallel_loop3A_282[%parallel_loop3A_283, %parallel_loop3A_284] {strides = array<i32>} : memref<32x512xf32, #tpu.memory_space<vmem>>, vector<1x16xf32>,
          %parallel_loop3A_286 = vector.shape_cast %parallel_loop3A_285 : vector<1x16xf32> to vector<16xf32>
          %parallel_loop3A_287 = arith.constant 31 : i32
          %parallel_loop3A_288 = vector.broadcast %parallel_loop3A_287 : i32 to vector<16xi32>
          %parallel_loop3A_289 = arith.shli %parallel_loop3A_274, %parallel_loop3A_288 : vector<16xi32>
          %parallel_loop3A_290 = arith.constant 0 : i32
          %parallel_loop3A_291 = vector.broadcast %parallel_loop3A_290 : i32 to vector<16xi32>
          %parallel_loop3A_292 = arith.cmpi slt, %parallel_loop3A_289, %parallel_loop3A_291 : vector<16xi32>
          %parallel_loop3A_293 = arith.constant 5.000000e-01 : f32
          %parallel_loop3A_294 = vector.broadcast %parallel_loop3A_293 : f32 to vector<16xf32>
          %parallel_loop3A_295 = arith.cmpf ogt, %parallel_loop3A_286, %parallel_loop3A_294 : vector<16xf32>
          %parallel_loop3A_296 = arith.constant 1.000000e+00 : f32
          %parallel_loop3A_297 = arith.constant 0.000000e+00 : f32
          %parallel_loop3A_298 = vector.broadcast %parallel_loop3A_296 : f32 to vector<16xf32>
          %parallel_loop3A_299 = vector.broadcast %parallel_loop3A_297 : f32 to vector<16xf32>
          %parallel_loop3A_300 = arith.select %parallel_loop3A_295, %parallel_loop3A_298, %parallel_loop3A_299 : vector<16xi1>, vector<16xf32>
          %parallel_loop3A_301 = arith.select %parallel_loop3A_292, %parallel_loop3A_300, %parallel_loop3A_286 : vector<16xi1>, vector<16xf32>
          %parallel_loop3A_302 = arith.constant 4 : i32
          %parallel_loop3A_303 = arith.muli %parallel_loop3A_247, %parallel_loop3A_302 : i32
          %parallel_loop3A_304 = arith.constant 0 : i32
          %parallel_loop3A_305 = arith.addi %parallel_loop3A_303, %parallel_loop3A_304 : i32
          %parallel_loop3A_306 = arith.constant 0 : i32
          %parallel_loop3A_307 = arith.constant 0 : i32
          %parallel_loop3A_308 = tpu.memref_slice %arg7[%parallel_loop3A_222, %parallel_loop3A_306, %parallel_loop3A_307] : memref<3x32x512xf32, #tpu.memory_space<vmem>> -> memref<1x32x512xf32, #tpu.memory_space<vmem>>
          %parallel_loop3A_309 = tpu.memref_squeeze %parallel_loop3A_308 : memref<1x32x512xf32, #tpu.memory_space<vmem>> -> memref<32x512xf32, #tpu.memory_space<vmem>>
          %parallel_loop3A_310 = arith.index_cast %parallel_loop3A_305 : i32 to index
          %parallel_loop3A_311 = arith.index_cast %parallel_loop3A_265 : i32 to index
          %parallel_loop3A_312 = tpu.vector_load %parallel_loop3A_309[%parallel_loop3A_310, %parallel_loop3A_311] {strides = array<i32>} : memref<32x512xf32, #tpu.memory_space<vmem>>, vector<1x16xf32>,
          %parallel_loop3A_313 = vector.shape_cast %parallel_loop3A_312 : vector<1x16xf32> to vector<16xf32>
          %parallel_loop3A_314 = vector.shape_cast %parallel_loop3A_301 : vector<16xf32> to vector<1x16xf32>
          tpu.vector_store %parallel_loop3A_309[%parallel_loop3A_310, %parallel_loop3A_311], %parallel_loop3A_314 {strides = array<i32>} : memref<32x512xf32, #tpu.memory_space<vmem>>, vector<1x16xf32>,
          %parallel_loop3A_315 = arith.constant 4 : i32
          %parallel_loop3A_316 = arith.muli %parallel_loop3A_247, %parallel_loop3A_315 : i32
          %parallel_loop3A_317 = arith.constant 1 : i32
          %parallel_loop3A_318 = arith.addi %parallel_loop3A_316, %parallel_loop3A_317 : i32
          %parallel_loop3A_319 = arith.constant 0 : i32
          %parallel_loop3A_320 = arith.constant 0 : i32
          %parallel_loop3A_321 = tpu.memref_slice %arg5[%parallel_loop3A_221, %parallel_loop3A_319, %parallel_loop3A_320] : memref<3x32x512xf32, #tpu.memory_space<vmem>> -> memref<1x32x512xf32, #tpu.memory_space<vmem>>
          %parallel_loop3A_322 = tpu.memref_squeeze %parallel_loop3A_321 : memref<1x32x512xf32, #tpu.memory_space<vmem>> -> memref<32x512xf32, #tpu.memory_space<vmem>>
          %parallel_loop3A_323 = arith.index_cast %parallel_loop3A_318 : i32 to index
          %parallel_loop3A_324 = arith.index_cast %parallel_loop3A_265 : i32 to index
          %parallel_loop3A_325 = tpu.vector_load %parallel_loop3A_322[%parallel_loop3A_323, %parallel_loop3A_324] {strides = array<i32>} : memref<32x512xf32, #tpu.memory_space<vmem>>, vector<1x16xf32>,
          %parallel_loop3A_326 = vector.shape_cast %parallel_loop3A_325 : vector<1x16xf32> to vector<16xf32>
          %parallel_loop3A_327 = arith.constant 23 : i32
          %parallel_loop3A_328 = vector.broadcast %parallel_loop3A_327 : i32 to vector<16xi32>
          %parallel_loop3A_329 = arith.shli %parallel_loop3A_274, %parallel_loop3A_328 : vector<16xi32>
          %parallel_loop3A_330 = arith.constant 0 : i32
          %parallel_loop3A_331 = vector.broadcast %parallel_loop3A_330 : i32 to vector<16xi32>
          %parallel_loop3A_332 = arith.cmpi slt, %parallel_loop3A_329, %parallel_loop3A_331 : vector<16xi32>
          %parallel_loop3A_333 = arith.constant 5.000000e-01 : f32
          %parallel_loop3A_334 = vector.broadcast %parallel_loop3A_333 : f32 to vector<16xf32>
          %parallel_loop3A_335 = arith.cmpf ogt, %parallel_loop3A_326, %parallel_loop3A_334 : vector<16xf32>
          %parallel_loop3A_336 = arith.constant 1.000000e+00 : f32
          %parallel_loop3A_337 = arith.constant 0.000000e+00 : f32
          %parallel_loop3A_338 = vector.broadcast %parallel_loop3A_336 : f32 to vector<16xf32>
          %parallel_loop3A_339 = vector.broadcast %parallel_loop3A_337 : f32 to vector<16xf32>
          %parallel_loop3A_340 = arith.select %parallel_loop3A_335, %parallel_loop3A_338, %parallel_loop3A_339 : vector<16xi1>, vector<16xf32>
          %parallel_loop3A_341 = arith.select %parallel_loop3A_332, %parallel_loop3A_340, %parallel_loop3A_326 : vector<16xi1>, vector<16xf32>
          %parallel_loop3A_342 = arith.constant 4 : i32
          %parallel_loop3A_343 = arith.muli %parallel_loop3A_247, %parallel_loop3A_342 : i32
          %parallel_loop3A_344 = arith.constant 1 : i32
          %parallel_loop3A_345 = arith.addi %parallel_loop3A_343, %parallel_loop3A_344 : i32
          %parallel_loop3A_346 = arith.constant 0 : i32
          %parallel_loop3A_347 = arith.constant 0 : i32
          %parallel_loop3A_348 = tpu.memref_slice %arg7[%parallel_loop3A_222, %parallel_loop3A_346, %parallel_loop3A_347] : memref<3x32x512xf32, #tpu.memory_space<vmem>> -> memref<1x32x512xf32, #tpu.memory_space<vmem>>
          %parallel_loop3A_349 = tpu.memref_squeeze %parallel_loop3A_348 : memref<1x32x512xf32, #tpu.memory_space<vmem>> -> memref<32x512xf32, #tpu.memory_space<vmem>>
          %parallel_loop3A_350 = arith.index_cast %parallel_loop3A_345 : i32 to index
          %parallel_loop3A_351 = arith.index_cast %parallel_loop3A_265 : i32 to index
          %parallel_loop3A_352 = tpu.vector_load %parallel_loop3A_349[%parallel_loop3A_350, %parallel_loop3A_351] {strides = array<i32>} : memref<32x512xf32, #tpu.memory_space<vmem>>, vector<1x16xf32>,
          %parallel_loop3A_353 = vector.shape_cast %parallel_loop3A_352 : vector<1x16xf32> to vector<16xf32>
          %parallel_loop3A_354 = vector.shape_cast %parallel_loop3A_341 : vector<16xf32> to vector<1x16xf32>
          tpu.vector_store %parallel_loop3A_349[%parallel_loop3A_350, %parallel_loop3A_351], %parallel_loop3A_354 {strides = array<i32>} : memref<32x512xf32, #tpu.memory_space<vmem>>, vector<1x16xf32>,
          %parallel_loop3A_355 = arith.constant 4 : i32
          %parallel_loop3A_356 = arith.muli %parallel_loop3A_247, %parallel_loop3A_355 : i32
          %parallel_loop3A_357 = arith.constant 2 : i32
          %parallel_loop3A_358 = arith.addi %parallel_loop3A_356, %parallel_loop3A_357 : i32
          %parallel_loop3A_359 = arith.constant 0 : i32
          %parallel_loop3A_360 = arith.constant 0 : i32
          %parallel_loop3A_361 = tpu.memref_slice %arg5[%parallel_loop3A_221, %parallel_loop3A_359, %parallel_loop3A_360] : memref<3x32x512xf32, #tpu.memory_space<vmem>> -> memref<1x32x512xf32, #tpu.memory_space<vmem>>
          %parallel_loop3A_362 = tpu.memref_squeeze %parallel_loop3A_361 : memref<1x32x512xf32, #tpu.memory_space<vmem>> -> memref<32x512xf32, #tpu.memory_space<vmem>>
          %parallel_loop3A_363 = arith.index_cast %parallel_loop3A_358 : i32 to index
          %parallel_loop3A_364 = arith.index_cast %parallel_loop3A_265 : i32 to index
          %parallel_loop3A_365 = tpu.vector_load %parallel_loop3A_362[%parallel_loop3A_363, %parallel_loop3A_364] {strides = array<i32>} : memref<32x512xf32, #tpu.memory_space<vmem>>, vector<1x16xf32>,
          %parallel_loop3A_366 = vector.shape_cast %parallel_loop3A_365 : vector<1x16xf32> to vector<16xf32>
          %parallel_loop3A_367 = arith.constant 15 : i32
          %parallel_loop3A_368 = vector.broadcast %parallel_loop3A_367 : i32 to vector<16xi32>
          %parallel_loop3A_369 = arith.shli %parallel_loop3A_274, %parallel_loop3A_368 : vector<16xi32>
          %parallel_loop3A_370 = arith.constant 0 : i32
          %parallel_loop3A_371 = vector.broadcast %parallel_loop3A_370 : i32 to vector<16xi32>
          %parallel_loop3A_372 = arith.cmpi slt, %parallel_loop3A_369, %parallel_loop3A_371 : vector<16xi32>
          %parallel_loop3A_373 = arith.constant 5.000000e-01 : f32
          %parallel_loop3A_374 = vector.broadcast %parallel_loop3A_373 : f32 to vector<16xf32>
          %parallel_loop3A_375 = arith.cmpf ogt, %parallel_loop3A_366, %parallel_loop3A_374 : vector<16xf32>
          %parallel_loop3A_376 = arith.constant 1.000000e+00 : f32
          %parallel_loop3A_377 = arith.constant 0.000000e+00 : f32
          %parallel_loop3A_378 = vector.broadcast %parallel_loop3A_376 : f32 to vector<16xf32>
          %parallel_loop3A_379 = vector.broadcast %parallel_loop3A_377 : f32 to vector<16xf32>
          %parallel_loop3A_380 = arith.select %parallel_loop3A_375, %parallel_loop3A_378, %parallel_loop3A_379 : vector<16xi1>, vector<16xf32>
          %parallel_loop3A_381 = arith.select %parallel_loop3A_372, %parallel_loop3A_380, %parallel_loop3A_366 : vector<16xi1>, vector<16xf32>
          %parallel_loop3A_382 = arith.constant 4 : i32
          %parallel_loop3A_383 = arith.muli %parallel_loop3A_247, %parallel_loop3A_382 : i32
          %parallel_loop3A_384 = arith.constant 2 : i32
          %parallel_loop3A_385 = arith.addi %parallel_loop3A_383, %parallel_loop3A_384 : i32
          %parallel_loop3A_386 = arith.constant 0 : i32
          %parallel_loop3A_387 = arith.constant 0 : i32
          %parallel_loop3A_388 = tpu.memref_slice %arg7[%parallel_loop3A_222, %parallel_loop3A_386, %parallel_loop3A_387] : memref<3x32x512xf32, #tpu.memory_space<vmem>> -> memref<1x32x512xf32, #tpu.memory_space<vmem>>
          %parallel_loop3A_389 = tpu.memref_squeeze %parallel_loop3A_388 : memref<1x32x512xf32, #tpu.memory_space<vmem>> -> memref<32x512xf32, #tpu.memory_space<vmem>>
          %parallel_loop3A_390 = arith.index_cast %parallel_loop3A_385 : i32 to index
          %parallel_loop3A_391 = arith.index_cast %parallel_loop3A_265 : i32 to index
          %parallel_loop3A_392 = tpu.vector_load %parallel_loop3A_389[%parallel_loop3A_390, %parallel_loop3A_391] {strides = array<i32>} : memref<32x512xf32, #tpu.memory_space<vmem>>, vector<1x16xf32>,
          %parallel_loop3A_393 = vector.shape_cast %parallel_loop3A_392 : vector<1x16xf32> to vector<16xf32>
          %parallel_loop3A_394 = vector.shape_cast %parallel_loop3A_381 : vector<16xf32> to vector<1x16xf32>
          tpu.vector_store %parallel_loop3A_389[%parallel_loop3A_390, %parallel_loop3A_391], %parallel_loop3A_394 {strides = array<i32>} : memref<32x512xf32, #tpu.memory_space<vmem>>, vector<1x16xf32>,
          %parallel_loop3A_395 = arith.constant 4 : i32
          %parallel_loop3A_396 = arith.muli %parallel_loop3A_247, %parallel_loop3A_395 : i32
          %parallel_loop3A_397 = arith.constant 3 : i32
          %parallel_loop3A_398 = arith.addi %parallel_loop3A_396, %parallel_loop3A_397 : i32
          %parallel_loop3A_399 = arith.constant 0 : i32
          %parallel_loop3A_400 = arith.constant 0 : i32
          %parallel_loop3A_401 = tpu.memref_slice %arg5[%parallel_loop3A_221, %parallel_loop3A_399, %parallel_loop3A_400] : memref<3x32x512xf32, #tpu.memory_space<vmem>> -> memref<1x32x512xf32, #tpu.memory_space<vmem>>
          %parallel_loop3A_402 = tpu.memref_squeeze %parallel_loop3A_401 : memref<1x32x512xf32, #tpu.memory_space<vmem>> -> memref<32x512xf32, #tpu.memory_space<vmem>>
          %parallel_loop3A_403 = arith.index_cast %parallel_loop3A_398 : i32 to index
          %parallel_loop3A_404 = arith.index_cast %parallel_loop3A_265 : i32 to index
          %parallel_loop3A_405 = tpu.vector_load %parallel_loop3A_402[%parallel_loop3A_403, %parallel_loop3A_404] {strides = array<i32>} : memref<32x512xf32, #tpu.memory_space<vmem>>, vector<1x16xf32>,
          %parallel_loop3A_406 = vector.shape_cast %parallel_loop3A_405 : vector<1x16xf32> to vector<16xf32>
          %parallel_loop3A_407 = arith.constant 7 : i32
          %parallel_loop3A_408 = vector.broadcast %parallel_loop3A_407 : i32 to vector<16xi32>
          %parallel_loop3A_409 = arith.shli %parallel_loop3A_274, %parallel_loop3A_408 : vector<16xi32>
          %parallel_loop3A_410 = arith.constant 0 : i32
          %parallel_loop3A_411 = vector.broadcast %parallel_loop3A_410 : i32 to vector<16xi32>
          %parallel_loop3A_412 = arith.cmpi slt, %parallel_loop3A_409, %parallel_loop3A_411 : vector<16xi32>
          %parallel_loop3A_413 = arith.constant 5.000000e-01 : f32
          %parallel_loop3A_414 = vector.broadcast %parallel_loop3A_413 : f32 to vector<16xf32>
          %parallel_loop3A_415 = arith.cmpf ogt, %parallel_loop3A_406, %parallel_loop3A_414 : vector<16xf32>
          %parallel_loop3A_416 = arith.constant 1.000000e+00 : f32
          %parallel_loop3A_417 = arith.constant 0.000000e+00 : f32
          %parallel_loop3A_418 = vector.broadcast %parallel_loop3A_416 : f32 to vector<16xf32>
          %parallel_loop3A_419 = vector.broadcast %parallel_loop3A_417 : f32 to vector<16xf32>
          %parallel_loop3A_420 = arith.select %parallel_loop3A_415, %parallel_loop3A_418, %parallel_loop3A_419 : vector<16xi1>, vector<16xf32>
          %parallel_loop3A_421 = arith.select %parallel_loop3A_412, %parallel_loop3A_420, %parallel_loop3A_406 : vector<16xi1>, vector<16xf32>
          %parallel_loop3A_422 = arith.constant 4 : i32
          %parallel_loop3A_423 = arith.muli %parallel_loop3A_247, %parallel_loop3A_422 : i32
          %parallel_loop3A_424 = arith.constant 3 : i32
          %parallel_loop3A_425 = arith.addi %parallel_loop3A_423, %parallel_loop3A_424 : i32
          %parallel_loop3A_426 = arith.constant 0 : i32
          %parallel_loop3A_427 = arith.constant 0 : i32
          %parallel_loop3A_428 = tpu.memref_slice %arg7[%parallel_loop3A_222, %parallel_loop3A_426, %parallel_loop3A_427] : memref<3x32x512xf32, #tpu.memory_space<vmem>> -> memref<1x32x512xf32, #tpu.memory_space<vmem>>
          %parallel_loop3A_429 = tpu.memref_squeeze %parallel_loop3A_428 : memref<1x32x512xf32, #tpu.memory_space<vmem>> -> memref<32x512xf32, #tpu.memory_space<vmem>>
          %parallel_loop3A_430 = arith.index_cast %parallel_loop3A_425 : i32 to index
          %parallel_loop3A_431 = arith.index_cast %parallel_loop3A_265 : i32 to index
          %parallel_loop3A_432 = tpu.vector_load %parallel_loop3A_429[%parallel_loop3A_430, %parallel_loop3A_431] {strides = array<i32>} : memref<32x512xf32, #tpu.memory_space<vmem>>, vector<1x16xf32>,
          %parallel_loop3A_433 = vector.shape_cast %parallel_loop3A_432 : vector<1x16xf32> to vector<16xf32>
          %parallel_loop3A_434 = vector.shape_cast %parallel_loop3A_421 : vector<16xf32> to vector<1x16xf32>
          tpu.vector_store %parallel_loop3A_429[%parallel_loop3A_430, %parallel_loop3A_431], %parallel_loop3A_434 {strides = array<i32>} : memref<32x512xf32, #tpu.memory_space<vmem>>, vector<1x16xf32>,
        } {sc.loop_unroll_factor = 3 : i64, sc.parallel_access}
      } else {
      }
      %mul3A_108 = arith.constant 32 : i32
      %mul3A_109 = arith.muli %add3A_91, %mul3A_108 : i32
      %add3A_110 = arith.addi %mul3A_109, %add3A : i32
      %lt3A_111 = arith.constant 3125 : i32
      %lt3A_112 = arith.cmpi slt, %add3A_110, %lt3A_111 : i32
      %convert_element_type3A_113 = arith.extui %lt3A_112 : i1 to i32
      %cond3A_114 = arith.constant 0 : i32
      %cond3A_115 = arith.cmpi ne, %convert_element_type3A_113, %cond3A_114 : i32
      scf.if %cond3A_115 {
        %mul3A_218 = arith.constant 32 : i32
        %mul3A_219 = arith.muli %add3A_110, %mul3A_218 : i32
        %dma_start3A = arith.constant 1 : i32
        %dma_start3A_220 = arith.constant 1 : i32
        %dma_start3A_221 = arith.constant 0 : i32
        %dma_start3A_222 = arith.constant 0 : i32
        %dma_start3A_223 = tpu.memref_slice %arg7[%dma_start3A, %dma_start3A_221, %dma_start3A_222] : memref<3x32x512xf32, #tpu.memory_space<vmem>> -> memref<1x32x512xf32, #tpu.memory_space<vmem>>
        %dma_start3A_224 = tpu.memref_squeeze %dma_start3A_223 : memref<1x32x512xf32, #tpu.memory_space<vmem>> -> memref<32x512xf32, #tpu.memory_space<vmem>>
        %dma_start3A_225 = arith.constant 0 : i32
        %dma_start3A_226 = tpu.memref_slice %arg4[%mul3A_219, %dma_start3A_225] : memref<100000x512xf32, #tpu.memory_space<hbm>> -> memref<32x512xf32, #tpu.memory_space<hbm>>
        %dma_start3A_227 = tpu.memref_slice %arg10[%dma_start3A_220] : memref<3x!tpu.dma_semaphore, #tpu.memory_space<semaphore_mem>> -> memref<1x!tpu.dma_semaphore, #tpu.memory_space<semaphore_mem>>
        %dma_start3A_228 = tpu.memref_squeeze %dma_start3A_227 : memref<1x!tpu.dma_semaphore, #tpu.memory_space<semaphore_mem>> -> memref<!tpu.dma_semaphore, #tpu.memory_space<semaphore_mem>>
        %dma_start3A_229 = arith.constant 0 : i32
        %dma_start3A_230 = tpu.memref_slice %arg4[%mul3A_219, %dma_start3A_229] : memref<100000x512xf32, #tpu.memory_space<hbm>> -> memref<32x512xf32, #tpu.memory_space<hbm>>
        %dma_start3A_231 = arith.constant 0 : i32
        %dma_start3A_232 = arith.constant 0 : i32
        %dma_start3A_233 = tpu.memref_slice %arg7[%dma_start3A, %dma_start3A_231, %dma_start3A_232] : memref<3x32x512xf32, #tpu.memory_space<vmem>> -> memref<1x32x512xf32, #tpu.memory_space<vmem>>
        %dma_start3A_234 = tpu.memref_squeeze %dma_start3A_233 : memref<1x32x512xf32, #tpu.memory_space<vmem>> -> memref<32x512xf32, #tpu.memory_space<vmem>>
        tpu.enqueue_dma source(%dma_start3A_234 : memref<32x512xf32, #tpu.memory_space<vmem>>) target(%dma_start3A_230 : memref<32x512xf32, #tpu.memory_space<hbm>>) target_semaphore(%dma_start3A_228 : memref<!tpu.dma_semaphore, #tpu.memory_space<semaphore_mem>>)
      } else {
      }
      %ge3A_116 = arith.constant 2 : i32
      %ge3A_117 = arith.cmpi sge, %add3A_91, %ge3A_116 : i32
      %convert_element_type3A_118 = arith.extui %ge3A_117 : i1 to i32
      %cond3A_119 = arith.constant 0 : i32
      %cond3A_120 = arith.cmpi ne, %convert_element_type3A_118, %cond3A_119 : i32
      scf.if %cond3A_120 {
        %sub3A_218 = arith.constant 2 : i32
        %sub3A_219 = arith.subi %add3A_91, %sub3A_218 : i32
        %add3A_220 = arith.constant 1 : i32
        %add3A_221 = arith.addi %add3A_91, %add3A_220 : i32
        %jit3A_222 = arith.constant 3 : i32
        %eq3A_223 = arith.constant 0 : i32
        %eq3A_224 = arith.cmpi eq, %jit3A_222, %eq3A_223 : i32
        %jit3A_225 = arith.constant 1 : i32
        %select_n3A_226 = arith.select %eq3A_224, %jit3A_225, %jit3A_222 : i32
        %rem3A_227 = arith.remsi %add3A_221, %select_n3A_226 : i32
        %ne3A_228 = arith.constant 0 : i32
        %ne3A_229 = arith.cmpi ne, %rem3A_227, %ne3A_228 : i32
        %lt3A_230 = arith.constant 0 : i32
        %lt3A_231 = arith.cmpi slt, %rem3A_227, %lt3A_230 : i32
        %lt3A_232 = arith.constant 0 : i32
        %lt3A_233 = arith.cmpi slt, %select_n3A_226, %lt3A_232 : i32
        %ne3A_234 = arith.xori %lt3A_231, %lt3A_233 : i1
        %and3A_235 = arith.andi %ne3A_234, %ne3A_229 : i1
        %add3A_236 = arith.addi %rem3A_227, %select_n3A_226 : i32
        %select_n3A_237 = arith.select %and3A_235, %add3A_236, %rem3A_227 : i32
        %mul3A_238 = arith.constant 32 : i32
        %mul3A_239 = arith.muli %sub3A_219, %mul3A_238 : i32
        %add3A_240 = arith.addi %mul3A_239, %add3A : i32
        %lt3A_241 = arith.constant 3125 : i32
        %lt3A_242 = arith.cmpi slt, %add3A_240, %lt3A_241 : i32
        %convert_element_type3A_243 = arith.extui %lt3A_242 : i1 to i32
        %cond3A_244 = arith.constant 0 : i32
        %cond3A_245 = arith.cmpi ne, %convert_element_type3A_243, %cond3A_244 : i32
        scf.if %cond3A_245 {
          %mul3A_246 = arith.constant 32 : i32
          %mul3A_247 = arith.muli %add3A_240, %mul3A_246 : i32
          %dma_wait3A = arith.constant 0 : i32
          %dma_wait3A_248 = arith.constant 0 : i32
          %dma_wait3A_249 = tpu.memref_slice %arg7[%select_n3A_237, %dma_wait3A, %dma_wait3A_248] : memref<3x32x512xf32, #tpu.memory_space<vmem>> -> memref<1x32x512xf32, #tpu.memory_space<vmem>>
          %dma_wait3A_250 = tpu.memref_squeeze %dma_wait3A_249 : memref<1x32x512xf32, #tpu.memory_space<vmem>> -> memref<32x512xf32, #tpu.memory_space<vmem>>
          %dma_wait3A_251 = arith.constant 0 : i32
          %dma_wait3A_252 = tpu.memref_slice %arg4[%mul3A_247, %dma_wait3A_251] : memref<100000x512xf32, #tpu.memory_space<hbm>> -> memref<32x512xf32, #tpu.memory_space<hbm>>
          %dma_wait3A_253 = tpu.memref_slice %arg10[%select_n3A_237] : memref<3x!tpu.dma_semaphore, #tpu.memory_space<semaphore_mem>> -> memref<1x!tpu.dma_semaphore, #tpu.memory_space<semaphore_mem>>
          %dma_wait3A_254 = tpu.memref_squeeze %dma_wait3A_253 : memref<1x!tpu.dma_semaphore, #tpu.memory_space<semaphore_mem>> -> memref<!tpu.dma_semaphore, #tpu.memory_space<semaphore_mem>>
          %dma_wait3A_255 = arith.constant 0 : i32
          %dma_wait3A_256 = tpu.memref_slice %arg4[%mul3A_247, %dma_wait3A_255] : memref<100000x512xf32, #tpu.memory_space<hbm>> -> memref<32x512xf32, #tpu.memory_space<hbm>>
          %dma_wait3A_257 = arith.constant 0 : i32
          %dma_wait3A_258 = arith.constant 0 : i32
          %dma_wait3A_259 = tpu.memref_slice %arg7[%select_n3A_237, %dma_wait3A_257, %dma_wait3A_258] : memref<3x32x512xf32, #tpu.memory_space<vmem>> -> memref<1x32x512xf32, #tpu.memory_space<vmem>>
          %dma_wait3A_260 = tpu.memref_squeeze %dma_wait3A_259 : memref<1x32x512xf32, #tpu.memory_space<vmem>> -> memref<32x512xf32, #tpu.memory_space<vmem>>
          tpu.wait_dma2 semaphore(%dma_wait3A_254 : memref<!tpu.dma_semaphore, #tpu.memory_space<semaphore_mem>>) src(%dma_wait3A_260 : memref<32x512xf32, #tpu.memory_space<vmem>>) dst(%dma_wait3A_256 : memref<32x512xf32, #tpu.memory_space<hbm>>)
        } else {
        }
      } else {
      }
      %add3A_121 = arith.constant 3 : i32
      %add3A_122 = arith.addi %add3A_91, %add3A_121 : i32
      %sub3A_123 = arith.constant 1 : i32
      %sub3A_124 = arith.subi %add3A_122, %sub3A_123 : i32
      %add3A_125 = arith.constant 3 : i32
      %add3A_126 = arith.addi %add3A_91, %add3A_125 : i32
      %sub3A_127 = arith.constant 1 : i32
      %sub3A_128 = arith.subi %add3A_126, %sub3A_127 : i32
      %jit3A_129 = arith.constant 3 : i32
      %eq3A_130 = arith.constant 0 : i32
      %eq3A_131 = arith.cmpi eq, %jit3A_129, %eq3A_130 : i32
      %jit3A_132 = arith.constant 1 : i32
      %select_n3A_133 = arith.select %eq3A_131, %jit3A_132, %jit3A_129 : i32
      %rem3A_134 = arith.remsi %sub3A_128, %select_n3A_133 : i32
      %ne3A_135 = arith.constant 0 : i32
      %ne3A_136 = arith.cmpi ne, %rem3A_134, %ne3A_135 : i32
      %lt3A_137 = arith.constant 0 : i32
      %lt3A_138 = arith.cmpi slt, %rem3A_134, %lt3A_137 : i32
      %lt3A_139 = arith.constant 0 : i32
      %lt3A_140 = arith.cmpi slt, %select_n3A_133, %lt3A_139 : i32
      %ne3A_141 = arith.xori %lt3A_138, %lt3A_140 : i1
      %and3A_142 = arith.andi %ne3A_141, %ne3A_136 : i1
      %add3A_143 = arith.addi %rem3A_134, %select_n3A_133 : i32
      %select_n3A_144 = arith.select %and3A_142, %add3A_143, %rem3A_134 : i32
      %mul3A_145 = arith.constant 32 : i32
      %mul3A_146 = arith.muli %sub3A_124, %mul3A_145 : i32
      %add3A_147 = arith.addi %mul3A_146, %add3A : i32
      %lt3A_148 = arith.constant 3125 : i32
      %lt3A_149 = arith.cmpi slt, %add3A_147, %lt3A_148 : i32
      %convert_element_type3A_150 = arith.extui %lt3A_149 : i1 to i32
      %cond3A_151 = arith.constant 0 : i32
      %cond3A_152 = arith.cmpi ne, %convert_element_type3A_150, %cond3A_151 : i32
      scf.if %cond3A_152 {
        %mul3A_218 = arith.constant 32 : i32
        %mul3A_219 = arith.muli %add3A_147, %mul3A_218 : i32
        %dma_start3A = arith.constant 0 : i32
        %dma_start3A_220 = arith.constant 0 : i32
        %dma_start3A_221 = tpu.memref_slice %arg5[%select_n3A_144, %dma_start3A, %dma_start3A_220] : memref<3x32x512xf32, #tpu.memory_space<vmem>> -> memref<1x32x512xf32, #tpu.memory_space<vmem>>
        %dma_start3A_222 = tpu.memref_squeeze %dma_start3A_221 : memref<1x32x512xf32, #tpu.memory_space<vmem>> -> memref<32x512xf32, #tpu.memory_space<vmem>>
        %dma_start3A_223 = arith.constant 0 : i32
        %dma_start3A_224 = tpu.memref_slice %arg2[%mul3A_219, %dma_start3A_223] : memref<100000x512xf32, #tpu.memory_space<hbm>> -> memref<32x512xf32, #tpu.memory_space<hbm>>
        %dma_start3A_225 = tpu.memref_slice %arg8[%select_n3A_144] : memref<3x!tpu.dma_semaphore, #tpu.memory_space<semaphore_mem>> -> memref<1x!tpu.dma_semaphore, #tpu.memory_space<semaphore_mem>>
        %dma_start3A_226 = tpu.memref_squeeze %dma_start3A_225 : memref<1x!tpu.dma_semaphore, #tpu.memory_space<semaphore_mem>> -> memref<!tpu.dma_semaphore, #tpu.memory_space<semaphore_mem>>
        %dma_start3A_227 = arith.constant 0 : i32
        %dma_start3A_228 = arith.constant 0 : i32
        %dma_start3A_229 = tpu.memref_slice %arg5[%select_n3A_144, %dma_start3A_227, %dma_start3A_228] : memref<3x32x512xf32, #tpu.memory_space<vmem>> -> memref<1x32x512xf32, #tpu.memory_space<vmem>>
        %dma_start3A_230 = tpu.memref_squeeze %dma_start3A_229 : memref<1x32x512xf32, #tpu.memory_space<vmem>> -> memref<32x512xf32, #tpu.memory_space<vmem>>
        %dma_start3A_231 = arith.constant 0 : i32
        %dma_start3A_232 = tpu.memref_slice %arg2[%mul3A_219, %dma_start3A_231] : memref<100000x512xf32, #tpu.memory_space<hbm>> -> memref<32x512xf32, #tpu.memory_space<hbm>>
        tpu.enqueue_dma source(%dma_start3A_232 : memref<32x512xf32, #tpu.memory_space<hbm>>) target(%dma_start3A_230 : memref<32x512xf32, #tpu.memory_space<vmem>>) target_semaphore(%dma_start3A_226 : memref<!tpu.dma_semaphore, #tpu.memory_space<semaphore_mem>>)
        %dma_start3A_233 = arith.constant 0 : i32
        %dma_start3A_234 = arith.constant 0 : i32
        %dma_start3A_235 = tpu.memref_slice %arg6[%select_n3A_144, %dma_start3A_233, %dma_start3A_234] : memref<3x32x512xi8, #tpu.memory_space<vmem>> -> memref<1x32x512xi8, #tpu.memory_space<vmem>>
        %dma_start3A_236 = tpu.memref_squeeze %dma_start3A_235 : memref<1x32x512xi8, #tpu.memory_space<vmem>> -> memref<32x512xi8, #tpu.memory_space<vmem>>
        %dma_start3A_237 = arith.constant 0 : i32
        %dma_start3A_238 = tpu.memref_slice %arg3[%mul3A_219, %dma_start3A_237] : memref<100000x512xi8, #tpu.memory_space<hbm>> -> memref<32x512xi8, #tpu.memory_space<hbm>>
        %dma_start3A_239 = tpu.memref_slice %arg9[%select_n3A_144] : memref<3x!tpu.dma_semaphore, #tpu.memory_space<semaphore_mem>> -> memref<1x!tpu.dma_semaphore, #tpu.memory_space<semaphore_mem>>
        %dma_start3A_240 = tpu.memref_squeeze %dma_start3A_239 : memref<1x!tpu.dma_semaphore, #tpu.memory_space<semaphore_mem>> -> memref<!tpu.dma_semaphore, #tpu.memory_space<semaphore_mem>>
        %dma_start3A_241 = arith.constant 0 : i32
        %dma_start3A_242 = arith.constant 0 : i32
        %dma_start3A_243 = tpu.memref_slice %arg6[%select_n3A_144, %dma_start3A_241, %dma_start3A_242] : memref<3x32x512xi8, #tpu.memory_space<vmem>> -> memref<1x32x512xi8, #tpu.memory_space<vmem>>
        %dma_start3A_244 = tpu.memref_squeeze %dma_start3A_243 : memref<1x32x512xi8, #tpu.memory_space<vmem>> -> memref<32x512xi8, #tpu.memory_space<vmem>>
        %dma_start3A_245 = arith.constant 0 : i32
        %dma_start3A_246 = tpu.memref_slice %arg3[%mul3A_219, %dma_start3A_245] : memref<100000x512xi8, #tpu.memory_space<hbm>> -> memref<32x512xi8, #tpu.memory_space<hbm>>
        tpu.enqueue_dma source(%dma_start3A_246 : memref<32x512xi8, #tpu.memory_space<hbm>>) target(%dma_start3A_244 : memref<32x512xi8, #tpu.memory_space<vmem>>) target_semaphore(%dma_start3A_240 : memref<!tpu.dma_semaphore, #tpu.memory_space<semaphore_mem>>)
      } else {
      }
      %mul3A_153 = arith.constant 3 : i32
      %mul3A_154 = arith.muli %mul3A_153, %scan3A_30 : i32
      %add3A_155 = arith.constant 2 : i32
      %add3A_156 = arith.addi %mul3A_154, %add3A_155 : i32
      %mul3A_157 = arith.constant 32 : i32
      %mul3A_158 = arith.muli %add3A_156, %mul3A_157 : i32
      %add3A_159 = arith.addi %mul3A_158, %add3A : i32
      %lt3A_160 = arith.constant 3125 : i32
      %lt3A_161 = arith.cmpi slt, %add3A_159, %lt3A_160 : i32
      %convert_element_type3A_162 = arith.extui %lt3A_161 : i1 to i32
      %cond3A_163 = arith.constant 0 : i32
      %cond3A_164 = arith.cmpi ne, %convert_element_type3A_162, %cond3A_163 : i32
      scf.if %cond3A_164 {
        %mul3A_218 = arith.constant 32 : i32
        %mul3A_219 = arith.muli %add3A_159, %mul3A_218 : i32
        %dma_wait3A = arith.constant 2 : i32
        %dma_wait3A_220 = arith.constant 2 : i32
        %dma_wait3A_221 = arith.constant 0 : i32
        %dma_wait3A_222 = arith.constant 0 : i32
        %dma_wait3A_223 = tpu.memref_slice %arg5[%dma_wait3A, %dma_wait3A_221, %dma_wait3A_222] : memref<3x32x512xf32, #tpu.memory_space<vmem>> -> memref<1x32x512xf32, #tpu.memory_space<vmem>>
        %dma_wait3A_224 = tpu.memref_squeeze %dma_wait3A_223 : memref<1x32x512xf32, #tpu.memory_space<vmem>> -> memref<32x512xf32, #tpu.memory_space<vmem>>
        %dma_wait3A_225 = arith.constant 0 : i32
        %dma_wait3A_226 = tpu.memref_slice %arg2[%mul3A_219, %dma_wait3A_225] : memref<100000x512xf32, #tpu.memory_space<hbm>> -> memref<32x512xf32, #tpu.memory_space<hbm>>
        %dma_wait3A_227 = tpu.memref_slice %arg8[%dma_wait3A_220] : memref<3x!tpu.dma_semaphore, #tpu.memory_space<semaphore_mem>> -> memref<1x!tpu.dma_semaphore, #tpu.memory_space<semaphore_mem>>
        %dma_wait3A_228 = tpu.memref_squeeze %dma_wait3A_227 : memref<1x!tpu.dma_semaphore, #tpu.memory_space<semaphore_mem>> -> memref<!tpu.dma_semaphore, #tpu.memory_space<semaphore_mem>>
        %dma_wait3A_229 = arith.constant 0 : i32
        %dma_wait3A_230 = arith.constant 0 : i32
        %dma_wait3A_231 = tpu.memref_slice %arg5[%dma_wait3A, %dma_wait3A_229, %dma_wait3A_230] : memref<3x32x512xf32, #tpu.memory_space<vmem>> -> memref<1x32x512xf32, #tpu.memory_space<vmem>>
        %dma_wait3A_232 = tpu.memref_squeeze %dma_wait3A_231 : memref<1x32x512xf32, #tpu.memory_space<vmem>> -> memref<32x512xf32, #tpu.memory_space<vmem>>
        %dma_wait3A_233 = arith.constant 0 : i32
        %dma_wait3A_234 = tpu.memref_slice %arg2[%mul3A_219, %dma_wait3A_233] : memref<100000x512xf32, #tpu.memory_space<hbm>> -> memref<32x512xf32, #tpu.memory_space<hbm>>
        tpu.wait_dma2 semaphore(%dma_wait3A_228 : memref<!tpu.dma_semaphore, #tpu.memory_space<semaphore_mem>>) src(%dma_wait3A_234 : memref<32x512xf32, #tpu.memory_space<hbm>>) dst(%dma_wait3A_232 : memref<32x512xf32, #tpu.memory_space<vmem>>)
        %dma_wait3A_235 = arith.constant 2 : i32
        %dma_wait3A_236 = arith.constant 2 : i32
        %dma_wait3A_237 = arith.constant 0 : i32
        %dma_wait3A_238 = arith.constant 0 : i32
        %dma_wait3A_239 = tpu.memref_slice %arg6[%dma_wait3A_235, %dma_wait3A_237, %dma_wait3A_238] : memref<3x32x512xi8, #tpu.memory_space<vmem>> -> memref<1x32x512xi8, #tpu.memory_space<vmem>>
        %dma_wait3A_240 = tpu.memref_squeeze %dma_wait3A_239 : memref<1x32x512xi8, #tpu.memory_space<vmem>> -> memref<32x512xi8, #tpu.memory_space<vmem>>
        %dma_wait3A_241 = arith.constant 0 : i32
        %dma_wait3A_242 = tpu.memref_slice %arg3[%mul3A_219, %dma_wait3A_241] : memref<100000x512xi8, #tpu.memory_space<hbm>> -> memref<32x512xi8, #tpu.memory_space<hbm>>
        %dma_wait3A_243 = tpu.memref_slice %arg9[%dma_wait3A_236] : memref<3x!tpu.dma_semaphore, #tpu.memory_space<semaphore_mem>> -> memref<1x!tpu.dma_semaphore, #tpu.memory_space<semaphore_mem>>
        %dma_wait3A_244 = tpu.memref_squeeze %dma_wait3A_243 : memref<1x!tpu.dma_semaphore, #tpu.memory_space<semaphore_mem>> -> memref<!tpu.dma_semaphore, #tpu.memory_space<semaphore_mem>>
        %dma_wait3A_245 = arith.constant 0 : i32
        %dma_wait3A_246 = arith.constant 0 : i32
        %dma_wait3A_247 = tpu.memref_slice %arg6[%dma_wait3A_235, %dma_wait3A_245, %dma_wait3A_246] : memref<3x32x512xi8, #tpu.memory_space<vmem>> -> memref<1x32x512xi8, #tpu.memory_space<vmem>>
        %dma_wait3A_248 = tpu.memref_squeeze %dma_wait3A_247 : memref<1x32x512xi8, #tpu.memory_space<vmem>> -> memref<32x512xi8, #tpu.memory_space<vmem>>
        %dma_wait3A_249 = arith.constant 0 : i32
        %dma_wait3A_250 = tpu.memref_slice %arg3[%mul3A_219, %dma_wait3A_249] : memref<100000x512xi8, #tpu.memory_space<hbm>> -> memref<32x512xi8, #tpu.memory_space<hbm>>
        tpu.wait_dma2 semaphore(%dma_wait3A_244 : memref<!tpu.dma_semaphore, #tpu.memory_space<semaphore_mem>>) src(%dma_wait3A_250 : memref<32x512xi8, #tpu.memory_space<hbm>>) dst(%dma_wait3A_248 : memref<32x512xi8, #tpu.memory_space<vmem>>)
      } else {
      }
      %mul3A_165 = arith.constant 32 : i32
      %mul3A_166 = arith.muli %add3A_156, %mul3A_165 : i32
      %add3A_167 = arith.addi %mul3A_166, %add3A : i32
      %lt3A_168 = arith.constant 3125 : i32
      %lt3A_169 = arith.cmpi slt, %add3A_167, %lt3A_168 : i32
      %convert_element_type3A_170 = arith.extui %lt3A_169 : i1 to i32
      %cond3A_171 = arith.constant 0 : i32
      %cond3A_172 = arith.cmpi ne, %convert_element_type3A_170, %cond3A_171 : i32
      scf.if %cond3A_172 {
        %parallel_loop3A = arith.constant 0 : i32
        %parallel_loop3A_218 = arith.constant 256 : i32
        %parallel_loop3A_219 = arith.constant 1 : i32
        %parallel_loop3A_220 = arith.constant 2 : i32
        %parallel_loop3A_221 = arith.constant 2 : i32
        %parallel_loop3A_222 = arith.constant 2 : i32
        scf.for %parallel_loop3A_223 = %parallel_loop3A to %parallel_loop3A_218 step %parallel_loop3A_219  : i32 {
          %parallel_loop3A_224 = arith.constant 32 : i32
          %parallel_loop3A_225 = arith.divsi %parallel_loop3A_223, %parallel_loop3A_224 : i32
          %parallel_loop3A_226 = arith.constant 0 : i32
          %parallel_loop3A_227 = arith.cmpi sgt, %parallel_loop3A_223, %parallel_loop3A_226 : i32
          %parallel_loop3A_228 = arith.extui %parallel_loop3A_227 : i1 to i32
          %parallel_loop3A_229 = arith.constant 0 : i32
          %parallel_loop3A_230 = arith.cmpi slt, %parallel_loop3A_223, %parallel_loop3A_229 : i32
          %parallel_loop3A_231 = arith.extui %parallel_loop3A_230 : i1 to i32
          %parallel_loop3A_232 = arith.subi %parallel_loop3A_228, %parallel_loop3A_231 : i32
          %parallel_loop3A_233 = arith.constant 0 : i32
          %parallel_loop3A_234 = arith.cmpi sgt, %parallel_loop3A_224, %parallel_loop3A_233 : i32
          %parallel_loop3A_235 = arith.extui %parallel_loop3A_234 : i1 to i32
          %parallel_loop3A_236 = arith.constant 0 : i32
          %parallel_loop3A_237 = arith.cmpi slt, %parallel_loop3A_224, %parallel_loop3A_236 : i32
          %parallel_loop3A_238 = arith.extui %parallel_loop3A_237 : i1 to i32
          %parallel_loop3A_239 = arith.subi %parallel_loop3A_235, %parallel_loop3A_238 : i32
          %parallel_loop3A_240 = arith.cmpi ne, %parallel_loop3A_232, %parallel_loop3A_239 : i32
          %parallel_loop3A_241 = arith.remsi %parallel_loop3A_223, %parallel_loop3A_224 : i32
          %parallel_loop3A_242 = arith.constant 0 : i32
          %parallel_loop3A_243 = arith.cmpi ne, %parallel_loop3A_241, %parallel_loop3A_242 : i32
          %parallel_loop3A_244 = arith.andi %parallel_loop3A_240, %parallel_loop3A_243 : i1
          %parallel_loop3A_245 = arith.constant 1 : i32
          %parallel_loop3A_246 = arith.subi %parallel_loop3A_225, %parallel_loop3A_245 : i32
          %parallel_loop3A_247 = arith.select %parallel_loop3A_244, %parallel_loop3A_246, %parallel_loop3A_225 : i32
          %parallel_loop3A_248 = arith.constant 32 : i32
          %parallel_loop3A_249 = arith.constant 0 : i32
          %parallel_loop3A_250 = arith.cmpi eq, %parallel_loop3A_248, %parallel_loop3A_249 : i32
          %parallel_loop3A_251 = arith.constant 1 : i32
          %parallel_loop3A_252 = arith.select %parallel_loop3A_250, %parallel_loop3A_251, %parallel_loop3A_248 : i32
          %parallel_loop3A_253 = arith.remsi %parallel_loop3A_223, %parallel_loop3A_252 : i32
          %parallel_loop3A_254 = arith.constant 0 : i32
          %parallel_loop3A_255 = arith.cmpi ne, %parallel_loop3A_253, %parallel_loop3A_254 : i32
          %parallel_loop3A_256 = arith.constant 0 : i32
          %parallel_loop3A_257 = arith.cmpi slt, %parallel_loop3A_253, %parallel_loop3A_256 : i32
          %parallel_loop3A_258 = arith.constant 0 : i32
          %parallel_loop3A_259 = arith.cmpi slt, %parallel_loop3A_252, %parallel_loop3A_258 : i32
          %parallel_loop3A_260 = arith.xori %parallel_loop3A_257, %parallel_loop3A_259 : i1
          %parallel_loop3A_261 = arith.andi %parallel_loop3A_260, %parallel_loop3A_255 : i1
          %parallel_loop3A_262 = arith.addi %parallel_loop3A_253, %parallel_loop3A_252 : i32
          %parallel_loop3A_263 = arith.select %parallel_loop3A_261, %parallel_loop3A_262, %parallel_loop3A_253 : i32
          %parallel_loop3A_264 = arith.constant 16 : i32
          %parallel_loop3A_265 = arith.muli %parallel_loop3A_263, %parallel_loop3A_264 : i32
          %parallel_loop3A_266 = arith.constant 0 : i32
          %parallel_loop3A_267 = arith.constant 0 : i32
          %parallel_loop3A_268 = tpu.memref_slice %arg6[%parallel_loop3A_220, %parallel_loop3A_266, %parallel_loop3A_267] : memref<3x32x512xi8, #tpu.memory_space<vmem>> -> memref<1x32x512xi8, #tpu.memory_space<vmem>>
          %parallel_loop3A_269 = tpu.memref_squeeze %parallel_loop3A_268 : memref<1x32x512xi8, #tpu.memory_space<vmem>> -> memref<32x512xi8, #tpu.memory_space<vmem>>
          %parallel_loop3A_270 = tpu.memref_bitcast %parallel_loop3A_269 : memref<32x512xi8, #tpu.memory_space<vmem>> -> memref<8x512xi32, #tpu.memory_space<vmem>>
          %parallel_loop3A_271 = arith.index_cast %parallel_loop3A_247 : i32 to index
          %parallel_loop3A_272 = arith.index_cast %parallel_loop3A_265 : i32 to index
          %parallel_loop3A_273 = tpu.vector_load %parallel_loop3A_270[%parallel_loop3A_271, %parallel_loop3A_272] {strides = array<i32>} : memref<8x512xi32, #tpu.memory_space<vmem>>, vector<1x16xi32>,
          %parallel_loop3A_274 = vector.shape_cast %parallel_loop3A_273 : vector<1x16xi32> to vector<16xi32>
          %parallel_loop3A_275 = arith.constant 4 : i32
          %parallel_loop3A_276 = arith.muli %parallel_loop3A_247, %parallel_loop3A_275 : i32
          %parallel_loop3A_277 = arith.constant 0 : i32
          %parallel_loop3A_278 = arith.addi %parallel_loop3A_276, %parallel_loop3A_277 : i32
          %parallel_loop3A_279 = arith.constant 0 : i32
          %parallel_loop3A_280 = arith.constant 0 : i32
          %parallel_loop3A_281 = tpu.memref_slice %arg5[%parallel_loop3A_221, %parallel_loop3A_279, %parallel_loop3A_280] : memref<3x32x512xf32, #tpu.memory_space<vmem>> -> memref<1x32x512xf32, #tpu.memory_space<vmem>>
          %parallel_loop3A_282 = tpu.memref_squeeze %parallel_loop3A_281 : memref<1x32x512xf32, #tpu.memory_space<vmem>> -> memref<32x512xf32, #tpu.memory_space<vmem>>
          %parallel_loop3A_283 = arith.index_cast %parallel_loop3A_278 : i32 to index
          %parallel_loop3A_284 = arith.index_cast %parallel_loop3A_265 : i32 to index
          %parallel_loop3A_285 = tpu.vector_load %parallel_loop3A_282[%parallel_loop3A_283, %parallel_loop3A_284] {strides = array<i32>} : memref<32x512xf32, #tpu.memory_space<vmem>>, vector<1x16xf32>,
          %parallel_loop3A_286 = vector.shape_cast %parallel_loop3A_285 : vector<1x16xf32> to vector<16xf32>
          %parallel_loop3A_287 = arith.constant 31 : i32
          %parallel_loop3A_288 = vector.broadcast %parallel_loop3A_287 : i32 to vector<16xi32>
          %parallel_loop3A_289 = arith.shli %parallel_loop3A_274, %parallel_loop3A_288 : vector<16xi32>
          %parallel_loop3A_290 = arith.constant 0 : i32
          %parallel_loop3A_291 = vector.broadcast %parallel_loop3A_290 : i32 to vector<16xi32>
          %parallel_loop3A_292 = arith.cmpi slt, %parallel_loop3A_289, %parallel_loop3A_291 : vector<16xi32>
          %parallel_loop3A_293 = arith.constant 5.000000e-01 : f32
          %parallel_loop3A_294 = vector.broadcast %parallel_loop3A_293 : f32 to vector<16xf32>
          %parallel_loop3A_295 = arith.cmpf ogt, %parallel_loop3A_286, %parallel_loop3A_294 : vector<16xf32>
          %parallel_loop3A_296 = arith.constant 1.000000e+00 : f32
          %parallel_loop3A_297 = arith.constant 0.000000e+00 : f32
          %parallel_loop3A_298 = vector.broadcast %parallel_loop3A_296 : f32 to vector<16xf32>
          %parallel_loop3A_299 = vector.broadcast %parallel_loop3A_297 : f32 to vector<16xf32>
          %parallel_loop3A_300 = arith.select %parallel_loop3A_295, %parallel_loop3A_298, %parallel_loop3A_299 : vector<16xi1>, vector<16xf32>
          %parallel_loop3A_301 = arith.select %parallel_loop3A_292, %parallel_loop3A_300, %parallel_loop3A_286 : vector<16xi1>, vector<16xf32>
          %parallel_loop3A_302 = arith.constant 4 : i32
          %parallel_loop3A_303 = arith.muli %parallel_loop3A_247, %parallel_loop3A_302 : i32
          %parallel_loop3A_304 = arith.constant 0 : i32
          %parallel_loop3A_305 = arith.addi %parallel_loop3A_303, %parallel_loop3A_304 : i32
          %parallel_loop3A_306 = arith.constant 0 : i32
          %parallel_loop3A_307 = arith.constant 0 : i32
          %parallel_loop3A_308 = tpu.memref_slice %arg7[%parallel_loop3A_222, %parallel_loop3A_306, %parallel_loop3A_307] : memref<3x32x512xf32, #tpu.memory_space<vmem>> -> memref<1x32x512xf32, #tpu.memory_space<vmem>>
          %parallel_loop3A_309 = tpu.memref_squeeze %parallel_loop3A_308 : memref<1x32x512xf32, #tpu.memory_space<vmem>> -> memref<32x512xf32, #tpu.memory_space<vmem>>
          %parallel_loop3A_310 = arith.index_cast %parallel_loop3A_305 : i32 to index
          %parallel_loop3A_311 = arith.index_cast %parallel_loop3A_265 : i32 to index
          %parallel_loop3A_312 = tpu.vector_load %parallel_loop3A_309[%parallel_loop3A_310, %parallel_loop3A_311] {strides = array<i32>} : memref<32x512xf32, #tpu.memory_space<vmem>>, vector<1x16xf32>,
          %parallel_loop3A_313 = vector.shape_cast %parallel_loop3A_312 : vector<1x16xf32> to vector<16xf32>
          %parallel_loop3A_314 = vector.shape_cast %parallel_loop3A_301 : vector<16xf32> to vector<1x16xf32>
          tpu.vector_store %parallel_loop3A_309[%parallel_loop3A_310, %parallel_loop3A_311], %parallel_loop3A_314 {strides = array<i32>} : memref<32x512xf32, #tpu.memory_space<vmem>>, vector<1x16xf32>,
          %parallel_loop3A_315 = arith.constant 4 : i32
          %parallel_loop3A_316 = arith.muli %parallel_loop3A_247, %parallel_loop3A_315 : i32
          %parallel_loop3A_317 = arith.constant 1 : i32
          %parallel_loop3A_318 = arith.addi %parallel_loop3A_316, %parallel_loop3A_317 : i32
          %parallel_loop3A_319 = arith.constant 0 : i32
          %parallel_loop3A_320 = arith.constant 0 : i32
          %parallel_loop3A_321 = tpu.memref_slice %arg5[%parallel_loop3A_221, %parallel_loop3A_319, %parallel_loop3A_320] : memref<3x32x512xf32, #tpu.memory_space<vmem>> -> memref<1x32x512xf32, #tpu.memory_space<vmem>>
          %parallel_loop3A_322 = tpu.memref_squeeze %parallel_loop3A_321 : memref<1x32x512xf32, #tpu.memory_space<vmem>> -> memref<32x512xf32, #tpu.memory_space<vmem>>
          %parallel_loop3A_323 = arith.index_cast %parallel_loop3A_318 : i32 to index
          %parallel_loop3A_324 = arith.index_cast %parallel_loop3A_265 : i32 to index
          %parallel_loop3A_325 = tpu.vector_load %parallel_loop3A_322[%parallel_loop3A_323, %parallel_loop3A_324] {strides = array<i32>} : memref<32x512xf32, #tpu.memory_space<vmem>>, vector<1x16xf32>,
          %parallel_loop3A_326 = vector.shape_cast %parallel_loop3A_325 : vector<1x16xf32> to vector<16xf32>
          %parallel_loop3A_327 = arith.constant 23 : i32
          %parallel_loop3A_328 = vector.broadcast %parallel_loop3A_327 : i32 to vector<16xi32>
          %parallel_loop3A_329 = arith.shli %parallel_loop3A_274, %parallel_loop3A_328 : vector<16xi32>
          %parallel_loop3A_330 = arith.constant 0 : i32
          %parallel_loop3A_331 = vector.broadcast %parallel_loop3A_330 : i32 to vector<16xi32>
          %parallel_loop3A_332 = arith.cmpi slt, %parallel_loop3A_329, %parallel_loop3A_331 : vector<16xi32>
          %parallel_loop3A_333 = arith.constant 5.000000e-01 : f32
          %parallel_loop3A_334 = vector.broadcast %parallel_loop3A_333 : f32 to vector<16xf32>
          %parallel_loop3A_335 = arith.cmpf ogt, %parallel_loop3A_326, %parallel_loop3A_334 : vector<16xf32>
          %parallel_loop3A_336 = arith.constant 1.000000e+00 : f32
          %parallel_loop3A_337 = arith.constant 0.000000e+00 : f32
          %parallel_loop3A_338 = vector.broadcast %parallel_loop3A_336 : f32 to vector<16xf32>
          %parallel_loop3A_339 = vector.broadcast %parallel_loop3A_337 : f32 to vector<16xf32>
          %parallel_loop3A_340 = arith.select %parallel_loop3A_335, %parallel_loop3A_338, %parallel_loop3A_339 : vector<16xi1>, vector<16xf32>
          %parallel_loop3A_341 = arith.select %parallel_loop3A_332, %parallel_loop3A_340, %parallel_loop3A_326 : vector<16xi1>, vector<16xf32>
          %parallel_loop3A_342 = arith.constant 4 : i32
          %parallel_loop3A_343 = arith.muli %parallel_loop3A_247, %parallel_loop3A_342 : i32
          %parallel_loop3A_344 = arith.constant 1 : i32
          %parallel_loop3A_345 = arith.addi %parallel_loop3A_343, %parallel_loop3A_344 : i32
          %parallel_loop3A_346 = arith.constant 0 : i32
          %parallel_loop3A_347 = arith.constant 0 : i32
          %parallel_loop3A_348 = tpu.memref_slice %arg7[%parallel_loop3A_222, %parallel_loop3A_346, %parallel_loop3A_347] : memref<3x32x512xf32, #tpu.memory_space<vmem>> -> memref<1x32x512xf32, #tpu.memory_space<vmem>>
          %parallel_loop3A_349 = tpu.memref_squeeze %parallel_loop3A_348 : memref<1x32x512xf32, #tpu.memory_space<vmem>> -> memref<32x512xf32, #tpu.memory_space<vmem>>
          %parallel_loop3A_350 = arith.index_cast %parallel_loop3A_345 : i32 to index
          %parallel_loop3A_351 = arith.index_cast %parallel_loop3A_265 : i32 to index
          %parallel_loop3A_352 = tpu.vector_load %parallel_loop3A_349[%parallel_loop3A_350, %parallel_loop3A_351] {strides = array<i32>} : memref<32x512xf32, #tpu.memory_space<vmem>>, vector<1x16xf32>,
          %parallel_loop3A_353 = vector.shape_cast %parallel_loop3A_352 : vector<1x16xf32> to vector<16xf32>
          %parallel_loop3A_354 = vector.shape_cast %parallel_loop3A_341 : vector<16xf32> to vector<1x16xf32>
          tpu.vector_store %parallel_loop3A_349[%parallel_loop3A_350, %parallel_loop3A_351], %parallel_loop3A_354 {strides = array<i32>} : memref<32x512xf32, #tpu.memory_space<vmem>>, vector<1x16xf32>,
          %parallel_loop3A_355 = arith.constant 4 : i32
          %parallel_loop3A_356 = arith.muli %parallel_loop3A_247, %parallel_loop3A_355 : i32
          %parallel_loop3A_357 = arith.constant 2 : i32
          %parallel_loop3A_358 = arith.addi %parallel_loop3A_356, %parallel_loop3A_357 : i32
          %parallel_loop3A_359 = arith.constant 0 : i32
          %parallel_loop3A_360 = arith.constant 0 : i32
          %parallel_loop3A_361 = tpu.memref_slice %arg5[%parallel_loop3A_221, %parallel_loop3A_359, %parallel_loop3A_360] : memref<3x32x512xf32, #tpu.memory_space<vmem>> -> memref<1x32x512xf32, #tpu.memory_space<vmem>>
          %parallel_loop3A_362 = tpu.memref_squeeze %parallel_loop3A_361 : memref<1x32x512xf32, #tpu.memory_space<vmem>> -> memref<32x512xf32, #tpu.memory_space<vmem>>
          %parallel_loop3A_363 = arith.index_cast %parallel_loop3A_358 : i32 to index
          %parallel_loop3A_364 = arith.index_cast %parallel_loop3A_265 : i32 to index
          %parallel_loop3A_365 = tpu.vector_load %parallel_loop3A_362[%parallel_loop3A_363, %parallel_loop3A_364] {strides = array<i32>} : memref<32x512xf32, #tpu.memory_space<vmem>>, vector<1x16xf32>,
          %parallel_loop3A_366 = vector.shape_cast %parallel_loop3A_365 : vector<1x16xf32> to vector<16xf32>
          %parallel_loop3A_367 = arith.constant 15 : i32
          %parallel_loop3A_368 = vector.broadcast %parallel_loop3A_367 : i32 to vector<16xi32>
          %parallel_loop3A_369 = arith.shli %parallel_loop3A_274, %parallel_loop3A_368 : vector<16xi32>
          %parallel_loop3A_370 = arith.constant 0 : i32
          %parallel_loop3A_371 = vector.broadcast %parallel_loop3A_370 : i32 to vector<16xi32>
          %parallel_loop3A_372 = arith.cmpi slt, %parallel_loop3A_369, %parallel_loop3A_371 : vector<16xi32>
          %parallel_loop3A_373 = arith.constant 5.000000e-01 : f32
          %parallel_loop3A_374 = vector.broadcast %parallel_loop3A_373 : f32 to vector<16xf32>
          %parallel_loop3A_375 = arith.cmpf ogt, %parallel_loop3A_366, %parallel_loop3A_374 : vector<16xf32>
          %parallel_loop3A_376 = arith.constant 1.000000e+00 : f32
          %parallel_loop3A_377 = arith.constant 0.000000e+00 : f32
          %parallel_loop3A_378 = vector.broadcast %parallel_loop3A_376 : f32 to vector<16xf32>
          %parallel_loop3A_379 = vector.broadcast %parallel_loop3A_377 : f32 to vector<16xf32>
          %parallel_loop3A_380 = arith.select %parallel_loop3A_375, %parallel_loop3A_378, %parallel_loop3A_379 : vector<16xi1>, vector<16xf32>
          %parallel_loop3A_381 = arith.select %parallel_loop3A_372, %parallel_loop3A_380, %parallel_loop3A_366 : vector<16xi1>, vector<16xf32>
          %parallel_loop3A_382 = arith.constant 4 : i32
          %parallel_loop3A_383 = arith.muli %parallel_loop3A_247, %parallel_loop3A_382 : i32
          %parallel_loop3A_384 = arith.constant 2 : i32
          %parallel_loop3A_385 = arith.addi %parallel_loop3A_383, %parallel_loop3A_384 : i32
          %parallel_loop3A_386 = arith.constant 0 : i32
          %parallel_loop3A_387 = arith.constant 0 : i32
          %parallel_loop3A_388 = tpu.memref_slice %arg7[%parallel_loop3A_222, %parallel_loop3A_386, %parallel_loop3A_387] : memref<3x32x512xf32, #tpu.memory_space<vmem>> -> memref<1x32x512xf32, #tpu.memory_space<vmem>>
          %parallel_loop3A_389 = tpu.memref_squeeze %parallel_loop3A_388 : memref<1x32x512xf32, #tpu.memory_space<vmem>> -> memref<32x512xf32, #tpu.memory_space<vmem>>
          %parallel_loop3A_390 = arith.index_cast %parallel_loop3A_385 : i32 to index
          %parallel_loop3A_391 = arith.index_cast %parallel_loop3A_265 : i32 to index
          %parallel_loop3A_392 = tpu.vector_load %parallel_loop3A_389[%parallel_loop3A_390, %parallel_loop3A_391] {strides = array<i32>} : memref<32x512xf32, #tpu.memory_space<vmem>>, vector<1x16xf32>,
          %parallel_loop3A_393 = vector.shape_cast %parallel_loop3A_392 : vector<1x16xf32> to vector<16xf32>
          %parallel_loop3A_394 = vector.shape_cast %parallel_loop3A_381 : vector<16xf32> to vector<1x16xf32>
          tpu.vector_store %parallel_loop3A_389[%parallel_loop3A_390, %parallel_loop3A_391], %parallel_loop3A_394 {strides = array<i32>} : memref<32x512xf32, #tpu.memory_space<vmem>>, vector<1x16xf32>,
          %parallel_loop3A_395 = arith.constant 4 : i32
          %parallel_loop3A_396 = arith.muli %parallel_loop3A_247, %parallel_loop3A_395 : i32
          %parallel_loop3A_397 = arith.constant 3 : i32
          %parallel_loop3A_398 = arith.addi %parallel_loop3A_396, %parallel_loop3A_397 : i32
          %parallel_loop3A_399 = arith.constant 0 : i32
          %parallel_loop3A_400 = arith.constant 0 : i32
          %parallel_loop3A_401 = tpu.memref_slice %arg5[%parallel_loop3A_221, %parallel_loop3A_399, %parallel_loop3A_400] : memref<3x32x512xf32, #tpu.memory_space<vmem>> -> memref<1x32x512xf32, #tpu.memory_space<vmem>>
          %parallel_loop3A_402 = tpu.memref_squeeze %parallel_loop3A_401 : memref<1x32x512xf32, #tpu.memory_space<vmem>> -> memref<32x512xf32, #tpu.memory_space<vmem>>
          %parallel_loop3A_403 = arith.index_cast %parallel_loop3A_398 : i32 to index
          %parallel_loop3A_404 = arith.index_cast %parallel_loop3A_265 : i32 to index
          %parallel_loop3A_405 = tpu.vector_load %parallel_loop3A_402[%parallel_loop3A_403, %parallel_loop3A_404] {strides = array<i32>} : memref<32x512xf32, #tpu.memory_space<vmem>>, vector<1x16xf32>,
          %parallel_loop3A_406 = vector.shape_cast %parallel_loop3A_405 : vector<1x16xf32> to vector<16xf32>
          %parallel_loop3A_407 = arith.constant 7 : i32
          %parallel_loop3A_408 = vector.broadcast %parallel_loop3A_407 : i32 to vector<16xi32>
          %parallel_loop3A_409 = arith.shli %parallel_loop3A_274, %parallel_loop3A_408 : vector<16xi32>
          %parallel_loop3A_410 = arith.constant 0 : i32
          %parallel_loop3A_411 = vector.broadcast %parallel_loop3A_410 : i32 to vector<16xi32>
          %parallel_loop3A_412 = arith.cmpi slt, %parallel_loop3A_409, %parallel_loop3A_411 : vector<16xi32>
          %parallel_loop3A_413 = arith.constant 5.000000e-01 : f32
          %parallel_loop3A_414 = vector.broadcast %parallel_loop3A_413 : f32 to vector<16xf32>
          %parallel_loop3A_415 = arith.cmpf ogt, %parallel_loop3A_406, %parallel_loop3A_414 : vector<16xf32>
          %parallel_loop3A_416 = arith.constant 1.000000e+00 : f32
          %parallel_loop3A_417 = arith.constant 0.000000e+00 : f32
          %parallel_loop3A_418 = vector.broadcast %parallel_loop3A_416 : f32 to vector<16xf32>
          %parallel_loop3A_419 = vector.broadcast %parallel_loop3A_417 : f32 to vector<16xf32>
          %parallel_loop3A_420 = arith.select %parallel_loop3A_415, %parallel_loop3A_418, %parallel_loop3A_419 : vector<16xi1>, vector<16xf32>
          %parallel_loop3A_421 = arith.select %parallel_loop3A_412, %parallel_loop3A_420, %parallel_loop3A_406 : vector<16xi1>, vector<16xf32>
          %parallel_loop3A_422 = arith.constant 4 : i32
          %parallel_loop3A_423 = arith.muli %parallel_loop3A_247, %parallel_loop3A_422 : i32
          %parallel_loop3A_424 = arith.constant 3 : i32
          %parallel_loop3A_425 = arith.addi %parallel_loop3A_423, %parallel_loop3A_424 : i32
          %parallel_loop3A_426 = arith.constant 0 : i32
          %parallel_loop3A_427 = arith.constant 0 : i32
          %parallel_loop3A_428 = tpu.memref_slice %arg7[%parallel_loop3A_222, %parallel_loop3A_426, %parallel_loop3A_427] : memref<3x32x512xf32, #tpu.memory_space<vmem>> -> memref<1x32x512xf32, #tpu.memory_space<vmem>>
          %parallel_loop3A_429 = tpu.memref_squeeze %parallel_loop3A_428 : memref<1x32x512xf32, #tpu.memory_space<vmem>> -> memref<32x512xf32, #tpu.memory_space<vmem>>
          %parallel_loop3A_430 = arith.index_cast %parallel_loop3A_425 : i32 to index
          %parallel_loop3A_431 = arith.index_cast %parallel_loop3A_265 : i32 to index
          %parallel_loop3A_432 = tpu.vector_load %parallel_loop3A_429[%parallel_loop3A_430, %parallel_loop3A_431] {strides = array<i32>} : memref<32x512xf32, #tpu.memory_space<vmem>>, vector<1x16xf32>,
          %parallel_loop3A_433 = vector.shape_cast %parallel_loop3A_432 : vector<1x16xf32> to vector<16xf32>
          %parallel_loop3A_434 = vector.shape_cast %parallel_loop3A_421 : vector<16xf32> to vector<1x16xf32>
          tpu.vector_store %parallel_loop3A_429[%parallel_loop3A_430, %parallel_loop3A_431], %parallel_loop3A_434 {strides = array<i32>} : memref<32x512xf32, #tpu.memory_space<vmem>>, vector<1x16xf32>,
        } {sc.loop_unroll_factor = 3 : i64, sc.parallel_access}
      } else {
      }
      %mul3A_173 = arith.constant 32 : i32
      %mul3A_174 = arith.muli %add3A_156, %mul3A_173 : i32
      %add3A_175 = arith.addi %mul3A_174, %add3A : i32
      %lt3A_176 = arith.constant 3125 : i32
      %lt3A_177 = arith.cmpi slt, %add3A_175, %lt3A_176 : i32
      %convert_element_type3A_178 = arith.extui %lt3A_177 : i1 to i32
      %cond3A_179 = arith.constant 0 : i32
      %cond3A_180 = arith.cmpi ne, %convert_element_type3A_178, %cond3A_179 : i32
      scf.if %cond3A_180 {
        %mul3A_218 = arith.constant 32 : i32
        %mul3A_219 = arith.muli %add3A_175, %mul3A_218 : i32
        %dma_start3A = arith.constant 2 : i32
        %dma_start3A_220 = arith.constant 2 : i32
        %dma_start3A_221 = arith.constant 0 : i32
        %dma_start3A_222 = arith.constant 0 : i32
        %dma_start3A_223 = tpu.memref_slice %arg7[%dma_start3A, %dma_start3A_221, %dma_start3A_222] : memref<3x32x512xf32, #tpu.memory_space<vmem>> -> memref<1x32x512xf32, #tpu.memory_space<vmem>>
        %dma_start3A_224 = tpu.memref_squeeze %dma_start3A_223 : memref<1x32x512xf32, #tpu.memory_space<vmem>> -> memref<32x512xf32, #tpu.memory_space<vmem>>
        %dma_start3A_225 = arith.constant 0 : i32
        %dma_start3A_226 = tpu.memref_slice %arg4[%mul3A_219, %dma_start3A_225] : memref<100000x512xf32, #tpu.memory_space<hbm>> -> memref<32x512xf32, #tpu.memory_space<hbm>>
        %dma_start3A_227 = tpu.memref_slice %arg10[%dma_start3A_220] : memref<3x!tpu.dma_semaphore, #tpu.memory_space<semaphore_mem>> -> memref<1x!tpu.dma_semaphore, #tpu.memory_space<semaphore_mem>>
        %dma_start3A_228 = tpu.memref_squeeze %dma_start3A_227 : memref<1x!tpu.dma_semaphore, #tpu.memory_space<semaphore_mem>> -> memref<!tpu.dma_semaphore, #tpu.memory_space<semaphore_mem>>
        %dma_start3A_229 = arith.constant 0 : i32
        %dma_start3A_230 = tpu.memref_slice %arg4[%mul3A_219, %dma_start3A_229] : memref<100000x512xf32, #tpu.memory_space<hbm>> -> memref<32x512xf32, #tpu.memory_space<hbm>>
        %dma_start3A_231 = arith.constant 0 : i32
        %dma_start3A_232 = arith.constant 0 : i32
        %dma_start3A_233 = tpu.memref_slice %arg7[%dma_start3A, %dma_start3A_231, %dma_start3A_232] : memref<3x32x512xf32, #tpu.memory_space<vmem>> -> memref<1x32x512xf32, #tpu.memory_space<vmem>>
        %dma_start3A_234 = tpu.memref_squeeze %dma_start3A_233 : memref<1x32x512xf32, #tpu.memory_space<vmem>> -> memref<32x512xf32, #tpu.memory_space<vmem>>
        tpu.enqueue_dma source(%dma_start3A_234 : memref<32x512xf32, #tpu.memory_space<vmem>>) target(%dma_start3A_230 : memref<32x512xf32, #tpu.memory_space<hbm>>) target_semaphore(%dma_start3A_228 : memref<!tpu.dma_semaphore, #tpu.memory_space<semaphore_mem>>)
      } else {
      }
      %ge3A_181 = arith.constant 2 : i32
      %ge3A_182 = arith.cmpi sge, %add3A_156, %ge3A_181 : i32
      %convert_element_type3A_183 = arith.extui %ge3A_182 : i1 to i32
      %cond3A_184 = arith.constant 0 : i32
      %cond3A_185 = arith.cmpi ne, %convert_element_type3A_183, %cond3A_184 : i32
      scf.if %cond3A_185 {
        %sub3A_218 = arith.constant 2 : i32
        %sub3A_219 = arith.subi %add3A_156, %sub3A_218 : i32
        %add3A_220 = arith.constant 1 : i32
        %add3A_221 = arith.addi %add3A_156, %add3A_220 : i32
        %jit3A_222 = arith.constant 3 : i32
        %eq3A_223 = arith.constant 0 : i32
        %eq3A_224 = arith.cmpi eq, %jit3A_222, %eq3A_223 : i32
        %jit3A_225 = arith.constant 1 : i32
        %select_n3A_226 = arith.select %eq3A_224, %jit3A_225, %jit3A_222 : i32
        %rem3A_227 = arith.remsi %add3A_221, %select_n3A_226 : i32
        %ne3A_228 = arith.constant 0 : i32
        %ne3A_229 = arith.cmpi ne, %rem3A_227, %ne3A_228 : i32
        %lt3A_230 = arith.constant 0 : i32
        %lt3A_231 = arith.cmpi slt, %rem3A_227, %lt3A_230 : i32
        %lt3A_232 = arith.constant 0 : i32
        %lt3A_233 = arith.cmpi slt, %select_n3A_226, %lt3A_232 : i32
        %ne3A_234 = arith.xori %lt3A_231, %lt3A_233 : i1
        %and3A_235 = arith.andi %ne3A_234, %ne3A_229 : i1
        %add3A_236 = arith.addi %rem3A_227, %select_n3A_226 : i32
        %select_n3A_237 = arith.select %and3A_235, %add3A_236, %rem3A_227 : i32
        %mul3A_238 = arith.constant 32 : i32
        %mul3A_239 = arith.muli %sub3A_219, %mul3A_238 : i32
        %add3A_240 = arith.addi %mul3A_239, %add3A : i32
        %lt3A_241 = arith.constant 3125 : i32
        %lt3A_242 = arith.cmpi slt, %add3A_240, %lt3A_241 : i32
        %convert_element_type3A_243 = arith.extui %lt3A_242 : i1 to i32
        %cond3A_244 = arith.constant 0 : i32
        %cond3A_245 = arith.cmpi ne, %convert_element_type3A_243, %cond3A_244 : i32
        scf.if %cond3A_245 {
          %mul3A_246 = arith.constant 32 : i32
          %mul3A_247 = arith.muli %add3A_240, %mul3A_246 : i32
          %dma_wait3A = arith.constant 0 : i32
          %dma_wait3A_248 = arith.constant 0 : i32
          %dma_wait3A_249 = tpu.memref_slice %arg7[%select_n3A_237, %dma_wait3A, %dma_wait3A_248] : memref<3x32x512xf32, #tpu.memory_space<vmem>> -> memref<1x32x512xf32, #tpu.memory_space<vmem>>
          %dma_wait3A_250 = tpu.memref_squeeze %dma_wait3A_249 : memref<1x32x512xf32, #tpu.memory_space<vmem>> -> memref<32x512xf32, #tpu.memory_space<vmem>>
          %dma_wait3A_251 = arith.constant 0 : i32
          %dma_wait3A_252 = tpu.memref_slice %arg4[%mul3A_247, %dma_wait3A_251] : memref<100000x512xf32, #tpu.memory_space<hbm>> -> memref<32x512xf32, #tpu.memory_space<hbm>>
          %dma_wait3A_253 = tpu.memref_slice %arg10[%select_n3A_237] : memref<3x!tpu.dma_semaphore, #tpu.memory_space<semaphore_mem>> -> memref<1x!tpu.dma_semaphore, #tpu.memory_space<semaphore_mem>>
          %dma_wait3A_254 = tpu.memref_squeeze %dma_wait3A_253 : memref<1x!tpu.dma_semaphore, #tpu.memory_space<semaphore_mem>> -> memref<!tpu.dma_semaphore, #tpu.memory_space<semaphore_mem>>
          %dma_wait3A_255 = arith.constant 0 : i32
          %dma_wait3A_256 = tpu.memref_slice %arg4[%mul3A_247, %dma_wait3A_255] : memref<100000x512xf32, #tpu.memory_space<hbm>> -> memref<32x512xf32, #tpu.memory_space<hbm>>
          %dma_wait3A_257 = arith.constant 0 : i32
          %dma_wait3A_258 = arith.constant 0 : i32
          %dma_wait3A_259 = tpu.memref_slice %arg7[%select_n3A_237, %dma_wait3A_257, %dma_wait3A_258] : memref<3x32x512xf32, #tpu.memory_space<vmem>> -> memref<1x32x512xf32, #tpu.memory_space<vmem>>
          %dma_wait3A_260 = tpu.memref_squeeze %dma_wait3A_259 : memref<1x32x512xf32, #tpu.memory_space<vmem>> -> memref<32x512xf32, #tpu.memory_space<vmem>>
          tpu.wait_dma2 semaphore(%dma_wait3A_254 : memref<!tpu.dma_semaphore, #tpu.memory_space<semaphore_mem>>) src(%dma_wait3A_260 : memref<32x512xf32, #tpu.memory_space<vmem>>) dst(%dma_wait3A_256 : memref<32x512xf32, #tpu.memory_space<hbm>>)
        } else {
        }
      } else {
      }
      %add3A_186 = arith.constant 3 : i32
      %add3A_187 = arith.addi %add3A_156, %add3A_186 : i32
      %sub3A_188 = arith.constant 1 : i32
      %sub3A_189 = arith.subi %add3A_187, %sub3A_188 : i32
      %add3A_190 = arith.constant 3 : i32
      %add3A_191 = arith.addi %add3A_156, %add3A_190 : i32
      %sub3A_192 = arith.constant 1 : i32
      %sub3A_193 = arith.subi %add3A_191, %sub3A_192 : i32
      %jit3A_194 = arith.constant 3 : i32
      %eq3A_195 = arith.constant 0 : i32
      %eq3A_196 = arith.cmpi eq, %jit3A_194, %eq3A_195 : i32
      %jit3A_197 = arith.constant 1 : i32
      %select_n3A_198 = arith.select %eq3A_196, %jit3A_197, %jit3A_194 : i32
      %rem3A_199 = arith.remsi %sub3A_193, %select_n3A_198 : i32
      %ne3A_200 = arith.constant 0 : i32
      %ne3A_201 = arith.cmpi ne, %rem3A_199, %ne3A_200 : i32
      %lt3A_202 = arith.constant 0 : i32
      %lt3A_203 = arith.cmpi slt, %rem3A_199, %lt3A_202 : i32
      %lt3A_204 = arith.constant 0 : i32
      %lt3A_205 = arith.cmpi slt, %select_n3A_198, %lt3A_204 : i32
      %ne3A_206 = arith.xori %lt3A_203, %lt3A_205 : i1
      %and3A_207 = arith.andi %ne3A_206, %ne3A_201 : i1
      %add3A_208 = arith.addi %rem3A_199, %select_n3A_198 : i32
      %select_n3A_209 = arith.select %and3A_207, %add3A_208, %rem3A_199 : i32
      %mul3A_210 = arith.constant 32 : i32
      %mul3A_211 = arith.muli %sub3A_189, %mul3A_210 : i32
      %add3A_212 = arith.addi %mul3A_211, %add3A : i32
      %lt3A_213 = arith.constant 3125 : i32
      %lt3A_214 = arith.cmpi slt, %add3A_212, %lt3A_213 : i32
      %convert_element_type3A_215 = arith.extui %lt3A_214 : i1 to i32
      %cond3A_216 = arith.constant 0 : i32
      %cond3A_217 = arith.cmpi ne, %convert_element_type3A_215, %cond3A_216 : i32
      scf.if %cond3A_217 {
        %mul3A_218 = arith.constant 32 : i32
        %mul3A_219 = arith.muli %add3A_212, %mul3A_218 : i32
        %dma_start3A = arith.constant 0 : i32
        %dma_start3A_220 = arith.constant 0 : i32
        %dma_start3A_221 = tpu.memref_slice %arg5[%select_n3A_209, %dma_start3A, %dma_start3A_220] : memref<3x32x512xf32, #tpu.memory_space<vmem>> -> memref<1x32x512xf32, #tpu.memory_space<vmem>>
        %dma_start3A_222 = tpu.memref_squeeze %dma_start3A_221 : memref<1x32x512xf32, #tpu.memory_space<vmem>> -> memref<32x512xf32, #tpu.memory_space<vmem>>
        %dma_start3A_223 = arith.constant 0 : i32
        %dma_start3A_224 = tpu.memref_slice %arg2[%mul3A_219, %dma_start3A_223] : memref<100000x512xf32, #tpu.memory_space<hbm>> -> memref<32x512xf32, #tpu.memory_space<hbm>>
        %dma_start3A_225 = tpu.memref_slice %arg8[%select_n3A_209] : memref<3x!tpu.dma_semaphore, #tpu.memory_space<semaphore_mem>> -> memref<1x!tpu.dma_semaphore, #tpu.memory_space<semaphore_mem>>
        %dma_start3A_226 = tpu.memref_squeeze %dma_start3A_225 : memref<1x!tpu.dma_semaphore, #tpu.memory_space<semaphore_mem>> -> memref<!tpu.dma_semaphore, #tpu.memory_space<semaphore_mem>>
        %dma_start3A_227 = arith.constant 0 : i32
        %dma_start3A_228 = arith.constant 0 : i32
        %dma_start3A_229 = tpu.memref_slice %arg5[%select_n3A_209, %dma_start3A_227, %dma_start3A_228] : memref<3x32x512xf32, #tpu.memory_space<vmem>> -> memref<1x32x512xf32, #tpu.memory_space<vmem>>
        %dma_start3A_230 = tpu.memref_squeeze %dma_start3A_229 : memref<1x32x512xf32, #tpu.memory_space<vmem>> -> memref<32x512xf32, #tpu.memory_space<vmem>>
        %dma_start3A_231 = arith.constant 0 : i32
        %dma_start3A_232 = tpu.memref_slice %arg2[%mul3A_219, %dma_start3A_231] : memref<100000x512xf32, #tpu.memory_space<hbm>> -> memref<32x512xf32, #tpu.memory_space<hbm>>
        tpu.enqueue_dma source(%dma_start3A_232 : memref<32x512xf32, #tpu.memory_space<hbm>>) target(%dma_start3A_230 : memref<32x512xf32, #tpu.memory_space<vmem>>) target_semaphore(%dma_start3A_226 : memref<!tpu.dma_semaphore, #tpu.memory_space<semaphore_mem>>)
        %dma_start3A_233 = arith.constant 0 : i32
        %dma_start3A_234 = arith.constant 0 : i32
        %dma_start3A_235 = tpu.memref_slice %arg6[%select_n3A_209, %dma_start3A_233, %dma_start3A_234] : memref<3x32x512xi8, #tpu.memory_space<vmem>> -> memref<1x32x512xi8, #tpu.memory_space<vmem>>
        %dma_start3A_236 = tpu.memref_squeeze %dma_start3A_235 : memref<1x32x512xi8, #tpu.memory_space<vmem>> -> memref<32x512xi8, #tpu.memory_space<vmem>>
        %dma_start3A_237 = arith.constant 0 : i32
        %dma_start3A_238 = tpu.memref_slice %arg3[%mul3A_219, %dma_start3A_237] : memref<100000x512xi8, #tpu.memory_space<hbm>> -> memref<32x512xi8, #tpu.memory_space<hbm>>
        %dma_start3A_239 = tpu.memref_slice %arg9[%select_n3A_209] : memref<3x!tpu.dma_semaphore, #tpu.memory_space<semaphore_mem>> -> memref<1x!tpu.dma_semaphore, #tpu.memory_space<semaphore_mem>>
        %dma_start3A_240 = tpu.memref_squeeze %dma_start3A_239 : memref<1x!tpu.dma_semaphore, #tpu.memory_space<semaphore_mem>> -> memref<!tpu.dma_semaphore, #tpu.memory_space<semaphore_mem>>
        %dma_start3A_241 = arith.constant 0 : i32
        %dma_start3A_242 = arith.constant 0 : i32
        %dma_start3A_243 = tpu.memref_slice %arg6[%select_n3A_209, %dma_start3A_241, %dma_start3A_242] : memref<3x32x512xi8, #tpu.memory_space<vmem>> -> memref<1x32x512xi8, #tpu.memory_space<vmem>>
        %dma_start3A_244 = tpu.memref_squeeze %dma_start3A_243 : memref<1x32x512xi8, #tpu.memory_space<vmem>> -> memref<32x512xi8, #tpu.memory_space<vmem>>
        %dma_start3A_245 = arith.constant 0 : i32
        %dma_start3A_246 = tpu.memref_slice %arg3[%mul3A_219, %dma_start3A_245] : memref<100000x512xi8, #tpu.memory_space<hbm>> -> memref<32x512xi8, #tpu.memory_space<hbm>>
        tpu.enqueue_dma source(%dma_start3A_246 : memref<32x512xi8, #tpu.memory_space<hbm>>) target(%dma_start3A_244 : memref<32x512xi8, #tpu.memory_space<vmem>>) target_semaphore(%dma_start3A_240 : memref<!tpu.dma_semaphore, #tpu.memory_space<semaphore_mem>>)
      } else {
      }
    }
    %scan3A_15 = arith.constant 33 : i32
    %add3A_16 = arith.constant 3104 : i32
    %add3A_17 = arith.addi %add3A_16, %add3A : i32
    %lt3A_18 = arith.constant 3125 : i32
    %lt3A_19 = arith.cmpi slt, %add3A_17, %lt3A_18 : i32
    %convert_element_type3A_20 = arith.extui %lt3A_19 : i1 to i32
    %cond3A_21 = arith.constant 0 : i32
    %cond3A_22 = arith.cmpi ne, %convert_element_type3A_20, %cond3A_21 : i32
    scf.if %cond3A_22 {
      %mul3A_30 = arith.constant 32 : i32
      %mul3A_31 = arith.muli %add3A_17, %mul3A_30 : i32
      %dma_wait3A = arith.constant 1 : i32
      %dma_wait3A_32 = arith.constant 1 : i32
      %dma_wait3A_33 = arith.constant 0 : i32
      %dma_wait3A_34 = arith.constant 0 : i32
      %dma_wait3A_35 = tpu.memref_slice %arg7[%dma_wait3A, %dma_wait3A_33, %dma_wait3A_34] : memref<3x32x512xf32, #tpu.memory_space<vmem>> -> memref<1x32x512xf32, #tpu.memory_space<vmem>>
      %dma_wait3A_36 = tpu.memref_squeeze %dma_wait3A_35 : memref<1x32x512xf32, #tpu.memory_space<vmem>> -> memref<32x512xf32, #tpu.memory_space<vmem>>
      %dma_wait3A_37 = arith.constant 0 : i32
      %dma_wait3A_38 = tpu.memref_slice %arg4[%mul3A_31, %dma_wait3A_37] : memref<100000x512xf32, #tpu.memory_space<hbm>> -> memref<32x512xf32, #tpu.memory_space<hbm>>
      %dma_wait3A_39 = tpu.memref_slice %arg10[%dma_wait3A_32] : memref<3x!tpu.dma_semaphore, #tpu.memory_space<semaphore_mem>> -> memref<1x!tpu.dma_semaphore, #tpu.memory_space<semaphore_mem>>
      %dma_wait3A_40 = tpu.memref_squeeze %dma_wait3A_39 : memref<1x!tpu.dma_semaphore, #tpu.memory_space<semaphore_mem>> -> memref<!tpu.dma_semaphore, #tpu.memory_space<semaphore_mem>>
      %dma_wait3A_41 = arith.constant 0 : i32
      %dma_wait3A_42 = tpu.memref_slice %arg4[%mul3A_31, %dma_wait3A_41] : memref<100000x512xf32, #tpu.memory_space<hbm>> -> memref<32x512xf32, #tpu.memory_space<hbm>>
      %dma_wait3A_43 = arith.constant 0 : i32
      %dma_wait3A_44 = arith.constant 0 : i32
      %dma_wait3A_45 = tpu.memref_slice %arg7[%dma_wait3A, %dma_wait3A_43, %dma_wait3A_44] : memref<3x32x512xf32, #tpu.memory_space<vmem>> -> memref<1x32x512xf32, #tpu.memory_space<vmem>>
      %dma_wait3A_46 = tpu.memref_squeeze %dma_wait3A_45 : memref<1x32x512xf32, #tpu.memory_space<vmem>> -> memref<32x512xf32, #tpu.memory_space<vmem>>
      tpu.wait_dma2 semaphore(%dma_wait3A_40 : memref<!tpu.dma_semaphore, #tpu.memory_space<semaphore_mem>>) src(%dma_wait3A_46 : memref<32x512xf32, #tpu.memory_space<vmem>>) dst(%dma_wait3A_42 : memref<32x512xf32, #tpu.memory_space<hbm>>)
    } else {
    }
    %add3A_23 = arith.constant 3136 : i32
    %add3A_24 = arith.addi %add3A_23, %add3A : i32
    %lt3A_25 = arith.constant 3125 : i32
    %lt3A_26 = arith.cmpi slt, %add3A_24, %lt3A_25 : i32
    %convert_element_type3A_27 = arith.extui %lt3A_26 : i1 to i32
    %cond3A_28 = arith.constant 0 : i32
    %cond3A_29 = arith.cmpi ne, %convert_element_type3A_27, %cond3A_28 : i32
    scf.if %cond3A_29 {
      %mul3A_30 = arith.constant 32 : i32
      %mul3A_31 = arith.muli %add3A_24, %mul3A_30 : i32
      %dma_wait3A = arith.constant 2 : i32
      %dma_wait3A_32 = arith.constant 2 : i32
      %dma_wait3A_33 = arith.constant 0 : i32
      %dma_wait3A_34 = arith.constant 0 : i32
      %dma_wait3A_35 = tpu.memref_slice %arg7[%dma_wait3A, %dma_wait3A_33, %dma_wait3A_34] : memref<3x32x512xf32, #tpu.memory_space<vmem>> -> memref<1x32x512xf32, #tpu.memory_space<vmem>>
      %dma_wait3A_36 = tpu.memref_squeeze %dma_wait3A_35 : memref<1x32x512xf32, #tpu.memory_space<vmem>> -> memref<32x512xf32, #tpu.memory_space<vmem>>
      %dma_wait3A_37 = arith.constant 0 : i32
      %dma_wait3A_38 = tpu.memref_slice %arg4[%mul3A_31, %dma_wait3A_37] : memref<100000x512xf32, #tpu.memory_space<hbm>> -> memref<32x512xf32, #tpu.memory_space<hbm>>
      %dma_wait3A_39 = tpu.memref_slice %arg10[%dma_wait3A_32] : memref<3x!tpu.dma_semaphore, #tpu.memory_space<semaphore_mem>> -> memref<1x!tpu.dma_semaphore, #tpu.memory_space<semaphore_mem>>
      %dma_wait3A_40 = tpu.memref_squeeze %dma_wait3A_39 : memref<1x!tpu.dma_semaphore, #tpu.memory_space<semaphore_mem>> -> memref<!tpu.dma_semaphore, #tpu.memory_space<semaphore_mem>>
      %dma_wait3A_41 = arith.constant 0 : i32
      %dma_wait3A_42 = tpu.memref_slice %arg4[%mul3A_31, %dma_wait3A_41] : memref<100000x512xf32, #tpu.memory_space<hbm>> -> memref<32x512xf32, #tpu.memory_space<hbm>>
      %dma_wait3A_43 = arith.constant 0 : i32
      %dma_wait3A_44 = arith.constant 0 : i32
      %dma_wait3A_45 = tpu.memref_slice %arg7[%dma_wait3A, %dma_wait3A_43, %dma_wait3A_44] : memref<3x32x512xf32, #tpu.memory_space<vmem>> -> memref<1x32x512xf32, #tpu.memory_space<vmem>>
      %dma_wait3A_46 = tpu.memref_squeeze %dma_wait3A_45 : memref<1x32x512xf32, #tpu.memory_space<vmem>> -> memref<32x512xf32, #tpu.memory_space<vmem>>
      tpu.wait_dma2 semaphore(%dma_wait3A_40 : memref<!tpu.dma_semaphore, #tpu.memory_space<semaphore_mem>>) src(%dma_wait3A_46 : memref<32x512xf32, #tpu.memory_space<vmem>>) dst(%dma_wait3A_42 : memref<32x512xf32, #tpu.memory_space<hbm>>)
    } else {
    }
    return
  }
}

</mosaic_0001>

<sc_bundles>
// kernel: _sc_binarize.3.cloned.1.call-start
scs
__scs_entry_jumppad:
0x0: {  	(pc) =	sbr.rel $0x88, $3  }
0x1: {  	(tag) =	ssettag $0x0;
	lr =	simm.s32 $0x1  }
0x2: {  	[smem:$0x3F9F] =	sst lr;
	_ =	strace $0xD0000000  }
0x3: {  	_ = 	snop  }
0x4: {  	_ = 	snop  }
0x5: {  	_ = 	snop  }
0x6: {  	_ = 	snop  }
0x7: {  	_ = 	snop  }
__scs_overlays_trampoline_lowered:
0x8: {  	[smem:$0x3FAE] =	sst s0  }
0x9: {  	[smem:$0x3FAF] =	sst s1  }
0xa: {  	[smem:$0x3FB0] =	sst s2  }
0xb: {  	[smem:$0x3FB1] =	sst s3  }
0xc: {  	[smem:$0x3FB2] =	sst s4  }
0xd: {  	[smem:$0x3FB3] =	sst s5  }
0xe: {  	[smem:$0x3FB4] =	sst s6  }
0xf: {  	[smem:$0x3FB5] =	sst s7  }
0x10: {  	[smem:$0x3FB6] =	sst s8  }
0x11: {  	[smem:$0x3FB7] =	sst s9;
	s0 =	simm.s32 @!p0 $0x0  }
0x12: {  	s1 =	sld [smem:$0x3F9D];
	s0 =	simm.s32 @p0 $0x1  }
0x13: {  	[smem:$0x3FB8] =	sst s0;
	s0 =	simm.s32 @!p1 $0x0  }
0x14: {  	s2 =	sld [smem:$0x3F9C];
	s0 =	simm.s32 @p1 $0x1  }
0x15: {  	[smem:$0x3FB9] =	sst s0;
	s0 =	simm.s32 @!p2 $0x0  }
0x16: {  	s3 =	sld [smem:$0x3FDB];
	s0 =	simm.s32 @p2 $0x1  }
0x17: {  	s4 =	simm.s32 $0x1BF5;
	[smem:$0x3FBB] =	sst s0  }
0x18: {  	s0 =	sld [smem:$0x3F9E];
	_ =	swait.ge [sflag:s4], $0x0  }
0x19: {  	s7 =	sld [smem:$0x3F9F]  }
0x1a: {  	s8 =	sadd.s32 $0xFFFFE003, lr  }
0x1b: {  	s9 =	sadd.s32 $0xFFFFFEF7, lr;
	s5 =	simm.s32 $0xFFFFFFFF;
	p2 =	slt.u32 s8, $0xFFFFF086  }
0x1c: {  	p1 =	slt.u32 s9, $0xF7A;
	s5 =	simm.s32 @!p2 $0x0  }
0x1d: {  	s5 =	simm.s32 @p1 $0x1;
	p0 =	seq.s32 s7, s2  }
0x1e: {  	s7 =	smul.u32 @!p0 $0xF7A, s2;
	p2 =	seq.s32 @!p0 s5, $0x0  }
0x1f: {  	s9 =	smul.u32 $0xF7A, s1;
	s8 =	simm.s32 @!p0 $0x1BF5;
	p2 =	por !p2, p0  }
0x20: {  	[sflag:s8] =	ssyncset.s32 @!p0 $0xFFFFF086;
	s6 =	sadd.s32 @!p0 s3, s7;
	s7 =	simm.s32 @!p0 $0x108  }
0x21: {  	s3 =	sadd.s32 s3, s9;
	s6 =	sadd.s32 @!p0 $0x88, s6;
	s7 =	simm.s32 @p2 $0x1082  }
0x22: {  	[simem:s7], [sflag:s8] =	dma.local @!p0 [hbm:s6], $0xF7A  }
0x23: {  	s9 =	sor.u32 $0xD0000000, s2;
	s6 =	simm.s32 $0x108;
	_ =	swait.ge @!p0 [sflag:s8], $0x0  }
0x24: {  	s3 =	sadd.s32 $0x88, s3;
	s6 =	simm.s32 @!p1 $0x1082;
	[sflag:s4] =	ssyncset.s32 $0xFFFFF086  }
0x25: {  	[simem:s6], [sflag:s4] =	dma.local [hbm:s3], $0xF7A  }
0x26: {  	[smem:$0x3F9F] =	sst s1;
	(tag) =	ssettag s2;
	_ =	strace s9  }
0x27: {  	s1 =	sld [smem:$0x3FAF]  }
0x28: {  	s2 =	sld [smem:$0x3FB0]  }
0x29: {  	s4 =	sld [smem:$0x3FB2]  }
0x2a: {  	p0 =	seq.s32 s5, $0x0;
	s5 =	sld [smem:$0x3FB3]  }
0x2b: {  	s6 =	sld [smem:$0x3FB4]  }
0x2c: {  	s7 =	sld [smem:$0x3FB5]  }
0x2d: {  	s3 =	simm.s32 $0x108;
	s8 =	sld [smem:$0x3FB6]  }
0x2e: {  	s3 =	simm.s32 @!p0 $0x1082;
	s9 =	sld [smem:$0x3FB7]  }
0x2f: {  	lr =	sadd.s32 s0, s3;
	s0 =	sld [smem:$0x3FAE]  }
0x30: {  	s3 =	sld [smem:$0x3FB1]  }
0x31: {  	[smem:$0x3FBA] =	sst s10  }
0x32: {  	s10 =	sld [smem:$0x3FB8];
	_ =	sdelay $0x3  }
0x33: {  	p0 =	seq.s32 s10, $0x1;
	s10 =	sld [smem:$0x3FBA];
	_ =	sdelay $0x3  }
0x34: {  	[smem:$0x3FBA] =	sst s10  }
0x35: {  	s10 =	sld [smem:$0x3FB9];
	_ =	sdelay $0x3  }
0x36: {  	p1 =	seq.s32 s10, $0x1;
	s10 =	sld [smem:$0x3FBA];
	_ =	sdelay $0x3  }
0x37: {  	[smem:$0x3FBA] =	sst s10  }
0x38: {  	s10 =	sld [smem:$0x3FBB]  }
0x39: {  	_ = 	snop;
	(pc) =	sbr.ind lr, $3  }
0x3a: {  	_ = 	snop  }
0x3b: {  	_ = 	snop  }
0x3c: {  	p2 =	seq.s32 s10, $0x1;
	s10 =	sld [smem:$0x3FBA]  }
0x3d: {  	_ =	shalt  }
0x3e: {  	_ =	shalt  }
0x3f: {  	_ =	shalt  }
0x40: {  	_ =	shalt  }
0x41: {  	_ =	shalt  }
0x42: {  	_ =	shalt  }
0x43: {  	_ =	shalt  }
0x44: {  	_ =	shalt  }
0x45: {  	_ =	shalt  }
0x46: {  	_ =	shalt  }
0x47: {  	_ =	shalt  }
0x48: {  	_ =	shalt  }
0x49: {  	_ =	shalt  }
0x4a: {  	_ =	shalt  }
0x4b: {  	_ =	shalt  }
0x4c: {  	_ =	shalt  }
0x4d: {  	_ =	shalt  }
0x4e: {  	_ =	shalt  }
0x4f: {  	_ =	shalt  }
0x50: {  	_ =	shalt  }
0x51: {  	_ =	shalt  }
0x52: {  	_ =	shalt  }
0x53: {  	_ =	shalt  }
0x54: {  	_ =	shalt  }
0x55: {  	_ =	shalt  }
0x56: {  	_ =	shalt  }
0x57: {  	_ =	shalt  }
0x58: {  	_ =	shalt  }
0x59: {  	_ =	shalt  }
0x5a: {  	_ =	shalt  }
0x5b: {  	_ =	shalt  }
0x5c: {  	_ =	shalt  }
0x5d: {  	_ =	shalt  }
0x5e: {  	_ =	shalt  }
0x5f: {  	_ =	shalt  }
0x60: {  	_ =	shalt  }
0x61: {  	_ =	shalt  }
0x62: {  	_ =	shalt  }
0x63: {  	_ =	shalt  }
0x64: {  	_ =	shalt  }
0x65: {  	_ =	shalt  }
0x66: {  	_ =	shalt  }
0x67: {  	_ =	shalt  }
0x68: {  	_ =	shalt  }
0x69: {  	_ =	shalt  }
0x6a: {  	_ =	shalt  }
0x6b: {  	_ =	shalt  }
0x6c: {  	_ =	shalt  }
0x6d: {  	_ =	shalt  }
0x6e: {  	_ =	shalt  }
0x6f: {  	_ =	shalt  }
0x70: {  	_ =	shalt  }
0x71: {  	_ =	shalt  }
0x72: {  	_ =	shalt  }
0x73: {  	_ =	shalt  }
0x74: {  	_ =	shalt  }
0x75: {  	_ =	shalt  }
0x76: {  	_ =	shalt  }
0x77: {  	_ =	shalt  }
0x78: {  	_ =	shalt  }
0x79: {  	_ =	shalt  }
0x7a: {  	_ =	shalt  }
0x7b: {  	_ =	shalt  }
0x7c: {  	_ =	shalt  }
0x7d: {  	_ =	shalt  }
0x7e: {  	_ =	shalt  }
0x7f: {  	_ =	shalt  }
0x80: {  	_ =	shalt  }
0x81: {  	_ =	shalt  }
0x82: {  	_ =	shalt  }
0x83: {  	_ =	shalt  }
0x84: {  	_ =	shalt  }
0x85: {  	_ =	shalt  }
0x86: {  	_ =	shalt  }
0x87: {  	_ =	shalt  }
.Lfunc_end0:
.L_simem_size_0:
called_computation_lowered:
.L_overlay_start_0:
0x88: {  	s2 =	sld [smem:$0x3FD9]  }
0x89: {  	s3 =	sld [smem:$0x3FFE];
	_ =	sdelay $0x1  }
0x8a: {  	s1 =	srdreg.scid  }
0x8b: {  	s0 =	sand.u32 $0x1, s1  }
0x8c: {  	s17 =	sshll.u32 s0, $0xA;
	s2 =	sadd.s32 s3, s2  }
0x8d: {  	s2 =	sadd.s32 s2, s17  }
0x8e: {  	[smem:$0x3FC6] =	sst s2  }
0x8f: {  	_ = 	snop  }
0x90: {  	s2 =	sld [smem:$0x3FC9]  }
0x91: {  	s18 =	sld [smem:$0x3FD0];
	(tm) =	ssettm $0x1  }
0x92: {  	s4 =	sld [smem:$0x3FFB];
	_ =	sdelay $0x3  }
0x93: {  	_ =	strace s4  }
0x94: {  	s4 =	sld [smem:$0x3FFC];
	_ =	sdelay $0x3  }
0x95: {  	_ =	strace s4  }
0x96: {  	s4 =	sld [smem:$0x3FFD];
	_ =	sdelay $0x3  }
0x97: {  	_ =	strace s4  }
0x98: {  	_ =	strace $0x8FFFFFFF  }
0x99: {  	s19 =	sld [smem:$0x3FDB];
	_ =	sdelay $0x1  }
0x9a: {  	s5 =	simm.s32 $_scs_section_size  }
0x9b: {  	s6 =	simm.s32 $_size__tile_overlayer_lowered;
	s7 =	simm.s32 $_tile_overlayer_lowered  }
0x9c: {  	s22 =	simm.s32 $0x1BFF;
	s21 =	sshll.u32 s7, $0x1;
	s4 =	sadd.s32 s5, s19  }
0x9d: {  	s8 =	simm.s32 $0x0;
	s20 =	sshll.u32 s6, $0x1;
	s6 =	sadd.s32 s21, s4  }
0x9e: {  	[timem:s8], [sflag:s22] =	dma.local [hbm:s6], s20  }
0x9f: {  	_ =	swait.ge [sflag:s22], s20  }
0xa0: {  	s5 =	ssub.s32 $0x0, s20;
	[sflag:s22] =	ssyncset.done $0x0  }
0xa1: {  	[sflag:s22] =	ssyncadd.s32 s5;
	_ =	sdelay $0x1  }
0xa2: {  	s23 =	simm.s32 $0x1B8B  }
0xa3: {  	_ =	swait.ge [sflag:s23], $0x1  }
0xa4: {  	[sflag:s23] =	ssyncset.done $0x0  }
0xa5: {  	s25 =	simm.s32 $0x1B8E;
	s24 =	sld [smem:$0x3FFE];
	[sflag:s23] =	ssyncadd.s32 $0xFFFFFFFF  }
0xa6: {  	s26 =	simm.s32 $execute0_lowered;
	[smem:$0x3FD2] =	sst s25  }
0xa7: {  	s6 =	sshll.u32 s26, $0x1;
	_ =	strace $0x80000046;
	[dreg:$0x1] =	wrdreg $0xFFFFFFFF  }
0xa8: {  	s28 =	simm.s32 $_size_execute0_lowered;
	s4 =	sadd.s32 s4, s6;
	[dreg:$0x0] =	wrdreg $0x0  }
0xa9: {  	s6 =	sshll.u32 s28, $0x1;
	[dreg:$0x2] =	wrdreg s4  }
0xaa: {  	[dreg:$0x3] =	wrdreg s6  }
0xab: {  	[dreg:$0x4] =	wrdreg $0xC0  }
0xac: {  	_ =	task [dreg:s8], $0x5FFFF  }
0xad: {  	[dreg:$0x1] =	wrdreg $0xFFFFFFFF  }
0xae: {  	[dreg:$0x0] =	wrdreg $0x60  }
0xaf: {  	[dreg:$0x2] =	wrdreg s2  }
0xb0: {  	[dreg:$0x3] =	wrdreg s24  }
0xb1: {  	[dreg:$0x4] =	wrdreg s18  }
0xb2: {  	[dreg:$0x5] =	wrdreg $0x9  }
0xb3: {  	_ =	task.clear_ibuf [dreg:s8], $0x6FFFF;
	_ =	strace $0x90000046  }
0xb4: {  	s29 =	simm.s32 $0x9;
	_ =	strace $0x80000048  }
0xb5: {  	_ =	swait.ge [sflag:s29], $0x1  }
0xb6: {  	[sflag:s29] =	ssyncadd.s32 $0xFFFFFFFF  }
0xb7: {  	_ =	strace $0x90000048  }
0xb8: {  	_ =	sfence  }
0xb9: {  	s30 =	sld [smem:$0x0];
	_ =	sdelay $0x2  }
0xba: {  	s31 =	sshll.u32 s1, $0xD;
	s1 =	sshrl.u32 s1, $0x2  }
0xbb: {  	s3 =	sand.u32 $0x4000, s31;
	s1 =	sadd.s32 s1, s30  }
0xbc: {  	s0 =	sor.u32 s3, s0;
	s1 =	sshll.u32 s1, $0x11  }
0xbd: {  	s0 =	sor.u32 s1, s0  }
0xbe: {  	s0 =	sadd.s32 $0x8F2B, s0  }
0xbf: {  	[sflag:s0] =	ssyncadd.remote.s32 $0x1  }
0xc0: {  	_ =	sfence.sel $0xFFFF  }
0xc1: {  	[dreg:$0x0] =	wrdreg $0xFFFFFFFF;
	(pc) =	sbr.abs _section_cstart, $3  }
0xc2: {  	[dreg:$0x1] =	wrdreg $0xFFFFFFFF  }
0xc3: {  	_ =	task.clear_ibuf [dreg:s8], $0x2FFFF;
	_ =	strace $0x9FFFFFFF  }
0xc4: {  	(tm) =	ssettm $0x7FFFFFFF  }
0xc5: {  	_ =	shalt  }
tec
execute0_lowered:
.L_overlay_start_1:
0x0: {  	(tag) =	ssettag $0x1  }
0x1: {  	s1 =	rddreg [dreg:$0x0]  }
0x2: {  	s0 =	rddreg [dreg:$0x1]  }
0x3: {  	s2 =	rddreg [dreg:$0x2];
	s4 =	simm.s32 $0x0  }
0x4: {  	s3 =	srdreg.scid;
	s5 =	stileid.u32;
	s31 =	simm.s32 $0x1  }
0x5: {  	s28 =	simm.s32 $0x7;
	s3 =	sand.u32 $0x1, s3;
	s6 =	sshll.u32 s5, $0x1  }
0x6: {  	[smem:$0x7FF] =	sst s4;
	s5 =	sadd.s32 $0x400, s0;
	s6 =	sor.u32 s3, s6  }
0x7: {  	_ =	strace $0x80000047;
	s7 =	ssub.s32 $0x2, s3;
	s3 =	sshll.u32 s6, $0xB  }
0x8: {  	s18 =	sshrl.u32 s7, $0x1;
	s20 =	sshll.u32 s6, $0x9;
	s3 =	sadd.s32 s1, s3  }
0x9: {  	s0 =	ssub.s32 s7, s18;
	s8 =	sadd.s32 s5, s20;
	[dreg:$0x4] =	wrdreg s3  }
0xa: {  	s19 =	sshll.u32 s6, $0xE;
	s0 =	smax.u32 s0, $0x1;
	[dreg:$0x5] =	wrdreg s8  }
0xb: {  	s11 =	sor.u32 $0x20, s6;
	s23 =	sadd.s32 $0x20, s8;
	[dreg:$0x8] =	wrdreg s0  }
0xc: {  	s7 =	sor.u32 $0x80000, s19;
	s24 =	sadd.s32 $0x40, s8;
	[dreg:$0x9] =	wrdreg s23  }
0xd: {  	s21 =	sshrl.u32 s7, $0x3;
	s25 =	sadd.s32 $0x60, s8;
	[dreg:$0xa] =	wrdreg s24  }
0xe: {  	s7 =	sshrl.u32 s7, $0x5;
	s3 =	sadd.s32 s1, s21;
	[dreg:$0xb] =	wrdreg s25  }
.Ltmp0:
0xf: {  	s22 =	sadd.s32 s5, s7;
	[dreg:$0x6] =	wrdreg s3;
	(pc) =	sbr.rel .LBB2_1-.Ltmp0, $4  }
0x10: {  	p0 =	sgt.u32 s6, $0x14;
	s26 =	sadd.s32 $0x20, s22;
	[dreg:$0x7] =	wrdreg s22  }
0x11: {  	s8 =	simm.s32 $0x0;
	s29 =	sadd.s32 $0x40, s22;
	[dreg:$0xc] =	wrdreg s26  }
0x12: {  	s0 =	simm.s32 $0x4;
	s30 =	sadd.s32 $0x60, s22;
	[dreg:$0xd] =	wrdreg s29  }
0x13: {  	v0 =	vimm.f32 $0.0e+00;
	s24 =	simm.s32 $0x3;
	s25 =	simm.s32 $0x6;
	[dreg:$0xe] =	wrdreg s30  }
.LBB2_13:
0x14: {  	s3 =	simm.s32 @!p0 $0x8  }
0x15: {  	_ =	swait.ge @!p0 [sflag:s3], $0x4000  }
0x16: {  	s8 =	rddreg [dreg:$0xf]  }
0x17: {  	s7 =	rddreg [dreg:$0x8];
	s8 =	sadd.s32 $0x1, s8  }
0x18: {  	p1 =	sne.s32 s8, s7  }
.Ltmp1:
0x19: {  	_ = 	snop;
	(pc) =	sbr.rel @!p1 .LBB2_14-.Ltmp1, $3  }
0x1a: {  	_ =	sdelay $0x1  }
0x1b: {  	[sflag:s3] =	ssyncset.done @!p0 $0x0  }
0x1c: {  	[sflag:s3] =	ssyncadd.s32 @!p0 $0xFFFFC000  }
.LBB2_1:
0x1d: {  	[dreg:$0xf] =	wrdreg s8  }
0x1e: {  	s3 =	rddreg [dreg:$0x4]  }
0x1f: {  	s29 =	rddreg [dreg:$0x5]  }
0x20: {  	[tilespmem:s4], [sflag:$0x1] =	stream.linear.gather [hbm4b:s3+s4], $0x4000, $0x38;
	[tilespmem:$0x1B000] =	vst v63  }
0x21: {  	s7 =	simm.s32 $0x100;
	s8 =	simm.s32 $0x400;
	s9 =	simm.s32 $0xC000  }
0x22: {  	[tilespmem:s9], [sflag:$0x4] =	stream.strided.gather [hbm4b:s29+s7], $0x400, s8, s7, $0x38;
	[tilespmem:$0x1B000] =	vst v63  }
0x23: {  	s10 =	simm.s32 $0xC400;
	s9 =	rddreg [dreg:$0x9]  }
0x24: {  	[tilespmem:s10], [sflag:$0x4] =	stream.strided.gather [hbm4b:s9+s7], $0x400, s8, s7, $0x38;
	[tilespmem:$0x1B000] =	vst v63  }
0x25: {  	s12 =	rddreg [dreg:$0xa];
	s13 =	simm.s32 $0xC800  }
0x26: {  	[tilespmem:s13], [sflag:$0x4] =	stream.strided.gather [hbm4b:s12+s7], $0x400, s8, s7, $0x38;
	[tilespmem:$0x1B000] =	vst v63  }
0x27: {  	s14 =	rddreg [dreg:$0xb];
	s15 =	simm.s32 $0xCC00  }
0x28: {  	[tilespmem:s15], [sflag:$0x4] =	stream.strided.gather [hbm4b:s14+s7], $0x400, s8, s7, $0x38;
	[tilespmem:$0x1B000] =	vst v63  }
0x29: {  	s16 =	rddreg [dreg:$0x6];
	s17 =	simm.s32 $0x4000  }
0x2a: {  	[tilespmem:s17], [sflag:$0x2] =	stream.linear.gather [hbm4b:s16+s4], $0x4000, $0x38;
	[tilespmem:$0x1B000] =	vst v63  }
0x2b: {  	s18 =	rddreg [dreg:$0x7];
	s19 =	simm.s32 $0xD000  }
0x2c: {  	[tilespmem:s19], [sflag:$0x5] =	stream.strided.gather [hbm4b:s18+s7], $0x400, s8, s7, $0x38;
	[tilespmem:$0x1B000] =	vst v63  }
0x2d: {  	s20 =	rddreg [dreg:$0xc];
	s21 =	simm.s32 $0xD400  }
0x2e: {  	[tilespmem:s21], [sflag:$0x5] =	stream.strided.gather [hbm4b:s20+s7], $0x400, s8, s7, $0x38;
	[tilespmem:$0x1B000] =	vst v63  }
.Ltmp2:
0x2f: {  	_ = 	snop;
	(pc) =	sbr.rel .LBB2_2-.Ltmp2, $4  }
0x30: {  	s22 =	rddreg [dreg:$0xd];
	s23 =	simm.s32 $0xD800  }
0x31: {  	[tilespmem:s23], [sflag:$0x5] =	stream.strided.gather [hbm4b:s22+s7], $0x400, s8, s7, $0x38;
	[tilespmem:$0x1B000] =	vst v63  }
0x32: {  	s26 =	rddreg [dreg:$0xe];
	s30 =	simm.s32 $0x0;
	s29 =	simm.s32 $0xDC00  }
0x33: {  	[tilespmem:s29], [sflag:$0x5] =	stream.strided.gather [hbm4b:s26+s7], $0x400, s8, s7, $0x38;
	[tilespmem:$0x1B000] =	vst v63  }
.LBB2_12:
0x34: {  	_ =	swait.ge [sflag:s28], $0x4000;
	s3 =	sadd.s32 $0x80, s7  }
0x35: {  	[sflag:s28] =	ssyncset.done $0x0;
	p1 =	sgt.u32 s3, $0xC34  }
0x36: {  	[sflag:s28] =	ssyncadd.s32 $0xFFFFC000;
	s7 =	sshll.u32 @!p1 s3, $0x9;
	s3 =	sshll.u32 @!p1 s3, $0xB  }
0x37: {  	s8 =	simm.s32 @!p1 $0x0;
	s9 =	simm.s32 @!p1 $0x4000;
	s3 =	sadd.s32 @!p1 s1, s3  }
0x38: {  	[tilespmem:s9], [sflag:$0x2] =	stream.linear.gather @!p1 [hbm4b:s3+s8], $0x4000, $0x38;
	[tilespmem:$0x1B000] =	vst v63  }
0x39: {  	s3 =	sadd.s32 @!p1 s5, s7  }
0x3a: {  	s7 =	simm.s32 @!p1 $0x100;
	s8 =	simm.s32 @!p1 $0x400;
	s9 =	simm.s32 @!p1 $0xD000  }
0x3b: {  	[tilespmem:s9], [sflag:$0x5] =	stream.strided.gather @!p1 [hbm4b:s3+s7], $0x400, s8, s7, $0x38;
	[tilespmem:$0x1B000] =	vst v63  }
0x3c: {  	s10 =	simm.s32 @!p1 $0xD400;
	s9 =	sadd.s32 @!p1 $0x20, s3  }
0x3d: {  	[tilespmem:s10], [sflag:$0x5] =	stream.strided.gather @!p1 [hbm4b:s9+s7], $0x400, s8, s7, $0x38;
	[tilespmem:$0x1B000] =	vst v63  }
0x3e: {  	s9 =	sadd.s32 @!p1 $0x40, s3;
	s10 =	simm.s32 @!p1 $0xD800  }
0x3f: {  	[tilespmem:s10], [sflag:$0x5] =	stream.strided.gather @!p1 [hbm4b:s9+s7], $0x400, s8, s7, $0x38;
	[tilespmem:$0x1B000] =	vst v63  }
0x40: {  	s30 =	sadd.s32 $0x1, s30;
	s3 =	sadd.s32 @!p1 $0x60, s3;
	s9 =	simm.s32 @!p1 $0xDC00  }
0x41: {  	[tilespmem:s9], [sflag:$0x5] =	stream.strided.gather @!p1 [hbm4b:s3+s7], $0x400, s8, s7, $0x38;
	[tilespmem:$0x1B000] =	vst v63  }
0x42: {  	p1 =	sne.s32 s30, $0x21  }
.Ltmp3:
0x43: {  	_ = 	snop;
	(pc) =	sbr.rel @!p1 .LBB2_13-.Ltmp3, $1  }
0x44: {  	_ =	sdelay $0x3  }
.LBB2_2:
0x45: {  	_ =	swait.ge [sflag:s31], $0x4000  }
0x46: {  	s7 =	simm.s32 $0x100;
	s8 =	simm.s32 $0x20;
	s13 =	simm.s32 $0x0  }
0x47: {  	s10 =	simm.s32 $0x20;
	s14 =	simm.s32 $0x8;
	s16 =	simm.s32 $0x80  }
0x48: {  	s29 =	simm.s32 $0x0;
	s3 =	simm.s32 $0x10;
	[sflag:s31] =	ssyncset.done $0x0  }
0x49: {  	s7 =	sand.u32 $0xC00, s7;
	s15 =	sand.u32 $0x1000, s10;
	s14 =	sand.u32 $0x380, s14  }
0x4a: {  	s26 =	sand.u32 $0x7000, s16;
	s10 =	sand.u32 $0x200, s10;
	[sflag:s31] =	ssyncadd.s32 $0xFFFFC000  }
0x4b: {  	s8 =	sand.u32 $0x70, s8;
	s14 =	sor.u32 s14, s15;
	_ =	swait.ge [sflag:s0], $0x1000  }
0x4c: {  	s10 =	sor.u32 s26, s10;
	s14 =	sor.u32 s7, s14;
	[sflag:s0] =	ssyncset.done $0x0  }
0x4d: {  	s7 =	sor.u32 s7, s10;
	s14 =	sor.u32 s8, s14;
	[sflag:s0] =	ssyncadd.s32 $0xFFFFF000  }
0x4e: {  	s17 =	simm.s32 $0x4;
	s21 =	simm.s32 $0x0;
	s10 =	sor.u32 s8, s7;
	v1 =	vld [tilespmem:s14+$0xC000]  }
0x4f: {  	s22 =	simm.s32 $0x0;
	s19 =	sand.u32 $0x3000, s29;
	s20 =	sand.u32 $0x200, s13;
	v2 =	vld [tilespmem:s10+$0x180]  }
0x50: {  	s23 =	simm.s32 $0x40;
	s13 =	sand.u32 $0xC00, s21;
	s7 =	sor.u32 s19, s20;
	v3 =	vld [tilespmem:s10+$0x0]  }
0x51: {  	s18 =	sand.u32 $0x1000, s3;
	s26 =	sand.u32 $0x70, s22;
	s7 =	sor.u32 s13, s7;
	v4 =	vld [tilespmem:s10+$0x80]  }
0x52: {  	s17 =	sand.u32 $0x380, s17;
	s29 =	sand.u32 $0x7000, s23;
	s8 =	sor.u32 s26, s7;
	v5 =	vld [tilespmem:s10+$0x100]  }
0x53: {  	s3 =	sand.u32 $0x200, s3;
	s17 =	sor.u32 s17, s18;
	s19 =	simm.s32 $0x80;
	v6 =	vld [tilespmem:s8+$0x0]  }
0x54: {  	s20 =	simm.s32 $0x10;
	s16 =	sand.u32 $0xC00, s19;
	s7 =	sor.u32 s29, s3;
	v10 =	vld [tilespmem:s8+$0x80]  }
0x55: {  	s22 =	sand.u32 $0x70, s20;
	s21 =	sor.u32 s16, s17;
	v11 =	vld [tilespmem:s8+$0x100];
	s16 =	sor.u32 s16, s7;
	v7 =	vand.u32 $0x1, v1;
	v8 =	vand.u32 $0x100, v1;
	v9 =	vand.u32 $0x10000, v1  }
0x56: {  	s9 =	simm.s32 $0x0;
	v12 =	vld [tilespmem:s8+$0x180];
	s18 =	sor.u32 s22, s16;
	v1 =	vand.u32 $0x1000000, v1;
	vm1 =	vgt.f32 v2, $5.000000000e-01;
	vm2 =	vgt.f32 v3, $5.000000000e-01  }
0x57: {  	s9 =	sand.u32 $0x3FFFFF80, s9;
	v15 =	vld [tilespmem:s18+$0x80];
	vm0 =	veq.s32 v7, $0x0;
	vm3 =	veq.s32 v1, $0x0;
	v1 =	vsel vm1, $0x3F800000, v0  }
0x58: {  	s9 =	sadd.s32 s13, s9;
	v17 =	vld [tilespmem:s18+$0x100];
	v7 =	vsel vm2, $0x3F800000, v0;
	vm1 =	vgt.f32 v4, $5.000000000e-01;
	vm2 =	veq.s32 v8, $0x0  }
0x59: {  	s12 =	smul.u32 $0x60, s30;
	s23 =	simm.s32 $0xC;
	s13 =	sor.u32 s26, s9;
	v18 =	vld [tilespmem:s18+$0x180];
	vm4 =	veq.s32 v9, $0x0;
	v1 =	vsel vm3, v2, v1;
	v8 =	vsel vm1, $0x3F800000, v0  }
0x5a: {  	s9 =	simm.s32 $0x3;
	s19 =	simm.s32 $0x40;
	s14 =	sor.u32 s22, s21;
	v13 =	vld [tilespmem:s18+$0x0];
	vm1 =	vgt.f32 v5, $5.000000000e-01;
	vm3 =	vgt.f32 v6, $5.000000000e-01;
	v3 =	vsel vm0, v3, v7  }
0x5b: {  	s20 =	simm.s32 $0x100;
	s26 =	simm.s32 $0x30;
	s29 =	simm.s32 $0xC0;
	v2 =	vld [tilespmem:s14+$0xC000];
	vm0 =	vgt.f32 v11, $5.000000000e-01;
	v9 =	vsel vm1, $0x3F800000, v0;
	v14 =	vsel vm3, $0x3F800000, v0  }
0x5c: {  	s17 =	simm.s32 $0x10;
	s20 =	sand.u32 $0x7000, s20;
	s7 =	sor.u32 s6, s12;
	v7 =	vld [tilespmem:s13+$0xC000];
	vm1 =	vgt.f32 v10, $5.000000000e-01;
	v4 =	vsel vm2, v4, v8;
	v8 =	vsel vm0, $0x3F800000, v0  }
0x5d: {  	s3 =	sand.u32 $0x3000, s29;
	s15 =	sand.u32 $0x200, s26;
	s29 =	simm.s32 $0x50;
	vm0 =	vgt.f32 v12, $5.000000000e-01;
	vm2 =	vgt.f32 v15, $5.000000000e-01;
	vm3 =	vgt.f32 v17, $5.000000000e-01  }
0x5e: {  	s16 =	sand.u32 $0x3FFFFF80, s23;
	s15 =	sor.u32 s3, s15;
	s23 =	simm.s32 $0x14;
	vm13 =	vgt.f32 v18, $5.000000000e-01;
	v16 =	vsel vm1, $0x3F800000, v0;
	v5 =	vsel vm4, v5, v9  }
0x5f: {  	s26 =	sand.u32 $0x1000, s29;
	s3 =	simm.s32 $0x140;
	s29 =	sand.u32 $0x200, s29;
	v21 =	vsel vm0, $0x3F800000, v0;
	vm1 =	vgt.f32 v13, $5.000000000e-01;
	v61 =	vsel vm2, $0x3F800000, v0  }
0x60: {  	s23 =	sand.u32 $0x380, s23;
	s3 =	sand.u32 $0x7000, s3;
	s13 =	simm.s32 $0x280;
	v62 =	vsel vm3, $0x3F800000, v0;
	v9 =	vand.u32 $0x1, v2;
	v19 =	vand.u32 $0x100, v2  }
0x61: {  	s23 =	sor.u32 s23, s26;
	s14 =	simm.s32 $0x50;
	s21 =	sand.u32 $0xC00, s13;
	[tilespmem:s10+$0xF180] =	vst v1;
	v20 =	vand.u32 $0x10000, v2;
	v2 =	vand.u32 $0x1000000, v2;
	v1 =	vand.u32 $0x1, v7  }
0x62: {  	s3 =	sor.u32 s3, s29;
	s29 =	sand.u32 $0x70, s14;
	s23 =	sor.u32 s21, s23;
	v22 =	vand.u32 $0x100, v7;
	v23 =	vand.u32 $0x10000, v7;
	v25 =	vand.u32 $0x1000000, v7  }
0x63: {  	s22 =	sand.u32 $0x1000, s19;
	s3 =	sor.u32 s21, s3;
	s23 =	sor.u32 s29, s23;
	vm0 =	veq.s32 v9, $0x0;
	v9 =	vsel vm1, $0x3F800000, v0;
	vm1 =	veq.s32 v19, $0x0  }
0x64: {  	s19 =	sand.u32 $0x200, s19;
	[tilespmem:s10+$0xF000] =	vst v3;
	s21 =	sand.u32 $0x380, s17;
	s17 =	sor.u32 s29, s3;
	v24 =	vld [tilespmem:s23+$0xC000];
	vm2 =	veq.s32 v20, $0x0;
	vm3 =	veq.s32 v2, $0x0;
	v2 =	vsel vm13, $0x3F800000, v0  }
0x65: {  	s19 =	sor.u32 s20, s19;
	s26 =	simm.s32 $0x180;
	[tilespmem:s10+$0xF080] =	vst v4;
	s3 =	sor.u32 s21, s22;
	v7 =	vld [tilespmem:s17+$0x180];
	vm14 =	veq.s32 v1, $0x0;
	vm5 =	veq.s32 v22, $0x0;
	vm6 =	veq.s32 v23, $0x0  }
0x66: {  	[tilespmem:s10+$0xF100] =	vst v5;
	s29 =	sand.u32 $0xC00, s26;
	s22 =	simm.s32 $0x200;
	s23 =	simm.s32 $0x30;
	v3 =	vld [tilespmem:s17+$0x0];
	vm15 =	veq.s32 v25, $0x0;
	v1 =	vsel vm14, v6, v14;
	v6 =	vsel vm5, v10, v16  }
0x67: {  	s26 =	simm.s32 $0x40;
	s15 =	sor.u32 s29, s15;
	v4 =	vld [tilespmem:s17+$0x80];
	s21 =	sand.u32 $0x70, s23;
	v14 =	vsel vm6, v11, v8;
	v63 =	vsel vm15, v12, v21;
	v11 =	vsel vm0, v13, v9;
	[tilespmem:s8+$0xF000] =	vst v1  }
0x68: {  	s20 =	sand.u32 $0xC00, s22;
	v5 =	vld [tilespmem:s17+$0x100];
	s10 =	sadd.s32 s29, s16;
	s15 =	sor.u32 s21, s15;
	v10 =	vsel vm1, v15, v61;
	v9 =	vsel vm2, v17, v62;
	v8 =	vsel vm3, v18, v2;
	[tilespmem:s8+$0xF080] =	vst v6  }
0x69: {  	s29 =	sand.u32 $0x70, s26;
	s3 =	sor.u32 s20, s3;
	s20 =	sor.u32 s20, s19;
	v2 =	vld [tilespmem:s15+$0x80];
	[tilespmem:s8+$0xF100] =	vst v14;
	v6 =	vand.u32 $0x1, v24;
	v13 =	vand.u32 $0x100, v24;
	v12 =	vand.u32 $0x10000, v24  }
0x6a: {  	s19 =	sor.u32 s29, s3;
	s16 =	sor.u32 s29, s20;
	s10 =	sor.u32 s21, s10;
	v1 =	vld [tilespmem:s15+$0x0];
	[tilespmem:s8+$0xF180] =	vst v63;
	v14 =	vand.u32 $0x1000000, v24;
	vm0 =	veq.s32 v6, $0x0;
	vm1 =	vgt.f32 v7, $5.000000000e-01  }
.LBB2_3:
0x6b: {  	s3 =	smov.u32 s9;
	s9 =	sadd.s32 $0x3, s9  }
0x6c: {  	v6 =	vld [tilespmem:s15+$0x100];
	vm2 =	vgt.f32 v3, $5.000000000e-01;
	vm3 =	veq.s32 v14, $0x0;
	v14 =	vsel vm1, $0x3F800000, v0;
	[tilespmem:s18+$0xF000] =	vst v11;
	s8 =	sshll.u32 s9, $0x2  }
0x6d: {  	s20 =	sadd.s32 $0x4, s3;
	p1 =	slt.u32 s9, $0xFC;
	v11 =	vld [tilespmem:s15+$0x180];
	v15 =	vsel vm2, $0x3F800000, v0;
	vm1 =	vgt.f32 v4, $5.000000000e-01;
	v7 =	vsel vm3, v7, v14;
	[tilespmem:s18+$0xF080] =	vst v10;
	s21 =	sshll.u32 s9, $0x4  }
0x6e: {  	s23 =	sshll.u32 s9, $0x6;
	vm2 =	veq.s32 v13, $0x0;
	s3 =	sadd.s32 $0x5, s3;
	s26 =	sshll.u32 s20, $0x4;
	v10 =	vld [tilespmem:s19+$0xC000];
	v13 =	vsel vm1, $0x3F800000, v0;
	vm1 =	vgt.f32 v5, $5.000000000e-01;
	[tilespmem:s17+$0xF180] =	vst v7  }
0x6f: {  	vm4 =	veq.s32 v12, $0x0;
	s8 =	sand.u32 $0x3FFFFF80, s8;
	s19 =	sshll.u32 s20, $0x2;
	s20 =	sshll.u32 s20, $0x6;
	vm3 =	vgt.f32 v1, $5.000000000e-01;
	v14 =	vld [tilespmem:s16+$0x0];
	v7 =	vsel vm1, $0x3F800000, v0;
	[tilespmem:s18+$0xF100] =	vst v9  }
0x70: {  	s23 =	sand.u32 $0x3000, s23;
	s21 =	sand.u32 $0x200, s21;
	v3 =	vsel vm0, v3, v15;
	s29 =	sand.u32 $0x1000, s26;
	v9 =	vsel vm3, $0x3F800000, v0;
	vm1 =	vgt.f32 v2, $5.000000000e-01;
	v12 =	vld [tilespmem:s16+$0x80];
	[tilespmem:s18+$0xF180] =	vst v8  }
0x71: {  	s19 =	sand.u32 $0x380, s19;
	s20 =	sand.u32 $0x7000, s20;
	s26 =	sand.u32 $0x200, s26;
	v8 =	vsel vm1, $0x3F800000, v0;
	vm0 =	vgt.f32 v6, $5.000000000e-01;
	v15 =	vld [tilespmem:s16+$0x100];
	[tilespmem:s17+$0xF000] =	vst v3;
	v3 =	vsel vm2, v4, v13  }
0x72: {  	s18 =	sor.u32 s23, s21;
	s19 =	sor.u32 s19, s29;
	s20 =	sor.u32 s20, s26;
	v13 =	vsel vm0, $0x3F800000, v0;
	vm0 =	vgt.f32 v11, $5.000000000e-01;
	v16 =	vld [tilespmem:s16+$0x180];
	[tilespmem:s17+$0xF080] =	vst v3;
	v3 =	vsel vm4, v5, v7  }
0x73: {  	s13 =	sadd.s32 $0x180, s13;
	s14 =	sadd.s32 $0x30, s14;
	s21 =	sshll.u32 s3, $0x2;
	v4 =	vld [tilespmem:s10+$0xC000];
	v5 =	vand.u32 $0x1, v10;
	v7 =	vand.u32 $0x100, v10;
	v17 =	vand.u32 $0x10000, v10;
	[tilespmem:s17+$0xF100] =	vst v3  }
0x74: {  	s26 =	sadd.s32 $0xFFFFFF80, s13;
	s10 =	sshll.u32 s3, $0x4;
	s17 =	sand.u32 $0xC00, s13;
	v18 =	vsel vm0, $0x3F800000, v0;
	v3 =	vand.u32 $0x1000000, v10;
	vm1 =	vgt.f32 v14, $5.000000000e-01  }
0x75: {  	s21 =	sand.u32 $0x380, s21;
	s3 =	sshll.u32 s3, $0x6;
	s23 =	sand.u32 $0x1000, s10;
	vm0 =	veq.s32 v5, $0x0;
	v5 =	vsel vm1, $0x3F800000, v0;
	vm2 =	vgt.f32 v12, $5.000000000e-01  }
0x76: {  	s3 =	sand.u32 $0x7000, s3;
	s10 =	sand.u32 $0x200, s10;
	s21 =	sor.u32 s21, s23;
	vm1 =	veq.s32 v7, $0x0;
	v10 =	vsel vm2, $0x3F800000, v0;
	vm3 =	vgt.f32 v15, $5.000000000e-01  }
0x77: {  	s23 =	sand.u32 $0x70, s14;
	s3 =	sor.u32 s3, s10;
	s21 =	sor.u32 s17, s21;
	vm2 =	veq.s32 v17, $0x0;
	v17 =	vsel vm3, $0x3F800000, v0;
	vm4 =	vgt.f32 v16, $5.000000000e-01  }
0x78: {  	s10 =	sadd.s32 $0xFFFFFF00, s13;
	s3 =	sor.u32 s17, s3;
	s21 =	sor.u32 s23, s21;
	v19 =	vand.u32 $0x1, v4;
	v20 =	vand.u32 $0x100, v4;
	v21 =	vand.u32 $0x10000, v4  }
0x79: {  	s10 =	sand.u32 $0xC00, s10;
	s17 =	sor.u32 s23, s3;
	vm3 =	veq.s32 v3, $0x0;
	s3 =	sadd.s32 $0xFFFFFFE0, s14;
	v4 =	vand.u32 $0x1000000, v4;
	v23 =	vsel vm4, $0x3F800000, v0;
	v22 =	vld [tilespmem:s21+$0xC000]  }
0x7a: {  	s23 =	sand.u32 $0xC00, s26;
	s18 =	sor.u32 s10, s18;
	s21 =	sadd.s32 $0xFFFFFFF0, s14;
	vm4 =	veq.s32 v19, $0x0;
	vm5 =	veq.s32 v20, $0x0;
	vm6 =	veq.s32 v21, $0x0;
	v7 =	vld [tilespmem:s17+$0x180]  }
.Ltmp4:
0x7b: {  	s19 =	sor.u32 s23, s19;
	s20 =	sor.u32 s23, s20;
	v1 =	vsel vm4, v1, v9;
	v2 =	vsel vm5, v2, v8;
	vm4 =	veq.s32 v4, $0x0;
	v3 =	vld [tilespmem:s17+$0x0];
	(pc) =	sbr.rel @p1 .LBB2_3-.Ltmp4, $4  }
0x7c: {  	s8 =	sadd.s32 s10, s8;
	s3 =	sand.u32 $0x70, s3;
	s10 =	sand.u32 $0x70, s21;
	v6 =	vsel vm6, v6, v13;
	v18 =	vsel vm4, v11, v18;
	v11 =	vsel vm0, v14, v5;
	v4 =	vld [tilespmem:s17+$0x80];
	[tilespmem:s15+$0xF000] =	vst v1  }
0x7d: {  	v10 =	vsel vm1, v12, v10;
	s21 =	sor.u32 s3, s18;
	v9 =	vsel vm2, v15, v17;
	v8 =	vsel vm3, v16, v23;
	s19 =	sor.u32 s10, s19;
	s20 =	sor.u32 s10, s20;
	v5 =	vld [tilespmem:s17+$0x100];
	[tilespmem:s15+$0xF080] =	vst v2  }
0x7e: {  	s18 =	smov.u32 s16;
	s10 =	sor.u32 s3, s8;
	s16 =	smov.u32 s20;
	v1 =	vld [tilespmem:s21+$0x0];
	v14 =	vand.u32 $0x1, v22;
	v13 =	vand.u32 $0x100, v22;
	v12 =	vand.u32 $0x10000, v22;
	[tilespmem:s15+$0xF100] =	vst v6  }
0x7f: {  	v2 =	vld [tilespmem:s21+$0x80];
	vm0 =	veq.s32 v14, $0x0;
	v14 =	vand.u32 $0x1000000, v22;
	vm1 =	vgt.f32 v7, $5.000000000e-01;
	[tilespmem:s15+$0xF180] =	vst v18;
	s15 =	smov.u32 s21  }
0x80: {  	v6 =	vld [tilespmem:s15+$0x100]  }
0x81: {  	vm2 =	vgt.f32 v3, $5.000000000e-01;
	vm3 =	veq.s32 v14, $0x0;
	v15 =	vld [tilespmem:s15+$0x180]  }
0x82: {  	v35 =	vsel vm1, $0x3F800000, v0;
	v36 =	vld [tilespmem:s19+$0xC000];
	vm11 =	veq.s32 v13, $0x0;
	vm4 =	veq.s32 v12, $0x0  }
0x83: {  	v17 =	vld [tilespmem:s16+$0x0];
	v16 =	vsel vm2, $0x3F800000, v0;
	vm10 =	vgt.f32 v4, $5.000000000e-01;
	v7 =	vsel vm3, v7, v35  }
0x84: {  	v18 =	vld [tilespmem:s10+$0xC000];
	v37 =	vsel vm10, $0x3F800000, v0;
	vm12 =	vgt.f32 v5, $5.000000000e-01;
	v3 =	vsel vm0, v3, v16  }
0x85: {  	[tilespmem:s18+$0xF000] =	vst v11;
	v46 =	vld [tilespmem:s16+$0x80];
	vm13 =	vgt.f32 v1, $5.000000000e-01;
	v38 =	vsel vm12, $0x3F800000, v0;
	v41 =	vsel vm11, v4, v37  }
0x86: {  	[tilespmem:s18+$0xF080] =	vst v10;
	v50 =	vld [tilespmem:s16+$0x100];
	v39 =	vsel vm13, $0x3F800000, v0;
	vm14 =	vgt.f32 v2, $5.000000000e-01;
	v43 =	vsel vm4, v5, v38  }
0x87: {  	[tilespmem:s18+$0xF100] =	vst v9;
	v40 =	vsel vm14, $0x3F800000, v0;
	vm15 =	vgt.f32 v6, $5.000000000e-01;
	vm5 =	vgt.f32 v15, $5.000000000e-01  }
0x88: {  	[tilespmem:s18+$0xF180] =	vst v8;
	v44 =	vand.u32 $0x1, v36;
	v45 =	vand.u32 $0x100, v36;
	v47 =	vand.u32 $0x10000, v36  }
0x89: {  	[tilespmem:s17+$0xF000] =	vst v3;
	vm6 =	vgt.f32 v17, $5.000000000e-01;
	v3 =	vand.u32 $0x1000000, v36;
	v49 =	vand.u32 $0x1, v18  }
0x8a: {  	[tilespmem:s17+$0xF180] =	vst v7;
	v19 =	vand.u32 $0x100, v18;
	v53 =	vand.u32 $0x10000, v18;
	v54 =	vand.u32 $0x1000000, v18  }
0x8b: {  	[tilespmem:s17+$0xF080] =	vst v41;
	vm11 =	vgt.f32 v46, $5.000000000e-01;
	vm14 =	vgt.f32 v50, $5.000000000e-01;
	vm8 =	veq.s32 v49, $0x0  }
0x8c: {  	v52 =	vld [tilespmem:s16+$0x180];
	[tilespmem:s17+$0xF100] =	vst v43;
	v42 =	vsel vm15, $0x3F800000, v0;
	vm9 =	veq.s32 v19, $0x0;
	v1 =	vsel vm8, v1, v39  }
0x8d: {  	v48 =	vsel vm5, $0x3F800000, v0;
	vm12 =	veq.s32 v54, $0x0;
	v2 =	vsel vm9, v2, v40;
	[tilespmem:s15+$0xF000] =	vst v1  }
0x8e: {  	vm7 =	veq.s32 v44, $0x0;
	vm10 =	veq.s32 v53, $0x0;
	v55 =	vsel vm12, v15, v48;
	[tilespmem:s15+$0xF080] =	vst v2  }
0x8f: {  	v51 =	vsel vm6, $0x3F800000, v0;
	vm13 =	veq.s32 v45, $0x0;
	v1 =	vsel vm10, v6, v42;
	[tilespmem:s15+$0xF180] =	vst v55  }
0x90: {  	vm15 =	veq.s32 v47, $0x0;
	v2 =	vsel vm11, $0x3F800000, v0;
	[tilespmem:s15+$0xF100] =	vst v1;
	v1 =	vsel vm7, v17, v51  }
0x91: {  	v56 =	vsel vm14, $0x3F800000, v0;
	vm6 =	vgt.f32 v52, $5.000000000e-01;
	v2 =	vsel vm13, v46, v2;
	[tilespmem:s16+$0xF000] =	vst v1  }
0x92: {  	vm7 =	veq.s32 v3, $0x0;
	v3 =	vsel vm15, v50, v56;
	v1 =	vsel vm6, $0x3F800000, v0;
	[tilespmem:s16+$0xF080] =	vst v2  }
0x93: {  	[tilespmem:s16+$0xF100] =	vst v3;
	v1 =	vsel vm7, v52, v1  }
0x94: {  	[tilespmem:s16+$0xF180] =	vst v1  }
0x95: {  	v1 =	vld [tilespmem:$0xCFF0]  }
0x96: {  	v2 =	vld [tilespmem:$0x3E70]  }
0x97: {  	v3 =	vld [tilespmem:$0x3EF0]  }
0x98: {  	v57 =	vld [tilespmem:$0x3F70]  }
0x99: {  	v59 =	vld [tilespmem:$0x3FF0];
	_ =	sdelay $0x1  }
0x9a: {  	v58 =	vand.u32 $0x1, v1  }
0x9b: {  	vm8 =	vgt.f32 v2, $5.000000000e-01;
	v61 =	vand.u32 $0x100, v1;
	vm10 =	vgt.f32 v3, $5.000000000e-01  }
0x9c: {  	v63 =	vand.u32 $0x10000, v1;
	vm13 =	vgt.f32 v57, $5.000000000e-01;
	v1 =	vand.u32 $0x1000000, v1  }
0x9d: {  	vm14 =	vgt.f32 v59, $5.000000000e-01;
	vm9 =	veq.s32 v58, $0x0;
	v60 =	vsel vm8, $0x3F800000, v0  }
0x9e: {  	vm11 =	veq.s32 v61, $0x0;
	v62 =	vsel vm10, $0x3F800000, v0;
	v2 =	vsel vm9, v2, v60  }
0x9f: {  	vm15 =	veq.s32 v1, $0x0;
	v1 =	vsel vm14, $0x3F800000, v0;
	v3 =	vsel vm11, v3, v62;
	[tilespmem:$0x12E70] =	vst v2  }
0xa0: {  	vm12 =	veq.s32 v63, $0x0;
	v1 =	vsel vm15, v59, v1;
	v2 =	vsel vm13, $0x3F800000, v0;
	[tilespmem:$0x12EF0] =	vst v3  }
0xa1: {  	s3 =	sshll.u32 s7, $0xB;
	s29 =	simm.s32 $0xF000;
	s7 =	sadd.s32 s6, s12;
	[tilespmem:$0x12FF0] =	vst v1;
	v2 =	vsel vm12, v57, v2  }
0xa2: {  	p2 =	seq.s32 s30, $0x0;
	s3 =	sadd.s32 s2, s3;
	s9 =	sadd.s32 $0x40, s7;
	[tilespmem:$0x12F70] =	vst v2  }
0xa3: {  	[hbm4b:s3+s4] =	stream.linear.scatter [tilespmem:s29], [sflag:$0x7], $0x4000, $0x38;
	[tilespmem:$0x1B000] =	vst v63  }
0xa4: {  	p1 =	sgt.u32 s9, $0xC34;
	s3 =	simm.s32 @!p2 $0x8  }
0xa5: {  	s8 =	sshll.u32 @!p1 s9, $0xB;
	_ =	swait.ge @!p2 [sflag:s3], $0x4000  }
0xa6: {  	s10 =	simm.s32 @!p1 $0x0;
	s13 =	simm.s32 @!p1 $0x8000;
	[sflag:s3] =	ssyncset.done @!p2 $0x0  }
0xa7: {  	s8 =	sadd.s32 @!p1 s1, s8;
	[sflag:s3] =	ssyncadd.s32 @!p2 $0xFFFFC000;
	s3 =	sshll.u32 @!p1 s9, $0x9  }
0xa8: {  	[tilespmem:s13], [sflag:$0x3] =	stream.linear.gather @!p1 [hbm4b:s8+s10], $0x4000, $0x38;
	[tilespmem:$0x1B000] =	vst v63  }
0xa9: {  	s12 =	sadd.s32 s11, s12;
	s3 =	sadd.s32 @!p1 s5, s3  }
0xaa: {  	s8 =	simm.s32 @!p1 $0x100;
	s10 =	simm.s32 @!p1 $0x400;
	s13 =	simm.s32 @!p1 $0xE000  }
0xab: {  	[tilespmem:s13], [sflag:$0x6] =	stream.strided.gather @!p1 [hbm4b:s3+s8], $0x400, s10, s8, $0x38;
	[tilespmem:$0x1B000] =	vst v63  }
0xac: {  	p3 =	sgt.u32 s12, $0xC34;
	s14 =	simm.s32 @!p1 $0xE400;
	s13 =	sadd.s32 @!p1 $0x20, s3  }
0xad: {  	[tilespmem:s14], [sflag:$0x6] =	stream.strided.gather @!p1 [hbm4b:s13+s8], $0x400, s10, s8, $0x38;
	[tilespmem:$0x1B000] =	vst v63  }
.Ltmp5:
0xae: {  	_ = 	snop;
	(pc) =	sbr.rel @p3 .LBB2_8-.Ltmp5, $4  }
0xaf: {  	s13 =	sadd.s32 @!p1 $0x40, s3;
	s14 =	simm.s32 @!p1 $0xE800  }
0xb0: {  	[tilespmem:s14], [sflag:$0x6] =	stream.strided.gather @!p1 [hbm4b:s13+s8], $0x400, s10, s8, $0x38;
	[tilespmem:$0x1B000] =	vst v63  }
0xb1: {  	s3 =	sadd.s32 @!p1 $0x60, s3;
	s13 =	simm.s32 @!p1 $0xEC00  }
0xb2: {  	[tilespmem:s13], [sflag:$0x6] =	stream.strided.gather @!p1 [hbm4b:s3+s8], $0x400, s10, s8, $0x38;
	[tilespmem:$0x1B000] =	vst v63  }
0xb3: {  	s3 =	simm.s32 $0x2;
	s21 =	simm.s32 $0x5;
	s22 =	simm.s32 $0x100  }
0xb4: {  	s8 =	simm.s32 $0x20;
	s14 =	simm.s32 $0x20;
	s15 =	simm.s32 $0x8  }
0xb5: {  	s17 =	simm.s32 $0x80;
	_ =	swait.ge [sflag:s3], $0x4000;
	s16 =	sand.u32 $0x1000, s14  }
0xb6: {  	s15 =	sand.u32 $0x380, s15;
	s23 =	sand.u32 $0x7000, s17;
	[sflag:s3] =	ssyncset.done $0x0  }
0xb7: {  	s14 =	sand.u32 $0x200, s14;
	s8 =	sand.u32 $0x70, s8;
	[sflag:s3] =	ssyncadd.s32 $0xFFFFC000  }
0xb8: {  	s15 =	sor.u32 s15, s16;
	s3 =	sand.u32 $0xC00, s22;
	_ =	swait.ge [sflag:s21], $0x1000  }
0xb9: {  	s14 =	sor.u32 s23, s14;
	s15 =	sor.u32 s3, s15;
	[sflag:s21] =	ssyncset.done $0x0  }
0xba: {  	s3 =	sor.u32 s3, s14;
	s15 =	sor.u32 s8, s15;
	[sflag:s21] =	ssyncadd.s32 $0xFFFFF000  }
0xbb: {  	s10 =	simm.s32 $0x0;
	s26 =	simm.s32 $0x0;
	s16 =	sor.u32 s8, s3;
	v1 =	vld [tilespmem:s15+$0xD000]  }
0xbc: {  	s10 =	sand.u32 $0x200, s10;
	s8 =	sand.u32 $0x3000, s26;
	s15 =	simm.s32 $0x0;
	v2 =	vld [tilespmem:s16+$0x4180]  }
0xbd: {  	s20 =	simm.s32 $0x0;
	s3 =	sor.u32 s8, s10;
	v3 =	vld [tilespmem:s16+$0x4000];
	s17 =	sand.u32 $0xC00, s15  }
0xbe: {  	s29 =	simm.s32 $0x10;
	s22 =	sand.u32 $0x70, s20;
	v4 =	vld [tilespmem:s16+$0x4080];
	s3 =	sor.u32 s17, s3  }
0xbf: {  	s19 =	sand.u32 $0x1000, s29;
	s21 =	simm.s32 $0x40;
	v5 =	vld [tilespmem:s16+$0x4100];
	s10 =	sor.u32 s22, s3  }
0xc0: {  	s14 =	sand.u32 $0x200, s29;
	s26 =	simm.s32 $0x80;
	s23 =	sand.u32 $0x7000, s21;
	v6 =	vld [tilespmem:s10+$0x4000]  }
0xc1: {  	s29 =	simm.s32 $0x10;
	s15 =	sand.u32 $0xC00, s26;
	s3 =	sor.u32 s23, s14;
	v10 =	vld [tilespmem:s10+$0x4080]  }
0xc2: {  	s21 =	sand.u32 $0x70, s29;
	v11 =	vld [tilespmem:s10+$0x4100];
	s3 =	sor.u32 s15, s3  }
0xc3: {  	s18 =	simm.s32 $0x4;
	v12 =	vld [tilespmem:s10+$0x4180];
	v7 =	vand.u32 $0x1, v1;
	v8 =	vand.u32 $0x100, v1;
	v9 =	vand.u32 $0x10000, v1;
	s8 =	sor.u32 s21, s3  }
0xc4: {  	s18 =	sand.u32 $0x380, s18;
	v1 =	vand.u32 $0x1000000, v1;
	vm1 =	vgt.f32 v2, $5.000000000e-01;
	vm2 =	vgt.f32 v3, $5.000000000e-01;
	v13 =	vld [tilespmem:s8+$0x4000]  }
0xc5: {  	s18 =	sor.u32 s18, s19;
	vm0 =	veq.s32 v7, $0x0;
	vm3 =	veq.s32 v1, $0x0;
	v1 =	vsel vm1, $0x3F800000, v0;
	v15 =	vld [tilespmem:s8+$0x4080]  }
0xc6: {  	s13 =	simm.s32 $0x0;
	s20 =	sor.u32 s15, s18;
	v7 =	vsel vm2, $0x3F800000, v0;
	vm1 =	vgt.f32 v4, $5.000000000e-01;
	vm2 =	veq.s32 v8, $0x0;
	v17 =	vld [tilespmem:s8+$0x4100]  }
0xc7: {  	s13 =	sand.u32 $0x3FFFFF80, s13;
	s29 =	simm.s32 $0xC0;
	s14 =	sor.u32 s21, s20;
	vm4 =	veq.s32 v9, $0x0;
	v18 =	vld [tilespmem:s8+$0x4180];
	v8 =	vsel vm1, $0x3F800000, v0;
	vm1 =	vgt.f32 v5, $5.000000000e-01  }
0xc8: {  	s26 =	simm.s32 $0x30;
	s19 =	sand.u32 $0x3000, s29;
	s13 =	sadd.s32 s17, s13;
	v1 =	vsel vm3, v2, v1;
	v2 =	vld [tilespmem:s14+$0xD000];
	v3 =	vsel vm0, v3, v7;
	v9 =	vsel vm1, $0x3F800000, v0  }
0xc9: {  	s29 =	simm.s32 $0x140;
	s18 =	simm.s32 $0x10;
	s22 =	sor.u32 s22, s13;
	v4 =	vsel vm2, v4, v8;
	vm3 =	vgt.f32 v6, $5.000000000e-01;
	vm1 =	vgt.f32 v10, $5.000000000e-01  }
0xca: {  	s29 =	sand.u32 $0x7000, s29;
	s13 =	simm.s32 $0x3;
	s23 =	simm.s32 $0xC;
	v7 =	vld [tilespmem:s22+$0xD000];
	vm0 =	vgt.f32 v11, $5.000000000e-01;
	v5 =	vsel vm4, v5, v9;
	v14 =	vsel vm3, $0x3F800000, v0  }
0xcb: {  	s20 =	simm.s32 $0x40;
	s17 =	sand.u32 $0x3FFFFF80, s23;
	s15 =	sand.u32 $0x200, s26;
	v16 =	vsel vm1, $0x3F800000, v0;
	v8 =	vsel vm0, $0x3F800000, v0;
	vm0 =	vgt.f32 v12, $5.000000000e-01  }
0xcc: {  	s23 =	simm.s32 $0x14;
	s21 =	simm.s32 $0x100;
	s19 =	sor.u32 s19, s15;
	v21 =	vsel vm0, $0x3F800000, v0;
	vm1 =	vgt.f32 v13, $5.000000000e-01;
	vm2 =	vgt.f32 v15, $5.000000000e-01  }
0xcd: {  	s15 =	simm.s32 $0x50;
	s23 =	sand.u32 $0x380, s23;
	s22 =	simm.s32 $0x50;
	vm3 =	vgt.f32 v17, $5.000000000e-01;
	vm13 =	vgt.f32 v18, $5.000000000e-01;
	v9 =	vand.u32 $0x1, v2  }
0xce: {  	s21 =	sand.u32 $0x7000, s21;
	s14 =	simm.s32 $0x280;
	s26 =	sand.u32 $0x1000, s22;
	v19 =	vand.u32 $0x100, v2;
	v20 =	vand.u32 $0x10000, v2;
	v2 =	vand.u32 $0x1000000, v2  }
0xcf: {  	s3 =	sand.u32 $0x200, s22;
	s22 =	sand.u32 $0xC00, s14;
	[tilespmem:s16+$0x13180] =	vst v1;
	s23 =	sor.u32 s23, s26;
	v61 =	vsel vm2, $0x3F800000, v0;
	v62 =	vsel vm3, $0x3F800000, v0;
	v1 =	vand.u32 $0x1, v7  }
0xd0: {  	s3 =	sor.u32 s29, s3;
	s29 =	sand.u32 $0x70, s15;
	s23 =	sor.u32 s22, s23;
	v22 =	vand.u32 $0x100, v7;
	v23 =	vand.u32 $0x10000, v7;
	v25 =	vand.u32 $0x1000000, v7  }
0xd1: {  	s26 =	sand.u32 $0x1000, s20;
	s3 =	sor.u32 s22, s3;
	s23 =	sor.u32 s29, s23;
	vm0 =	veq.s32 v9, $0x0;
	v9 =	vsel vm1, $0x3F800000, v0;
	vm1 =	veq.s32 v19, $0x0  }
0xd2: {  	[tilespmem:s16+$0x13000] =	vst v3;
	s20 =	sand.u32 $0x200, s20;
	s22 =	sand.u32 $0x380, s18;
	s18 =	sor.u32 s29, s3;
	v24 =	vld [tilespmem:s23+$0xD000];
	vm2 =	veq.s32 v20, $0x0;
	vm3 =	veq.s32 v2, $0x0;
	v2 =	vsel vm13, $0x3F800000, v0  }
0xd3: {  	[tilespmem:s16+$0x13080] =	vst v4;
	s20 =	sor.u32 s21, s20;
	s3 =	sor.u32 s22, s26;
	s22 =	simm.s32 $0x180;
	v7 =	vld [tilespmem:s18+$0x4180];
	vm14 =	veq.s32 v1, $0x0;
	vm5 =	veq.s32 v22, $0x0;
	vm6 =	veq.s32 v23, $0x0  }
0xd4: {  	[tilespmem:s16+$0x13100] =	vst v5;
	s26 =	simm.s32 $0x30;
	s21 =	sand.u32 $0xC00, s22;
	s23 =	simm.s32 $0x200;
	v3 =	vld [tilespmem:s18+$0x4000];
	vm15 =	veq.s32 v25, $0x0;
	v1 =	vsel vm14, v6, v14;
	v6 =	vsel vm5, v10, v16  }
0xd5: {  	v4 =	vld [tilespmem:s18+$0x4080];
	s23 =	sand.u32 $0xC00, s23;
	s29 =	sor.u32 s21, s19;
	s19 =	sand.u32 $0x70, s26;
	v14 =	vsel vm6, v11, v8;
	v63 =	vsel vm15, v12, v21;
	v11 =	vsel vm0, v13, v9;
	[tilespmem:s10+$0x13000] =	vst v1  }
0xd6: {  	v5 =	vld [tilespmem:s18+$0x4100];
	s26 =	simm.s32 $0x40;
	s21 =	sadd.s32 s21, s17;
	s16 =	sor.u32 s19, s29;
	v10 =	vsel vm1, v15, v61;
	v9 =	vsel vm2, v17, v62;
	v8 =	vsel vm3, v18, v2;
	[tilespmem:s10+$0x13080] =	vst v6  }
0xd7: {  	s3 =	sor.u32 s23, s3;
	s23 =	sor.u32 s23, s20;
	s29 =	sand.u32 $0x70, s26;
	v1 =	vld [tilespmem:s16+$0x4000];
	[tilespmem:s10+$0x13100] =	vst v14;
	v6 =	vand.u32 $0x1, v24;
	v13 =	vand.u32 $0x100, v24;
	v12 =	vand.u32 $0x10000, v24  }
0xd8: {  	s19 =	sor.u32 s19, s21;
	s20 =	sor.u32 s29, s3;
	s17 =	sor.u32 s29, s23;
	v2 =	vld [tilespmem:s16+$0x4080];
	[tilespmem:s10+$0x13180] =	vst v63;
	v14 =	vand.u32 $0x1000000, v24;
	vm1 =	vgt.f32 v7, $5.000000000e-01;
	vm0 =	veq.s32 v6, $0x0  }
.LBB2_6:
0xd9: {  	s3 =	smov.u32 s13;
	s13 =	sadd.s32 $0x3, s13  }
0xda: {  	v6 =	vld [tilespmem:s16+$0x4100];
	vm2 =	vgt.f32 v3, $5.000000000e-01;
	vm3 =	veq.s32 v14, $0x0;
	v14 =	vsel vm1, $0x3F800000, v0;
	[tilespmem:s8+$0x13000] =	vst v11;
	s10 =	sshll.u32 s13, $0x2  }
0xdb: {  	s21 =	sadd.s32 $0x4, s3;
	p3 =	slt.u32 s13, $0xFC;
	v11 =	vld [tilespmem:s16+$0x4180];
	v15 =	vsel vm2, $0x3F800000, v0;
	vm1 =	vgt.f32 v4, $5.000000000e-01;
	v7 =	vsel vm3, v7, v14;
	[tilespmem:s8+$0x13080] =	vst v10;
	s22 =	sshll.u32 s13, $0x4  }
0xdc: {  	s23 =	sshll.u32 s13, $0x6;
	vm2 =	veq.s32 v13, $0x0;
	s3 =	sadd.s32 $0x5, s3;
	s26 =	sshll.u32 s21, $0x4;
	v10 =	vld [tilespmem:s20+$0xD000];
	v13 =	vsel vm1, $0x3F800000, v0;
	vm1 =	vgt.f32 v5, $5.000000000e-01;
	[tilespmem:s18+$0x13180] =	vst v7  }
0xdd: {  	vm4 =	veq.s32 v12, $0x0;
	s10 =	sand.u32 $0x3FFFFF80, s10;
	s20 =	sshll.u32 s21, $0x2;
	s21 =	sshll.u32 s21, $0x6;
	vm3 =	vgt.f32 v1, $5.000000000e-01;
	v14 =	vld [tilespmem:s17+$0x4000];
	v7 =	vsel vm1, $0x3F800000, v0;
	[tilespmem:s8+$0x13100] =	vst v9  }
0xde: {  	s23 =	sand.u32 $0x3000, s23;
	s22 =	sand.u32 $0x200, s22;
	v3 =	vsel vm0, v3, v15;
	s29 =	sand.u32 $0x1000, s26;
	v9 =	vsel vm3, $0x3F800000, v0;
	vm1 =	vgt.f32 v2, $5.000000000e-01;
	v12 =	vld [tilespmem:s17+$0x4080];
	[tilespmem:s8+$0x13180] =	vst v8  }
0xdf: {  	s20 =	sand.u32 $0x380, s20;
	s21 =	sand.u32 $0x7000, s21;
	s26 =	sand.u32 $0x200, s26;
	v8 =	vsel vm1, $0x3F800000, v0;
	vm0 =	vgt.f32 v6, $5.000000000e-01;
	v15 =	vld [tilespmem:s17+$0x4100];
	[tilespmem:s18+$0x13000] =	vst v3;
	v3 =	vsel vm2, v4, v13  }
0xe0: {  	s8 =	sor.u32 s23, s22;
	s20 =	sor.u32 s20, s29;
	s29 =	sor.u32 s21, s26;
	v13 =	vsel vm0, $0x3F800000, v0;
	vm0 =	vgt.f32 v11, $5.000000000e-01;
	v16 =	vld [tilespmem:s17+$0x4180];
	[tilespmem:s18+$0x13080] =	vst v3;
	v3 =	vsel vm4, v5, v7  }
0xe1: {  	s14 =	sadd.s32 $0x180, s14;
	s15 =	sadd.s32 $0x30, s15;
	s21 =	sshll.u32 s3, $0x2;
	v4 =	vld [tilespmem:s19+$0xD000];
	v5 =	vand.u32 $0x1, v10;
	v7 =	vand.u32 $0x100, v10;
	v17 =	vand.u32 $0x10000, v10;
	[tilespmem:s18+$0x13100] =	vst v3  }
0xe2: {  	s23 =	sadd.s32 $0xFFFFFF80, s14;
	s18 =	sshll.u32 s3, $0x4;
	s19 =	sand.u32 $0xC00, s14;
	v18 =	vsel vm0, $0x3F800000, v0;
	v3 =	vand.u32 $0x1000000, v10;
	vm1 =	vgt.f32 v14, $5.000000000e-01  }
0xe3: {  	s21 =	sand.u32 $0x380, s21;
	s3 =	sshll.u32 s3, $0x6;
	s22 =	sand.u32 $0x1000, s18;
	vm0 =	veq.s32 v5, $0x0;
	v5 =	vsel vm1, $0x3F800000, v0;
	vm2 =	vgt.f32 v12, $5.000000000e-01  }
0xe4: {  	s3 =	sand.u32 $0x7000, s3;
	s18 =	sand.u32 $0x200, s18;
	s21 =	sor.u32 s21, s22;
	vm1 =	veq.s32 v7, $0x0;
	v10 =	vsel vm2, $0x3F800000, v0;
	vm3 =	vgt.f32 v15, $5.000000000e-01  }
0xe5: {  	s22 =	sand.u32 $0x70, s15;
	s3 =	sor.u32 s3, s18;
	s21 =	sor.u32 s19, s21;
	vm2 =	veq.s32 v17, $0x0;
	v17 =	vsel vm3, $0x3F800000, v0;
	vm4 =	vgt.f32 v16, $5.000000000e-01  }
0xe6: {  	s18 =	sadd.s32 $0xFFFFFF00, s14;
	s3 =	sor.u32 s19, s3;
	s21 =	sor.u32 s22, s21;
	v19 =	vand.u32 $0x1, v4;
	v20 =	vand.u32 $0x100, v4;
	v21 =	vand.u32 $0x10000, v4  }
0xe7: {  	s19 =	sand.u32 $0xC00, s18;
	s18 =	sor.u32 s22, s3;
	vm3 =	veq.s32 v3, $0x0;
	s3 =	sadd.s32 $0xFFFFFFE0, s15;
	v4 =	vand.u32 $0x1000000, v4;
	v23 =	vsel vm4, $0x3F800000, v0;
	v22 =	vld [tilespmem:s21+$0xD000]  }
0xe8: {  	s22 =	sand.u32 $0xC00, s23;
	s8 =	sor.u32 s19, s8;
	s21 =	sadd.s32 $0xFFFFFFF0, s15;
	vm4 =	veq.s32 v19, $0x0;
	vm5 =	veq.s32 v20, $0x0;
	vm6 =	veq.s32 v21, $0x0;
	v7 =	vld [tilespmem:s18+$0x4180]  }
.Ltmp6:
0xe9: {  	s20 =	sor.u32 s22, s20;
	s22 =	sor.u32 s22, s29;
	v1 =	vsel vm4, v1, v9;
	v2 =	vsel vm5, v2, v8;
	vm4 =	veq.s32 v4, $0x0;
	v3 =	vld [tilespmem:s18+$0x4000];
	(pc) =	sbr.rel @p3 .LBB2_6-.Ltmp6, $4  }
0xea: {  	s10 =	sadd.s32 s19, s10;
	s3 =	sand.u32 $0x70, s3;
	s19 =	sand.u32 $0x70, s21;
	v6 =	vsel vm6, v6, v13;
	v18 =	vsel vm4, v11, v18;
	v11 =	vsel vm0, v14, v5;
	v4 =	vld [tilespmem:s18+$0x4080];
	[tilespmem:s16+$0x13000] =	vst v1  }
0xeb: {  	v10 =	vsel vm1, v12, v10;
	s21 =	sor.u32 s3, s8;
	v9 =	vsel vm2, v15, v17;
	v8 =	vsel vm3, v16, v23;
	s20 =	sor.u32 s19, s20;
	s22 =	sor.u32 s19, s22;
	v5 =	vld [tilespmem:s18+$0x4100];
	[tilespmem:s16+$0x13080] =	vst v2  }
0xec: {  	s8 =	smov.u32 s17;
	s19 =	sor.u32 s3, s10;
	s17 =	smov.u32 s22;
	v1 =	vld [tilespmem:s21+$0x4000];
	v14 =	vand.u32 $0x1, v22;
	v13 =	vand.u32 $0x100, v22;
	v12 =	vand.u32 $0x10000, v22;
	[tilespmem:s16+$0x13100] =	vst v6  }
0xed: {  	v2 =	vld [tilespmem:s21+$0x4080];
	vm0 =	veq.s32 v14, $0x0;
	v14 =	vand.u32 $0x1000000, v22;
	vm1 =	vgt.f32 v7, $5.000000000e-01;
	[tilespmem:s16+$0x13180] =	vst v18;
	s16 =	smov.u32 s21  }
0xee: {  	v6 =	vld [tilespmem:s16+$0x4100]  }
0xef: {  	vm2 =	vgt.f32 v3, $5.000000000e-01;
	vm3 =	veq.s32 v14, $0x0;
	v15 =	vld [tilespmem:s16+$0x4180]  }
0xf0: {  	v35 =	vsel vm1, $0x3F800000, v0;
	v36 =	vld [tilespmem:s20+$0xD000];
	vm11 =	veq.s32 v13, $0x0;
	vm4 =	veq.s32 v12, $0x0  }
0xf1: {  	v17 =	vld [tilespmem:s17+$0x4000];
	v16 =	vsel vm2, $0x3F800000, v0;
	vm10 =	vgt.f32 v4, $5.000000000e-01;
	v7 =	vsel vm3, v7, v35  }
0xf2: {  	v18 =	vld [tilespmem:s19+$0xD000];
	v37 =	vsel vm10, $0x3F800000, v0;
	vm12 =	vgt.f32 v5, $5.000000000e-01;
	v3 =	vsel vm0, v3, v16  }
0xf3: {  	[tilespmem:s8+$0x13000] =	vst v11;
	v46 =	vld [tilespmem:s17+$0x4080];
	vm13 =	vgt.f32 v1, $5.000000000e-01;
	v38 =	vsel vm12, $0x3F800000, v0;
	v41 =	vsel vm11, v4, v37  }
0xf4: {  	[tilespmem:s8+$0x13080] =	vst v10;
	v50 =	vld [tilespmem:s17+$0x4100];
	v39 =	vsel vm13, $0x3F800000, v0;
	vm14 =	vgt.f32 v2, $5.000000000e-01;
	v43 =	vsel vm4, v5, v38  }
0xf5: {  	[tilespmem:s8+$0x13100] =	vst v9;
	v40 =	vsel vm14, $0x3F800000, v0;
	vm15 =	vgt.f32 v6, $5.000000000e-01;
	vm5 =	vgt.f32 v15, $5.000000000e-01  }
0xf6: {  	[tilespmem:s8+$0x13180] =	vst v8;
	v44 =	vand.u32 $0x1, v36;
	v45 =	vand.u32 $0x100, v36;
	v47 =	vand.u32 $0x10000, v36  }
0xf7: {  	[tilespmem:s18+$0x13000] =	vst v3;
	vm6 =	vgt.f32 v17, $5.000000000e-01;
	v3 =	vand.u32 $0x1000000, v36;
	v49 =	vand.u32 $0x1, v18  }
0xf8: {  	[tilespmem:s18+$0x13180] =	vst v7;
	v19 =	vand.u32 $0x100, v18;
	v53 =	vand.u32 $0x10000, v18;
	v54 =	vand.u32 $0x1000000, v18  }
0xf9: {  	[tilespmem:s18+$0x13080] =	vst v41;
	vm11 =	vgt.f32 v46, $5.000000000e-01;
	vm14 =	vgt.f32 v50, $5.000000000e-01;
	vm8 =	veq.s32 v49, $0x0  }
0xfa: {  	v52 =	vld [tilespmem:s17+$0x4180];
	[tilespmem:s18+$0x13100] =	vst v43;
	v42 =	vsel vm15, $0x3F800000, v0;
	vm9 =	veq.s32 v19, $0x0;
	v1 =	vsel vm8, v1, v39  }
0xfb: {  	v48 =	vsel vm5, $0x3F800000, v0;
	vm12 =	veq.s32 v54, $0x0;
	v2 =	vsel vm9, v2, v40;
	[tilespmem:s16+$0x13000] =	vst v1  }
0xfc: {  	vm7 =	veq.s32 v44, $0x0;
	vm10 =	veq.s32 v53, $0x0;
	v55 =	vsel vm12, v15, v48;
	[tilespmem:s16+$0x13080] =	vst v2  }
0xfd: {  	v51 =	vsel vm6, $0x3F800000, v0;
	vm13 =	veq.s32 v45, $0x0;
	v1 =	vsel vm10, v6, v42;
	[tilespmem:s16+$0x13180] =	vst v55  }
0xfe: {  	vm15 =	veq.s32 v47, $0x0;
	v2 =	vsel vm11, $0x3F800000, v0;
	[tilespmem:s16+$0x13100] =	vst v1;
	v1 =	vsel vm7, v17, v51  }
0xff: {  	v56 =	vsel vm14, $0x3F800000, v0;
	vm6 =	vgt.f32 v52, $5.000000000e-01;
	v2 =	vsel vm13, v46, v2;
	[tilespmem:s17+$0x13000] =	vst v1  }
0x100: {  	vm7 =	veq.s32 v3, $0x0;
	v3 =	vsel vm15, v50, v56;
	v1 =	vsel vm6, $0x3F800000, v0;
	[tilespmem:s17+$0x13080] =	vst v2  }
0x101: {  	[tilespmem:s17+$0x13100] =	vst v3;
	v1 =	vsel vm7, v52, v1  }
0x102: {  	[tilespmem:s17+$0x13180] =	vst v1  }
0x103: {  	v1 =	vld [tilespmem:$0xDFF0]  }
0x104: {  	v2 =	vld [tilespmem:$0x7E70]  }
0x105: {  	v3 =	vld [tilespmem:$0x7EF0]  }
0x106: {  	v57 =	vld [tilespmem:$0x7F70]  }
0x107: {  	v59 =	vld [tilespmem:$0x7FF0];
	_ =	sdelay $0x1  }
0x108: {  	v58 =	vand.u32 $0x1, v1  }
0x109: {  	vm8 =	vgt.f32 v2, $5.000000000e-01;
	v61 =	vand.u32 $0x100, v1;
	vm10 =	vgt.f32 v3, $5.000000000e-01  }
0x10a: {  	v63 =	vand.u32 $0x10000, v1;
	vm13 =	vgt.f32 v57, $5.000000000e-01;
	v1 =	vand.u32 $0x1000000, v1  }
0x10b: {  	vm14 =	vgt.f32 v59, $5.000000000e-01;
	vm9 =	veq.s32 v58, $0x0;
	v60 =	vsel vm8, $0x3F800000, v0  }
0x10c: {  	vm11 =	veq.s32 v61, $0x0;
	v62 =	vsel vm10, $0x3F800000, v0;
	v2 =	vsel vm9, v2, v60  }
0x10d: {  	vm15 =	veq.s32 v1, $0x0;
	v1 =	vsel vm14, $0x3F800000, v0;
	v3 =	vsel vm11, v3, v62;
	[tilespmem:$0x16E70] =	vst v2  }
0x10e: {  	vm12 =	veq.s32 v63, $0x0;
	v1 =	vsel vm15, v59, v1;
	v2 =	vsel vm13, $0x3F800000, v0;
	[tilespmem:$0x16EF0] =	vst v3  }
0x10f: {  	s3 =	sshll.u32 s12, $0xB;
	[tilespmem:$0x16FF0] =	vst v1;
	v2 =	vsel vm12, v57, v2  }
0x110: {  	s29 =	simm.s32 $0x13000;
	s3 =	sadd.s32 s2, s3;
	[tilespmem:$0x16F70] =	vst v2  }
0x111: {  	[hbm4b:s3+s4] =	stream.linear.scatter [tilespmem:s29], [sflag:$0x8], $0x4000, $0x38;
	[tilespmem:$0x1B000] =	vst v63  }
.LBB2_8:
0x112: {  	s3 =	simm.s32 @!p2 $0x9  }
0x113: {  	s8 =	sadd.s32 $0x60, s7;
	_ =	swait.ge @!p2 [sflag:s3], $0x4000  }
0x114: {  	p3 =	sgt.u32 s8, $0xC34;
	[sflag:s3] =	ssyncset.done @!p2 $0x0  }
0x115: {  	s10 =	simm.s32 @!p3 $0x0;
	[sflag:s3] =	ssyncadd.s32 @!p2 $0xFFFFC000;
	s3 =	sshll.u32 @!p3 s8, $0xB  }
0x116: {  	s12 =	simm.s32 @!p3 $0xC000;
	s8 =	sshll.u32 @!p3 s8, $0x9;
	s3 =	sadd.s32 @!p3 s1, s3  }
0x117: {  	[tilespmem:s10], [sflag:$0x1] =	stream.linear.gather @!p3 [hbm4b:s3+s10], $0x4000, $0x38;
	[tilespmem:$0x1B000] =	vst v63  }
0x118: {  	s3 =	sadd.s32 @!p3 s5, s8;
	s8 =	simm.s32 @!p3 $0x100;
	s10 =	simm.s32 @!p3 $0x400  }
0x119: {  	[tilespmem:s12], [sflag:$0x4] =	stream.strided.gather @!p3 [hbm4b:s3+s8], $0x400, s10, s8, $0x38;
	[tilespmem:$0x1B000] =	vst v63  }
0x11a: {  	s13 =	simm.s32 @!p3 $0xC400;
	s12 =	sadd.s32 @!p3 $0x20, s3  }
0x11b: {  	[tilespmem:s13], [sflag:$0x4] =	stream.strided.gather @!p3 [hbm4b:s12+s8], $0x400, s10, s8, $0x38;
	[tilespmem:$0x1B000] =	vst v63  }
.Ltmp7:
0x11c: {  	_ = 	snop;
	(pc) =	sbr.rel @p1 .LBB2_12-.Ltmp7, $4  }
0x11d: {  	s12 =	sadd.s32 @!p3 $0x40, s3;
	s13 =	simm.s32 @!p3 $0xC800  }
0x11e: {  	[tilespmem:s13], [sflag:$0x4] =	stream.strided.gather @!p3 [hbm4b:s12+s8], $0x400, s10, s8, $0x38;
	[tilespmem:$0x1B000] =	vst v63  }
0x11f: {  	s3 =	sadd.s32 @!p3 $0x60, s3;
	s12 =	simm.s32 @!p3 $0xCC00  }
0x120: {  	[tilespmem:s12], [sflag:$0x4] =	stream.strided.gather @!p3 [hbm4b:s3+s8], $0x400, s10, s8, $0x38;
	[tilespmem:$0x1B000] =	vst v63  }
0x121: {  	_ =	swait.ge [sflag:s24], $0x4000  }
0x122: {  	s3 =	simm.s32 $0x100;
	s8 =	simm.s32 $0x20;
	s13 =	simm.s32 $0x20  }
0x123: {  	s14 =	simm.s32 $0x8;
	s16 =	simm.s32 $0x80;
	[sflag:s24] =	ssyncset.done $0x0  }
0x124: {  	s3 =	sand.u32 $0xC00, s3;
	s15 =	sand.u32 $0x1000, s13;
	s14 =	sand.u32 $0x380, s14  }
0x125: {  	s19 =	sand.u32 $0x7000, s16;
	s13 =	sand.u32 $0x200, s13;
	[sflag:s24] =	ssyncadd.s32 $0xFFFFC000  }
0x126: {  	s8 =	sand.u32 $0x70, s8;
	s14 =	sor.u32 s14, s15;
	_ =	swait.ge [sflag:s25], $0x1000  }
0x127: {  	s13 =	sor.u32 s19, s13;
	s14 =	sor.u32 s3, s14;
	[sflag:s25] =	ssyncset.done $0x0  }
0x128: {  	s3 =	sor.u32 s3, s13;
	s14 =	sor.u32 s8, s14;
	[sflag:s25] =	ssyncadd.s32 $0xFFFFF000  }
0x129: {  	s10 =	simm.s32 $0x0;
	s20 =	simm.s32 $0x0;
	s15 =	sor.u32 s8, s3;
	v1 =	vld [tilespmem:s14+$0xE000]  }
0x12a: {  	s26 =	simm.s32 $0x0;
	s22 =	sand.u32 $0x3000, s20;
	s23 =	sand.u32 $0x200, s10;
	v2 =	vld [tilespmem:s15+$0x8180]  }
0x12b: {  	s29 =	sand.u32 $0xC00, s26;
	s3 =	sor.u32 s22, s23;
	s14 =	simm.s32 $0x0;
	v3 =	vld [tilespmem:s15+$0x8000]  }
0x12c: {  	s21 =	simm.s32 $0x10;
	s3 =	sor.u32 s29, s3;
	v4 =	vld [tilespmem:s15+$0x8080];
	s19 =	sand.u32 $0x70, s14  }
0x12d: {  	s16 =	simm.s32 $0x40;
	s18 =	sand.u32 $0x1000, s21;
	v5 =	vld [tilespmem:s15+$0x8100];
	s10 =	sor.u32 s19, s3  }
0x12e: {  	s20 =	sand.u32 $0x7000, s16;
	s13 =	sand.u32 $0x200, s21;
	s21 =	simm.s32 $0x80;
	v6 =	vld [tilespmem:s10+$0x8000]  }
0x12f: {  	s22 =	simm.s32 $0x10;
	s14 =	sand.u32 $0xC00, s21;
	s3 =	sor.u32 s20, s13;
	v10 =	vld [tilespmem:s10+$0x8080]  }
0x130: {  	s26 =	sand.u32 $0x70, s22;
	v11 =	vld [tilespmem:s10+$0x8100];
	s3 =	sor.u32 s14, s3;
	v7 =	vand.u32 $0x1, v1;
	v8 =	vand.u32 $0x100, v1;
	v9 =	vand.u32 $0x10000, v1  }
0x131: {  	s17 =	simm.s32 $0x4;
	v12 =	vld [tilespmem:s10+$0x8180];
	s8 =	sor.u32 s26, s3;
	v1 =	vand.u32 $0x1000000, v1;
	vm1 =	vgt.f32 v2, $5.000000000e-01;
	vm2 =	vgt.f32 v3, $5.000000000e-01  }
0x132: {  	s12 =	simm.s32 $0x0;
	s17 =	sand.u32 $0x380, s17;
	v13 =	vld [tilespmem:s8+$0x8000];
	vm0 =	veq.s32 v7, $0x0;
	vm3 =	veq.s32 v1, $0x0;
	v1 =	vsel vm1, $0x3F800000, v0  }
0x133: {  	s12 =	sand.u32 $0x3FFFFF80, s12;
	s17 =	sor.u32 s17, s18;
	v15 =	vld [tilespmem:s8+$0x8080];
	v7 =	vsel vm2, $0x3F800000, v0;
	vm1 =	vgt.f32 v4, $5.000000000e-01;
	vm2 =	veq.s32 v8, $0x0  }
0x134: {  	s12 =	sadd.s32 s29, s12;
	s22 =	simm.s32 $0x30;
	s23 =	sor.u32 s14, s17;
	v17 =	vld [tilespmem:s8+$0x8100];
	vm4 =	veq.s32 v9, $0x0;
	v1 =	vsel vm3, v2, v1;
	v8 =	vsel vm1, $0x3F800000, v0  }
0x135: {  	s21 =	simm.s32 $0xC;
	s29 =	sor.u32 s19, s12;
	s13 =	sor.u32 s26, s23;
	v18 =	vld [tilespmem:s8+$0x8180];
	vm1 =	vgt.f32 v5, $5.000000000e-01;
	v3 =	vsel vm0, v3, v7;
	vm3 =	vgt.f32 v6, $5.000000000e-01  }
0x136: {  	s19 =	simm.s32 $0x40;
	s16 =	sand.u32 $0x3FFFFF80, s21;
	s17 =	simm.s32 $0x10;
	v2 =	vld [tilespmem:s13+$0xE000];
	v9 =	vsel vm1, $0x3F800000, v0;
	vm1 =	vgt.f32 v10, $5.000000000e-01;
	vm0 =	vgt.f32 v11, $5.000000000e-01  }
0x137: {  	s20 =	simm.s32 $0x100;
	s21 =	simm.s32 $0x14;
	s23 =	simm.s32 $0xC0;
	v7 =	vld [tilespmem:s29+$0xE000];
	v4 =	vsel vm2, v4, v8;
	v14 =	vsel vm3, $0x3F800000, v0;
	v16 =	vsel vm1, $0x3F800000, v0  }
0x138: {  	s14 =	sand.u32 $0x200, s22;
	s21 =	sand.u32 $0x380, s21;
	s26 =	sand.u32 $0x3000, s23;
	v8 =	vsel vm0, $0x3F800000, v0;
	vm0 =	vgt.f32 v12, $5.000000000e-01;
	v5 =	vsel vm4, v5, v9  }
0x139: {  	s20 =	sand.u32 $0x7000, s20;
	s23 =	simm.s32 $0x140;
	s18 =	sor.u32 s26, s14;
	v21 =	vsel vm0, $0x3F800000, v0;
	vm1 =	vgt.f32 v13, $5.000000000e-01;
	vm2 =	vgt.f32 v15, $5.000000000e-01  }
0x13a: {  	s14 =	simm.s32 $0x50;
	s23 =	sand.u32 $0x7000, s23;
	s29 =	simm.s32 $0x50;
	vm3 =	vgt.f32 v17, $5.000000000e-01;
	vm13 =	vgt.f32 v18, $5.000000000e-01;
	v61 =	vsel vm2, $0x3F800000, v0  }
0x13b: {  	s13 =	simm.s32 $0x280;
	s22 =	sand.u32 $0x1000, s29;
	s3 =	sand.u32 $0x200, s29;
	v62 =	vsel vm3, $0x3F800000, v0;
	v9 =	vand.u32 $0x1, v2;
	v19 =	vand.u32 $0x100, v2  }
0x13c: {  	s26 =	sand.u32 $0xC00, s13;
	[tilespmem:s15+$0x17180] =	vst v1;
	s29 =	sand.u32 $0x1000, s19;
	s21 =	sor.u32 s21, s22;
	v20 =	vand.u32 $0x10000, v2;
	v2 =	vand.u32 $0x1000000, v2;
	v1 =	vand.u32 $0x1, v7  }
0x13d: {  	s3 =	sor.u32 s23, s3;
	s23 =	sand.u32 $0x70, s14;
	s21 =	sor.u32 s26, s21;
	v22 =	vand.u32 $0x100, v7;
	v23 =	vand.u32 $0x10000, v7;
	v25 =	vand.u32 $0x1000000, v7  }
0x13e: {  	s19 =	sand.u32 $0x200, s19;
	s3 =	sor.u32 s26, s3;
	s21 =	sor.u32 s23, s21;
	vm0 =	veq.s32 v9, $0x0;
	v9 =	vsel vm1, $0x3F800000, v0;
	vm1 =	veq.s32 v19, $0x0  }
0x13f: {  	[tilespmem:s15+$0x17000] =	vst v3;
	s22 =	simm.s32 $0x180;
	s26 =	sand.u32 $0x380, s17;
	s17 =	sor.u32 s23, s3;
	v24 =	vld [tilespmem:s21+$0xE000];
	vm2 =	veq.s32 v20, $0x0;
	vm3 =	veq.s32 v2, $0x0;
	v2 =	vsel vm13, $0x3F800000, v0  }
0x140: {  	s12 =	simm.s32 $0x3;
	[tilespmem:s15+$0x17080] =	vst v4;
	s19 =	sor.u32 s20, s19;
	s20 =	sand.u32 $0xC00, s22;
	v7 =	vld [tilespmem:s17+$0x8180];
	vm14 =	veq.s32 v1, $0x0;
	vm5 =	veq.s32 v22, $0x0;
	vm6 =	veq.s32 v23, $0x0  }
0x141: {  	[tilespmem:s15+$0x17100] =	vst v5;
	s3 =	sor.u32 s26, s29;
	s23 =	simm.s32 $0x200;
	s26 =	simm.s32 $0x30;
	v3 =	vld [tilespmem:s17+$0x8000];
	vm15 =	veq.s32 v25, $0x0;
	v1 =	vsel vm14, v6, v14;
	v6 =	vsel vm5, v10, v16  }
0x142: {  	s18 =	sor.u32 s20, s18;
	s29 =	sand.u32 $0xC00, s23;
	s23 =	sand.u32 $0x70, s26;
	v4 =	vld [tilespmem:s17+$0x8080];
	v14 =	vsel vm6, v11, v8;
	v63 =	vsel vm15, v12, v21;
	v11 =	vsel vm0, v13, v9;
	[tilespmem:s10+$0x17000] =	vst v1  }
0x143: {  	s20 =	sadd.s32 s20, s16;
	s26 =	simm.s32 $0x40;
	v5 =	vld [tilespmem:s17+$0x8100];
	s15 =	sor.u32 s23, s18;
	v10 =	vsel vm1, v15, v61;
	v9 =	vsel vm2, v17, v62;
	v8 =	vsel vm3, v18, v2;
	[tilespmem:s10+$0x17080] =	vst v6  }
0x144: {  	s3 =	sor.u32 s29, s3;
	s22 =	sor.u32 s29, s19;
	s29 =	sand.u32 $0x70, s26;
	v2 =	vld [tilespmem:s15+$0x8080];
	[tilespmem:s10+$0x17100] =	vst v14;
	v6 =	vand.u32 $0x1, v24;
	v13 =	vand.u32 $0x100, v24;
	v12 =	vand.u32 $0x10000, v24  }
0x145: {  	s18 =	sor.u32 s23, s20;
	s19 =	sor.u32 s29, s3;
	s16 =	sor.u32 s29, s22;
	v1 =	vld [tilespmem:s15+$0x8000];
	[tilespmem:s10+$0x17180] =	vst v63;
	v14 =	vand.u32 $0x1000000, v24;
	vm1 =	vgt.f32 v7, $5.000000000e-01;
	vm0 =	veq.s32 v6, $0x0  }
.LBB2_10:
0x146: {  	s3 =	smov.u32 s12;
	s12 =	sadd.s32 $0x3, s12  }
0x147: {  	v6 =	vld [tilespmem:s15+$0x8100];
	vm2 =	vgt.f32 v3, $5.000000000e-01;
	vm3 =	veq.s32 v14, $0x0;
	v14 =	vsel vm1, $0x3F800000, v0;
	[tilespmem:s8+$0x17000] =	vst v11;
	s10 =	sshll.u32 s12, $0x2  }
0x148: {  	s20 =	sadd.s32 $0x4, s3;
	p1 =	slt.u32 s12, $0xFC;
	v11 =	vld [tilespmem:s15+$0x8180];
	v15 =	vsel vm2, $0x3F800000, v0;
	vm1 =	vgt.f32 v4, $5.000000000e-01;
	v7 =	vsel vm3, v7, v14;
	[tilespmem:s8+$0x17080] =	vst v10;
	s21 =	sshll.u32 s12, $0x4  }
0x149: {  	s22 =	sshll.u32 s12, $0x6;
	vm2 =	veq.s32 v13, $0x0;
	s3 =	sadd.s32 $0x5, s3;
	s23 =	sshll.u32 s20, $0x4;
	v10 =	vld [tilespmem:s19+$0xE000];
	v13 =	vsel vm1, $0x3F800000, v0;
	vm1 =	vgt.f32 v5, $5.000000000e-01;
	[tilespmem:s17+$0x17180] =	vst v7  }
0x14a: {  	vm4 =	veq.s32 v12, $0x0;
	s10 =	sand.u32 $0x3FFFFF80, s10;
	s19 =	sshll.u32 s20, $0x2;
	s20 =	sshll.u32 s20, $0x6;
	vm3 =	vgt.f32 v1, $5.000000000e-01;
	v14 =	vld [tilespmem:s16+$0x8000];
	v7 =	vsel vm1, $0x3F800000, v0;
	[tilespmem:s8+$0x17100] =	vst v9  }
0x14b: {  	s22 =	sand.u32 $0x3000, s22;
	s21 =	sand.u32 $0x200, s21;
	v3 =	vsel vm0, v3, v15;
	s26 =	sand.u32 $0x1000, s23;
	v9 =	vsel vm3, $0x3F800000, v0;
	vm1 =	vgt.f32 v2, $5.000000000e-01;
	v12 =	vld [tilespmem:s16+$0x8080];
	[tilespmem:s8+$0x17180] =	vst v8  }
0x14c: {  	s19 =	sand.u32 $0x380, s19;
	s20 =	sand.u32 $0x7000, s20;
	s23 =	sand.u32 $0x200, s23;
	v8 =	vsel vm1, $0x3F800000, v0;
	vm0 =	vgt.f32 v6, $5.000000000e-01;
	v15 =	vld [tilespmem:s16+$0x8100];
	[tilespmem:s17+$0x17000] =	vst v3;
	v3 =	vsel vm2, v4, v13  }
0x14d: {  	s8 =	sor.u32 s22, s21;
	s19 =	sor.u32 s19, s26;
	s20 =	sor.u32 s20, s23;
	v13 =	vsel vm0, $0x3F800000, v0;
	vm0 =	vgt.f32 v11, $5.000000000e-01;
	v16 =	vld [tilespmem:s16+$0x8180];
	[tilespmem:s17+$0x17080] =	vst v3;
	v3 =	vsel vm4, v5, v7  }
0x14e: {  	s13 =	sadd.s32 $0x180, s13;
	s14 =	sadd.s32 $0x30, s14;
	s21 =	sshll.u32 s3, $0x2;
	v4 =	vld [tilespmem:s18+$0xE000];
	v5 =	vand.u32 $0x1, v10;
	v7 =	vand.u32 $0x100, v10;
	v17 =	vand.u32 $0x10000, v10;
	[tilespmem:s17+$0x17100] =	vst v3  }
0x14f: {  	s23 =	sadd.s32 $0xFFFFFF80, s13;
	s17 =	sshll.u32 s3, $0x4;
	s18 =	sand.u32 $0xC00, s13;
	v18 =	vsel vm0, $0x3F800000, v0;
	v3 =	vand.u32 $0x1000000, v10;
	vm1 =	vgt.f32 v14, $5.000000000e-01  }
0x150: {  	s21 =	sand.u32 $0x380, s21;
	s3 =	sshll.u32 s3, $0x6;
	s22 =	sand.u32 $0x1000, s17;
	vm0 =	veq.s32 v5, $0x0;
	v5 =	vsel vm1, $0x3F800000, v0;
	vm2 =	vgt.f32 v12, $5.000000000e-01  }
0x151: {  	s3 =	sand.u32 $0x7000, s3;
	s17 =	sand.u32 $0x200, s17;
	s21 =	sor.u32 s21, s22;
	vm1 =	veq.s32 v7, $0x0;
	v10 =	vsel vm2, $0x3F800000, v0;
	vm3 =	vgt.f32 v15, $5.000000000e-01  }
0x152: {  	s22 =	sand.u32 $0x70, s14;
	s3 =	sor.u32 s3, s17;
	s21 =	sor.u32 s18, s21;
	vm2 =	veq.s32 v17, $0x0;
	v17 =	vsel vm3, $0x3F800000, v0;
	vm4 =	vgt.f32 v16, $5.000000000e-01  }
0x153: {  	s17 =	sadd.s32 $0xFFFFFF00, s13;
	s3 =	sor.u32 s18, s3;
	s21 =	sor.u32 s22, s21;
	v19 =	vand.u32 $0x1, v4;
	v20 =	vand.u32 $0x100, v4;
	v21 =	vand.u32 $0x10000, v4  }
0x154: {  	s18 =	sand.u32 $0xC00, s17;
	s17 =	sor.u32 s22, s3;
	vm3 =	veq.s32 v3, $0x0;
	s3 =	sadd.s32 $0xFFFFFFE0, s14;
	v4 =	vand.u32 $0x1000000, v4;
	v23 =	vsel vm4, $0x3F800000, v0;
	v22 =	vld [tilespmem:s21+$0xE000]  }
0x155: {  	s22 =	sand.u32 $0xC00, s23;
	s8 =	sor.u32 s18, s8;
	s21 =	sadd.s32 $0xFFFFFFF0, s14;
	vm4 =	veq.s32 v19, $0x0;
	vm5 =	veq.s32 v20, $0x0;
	vm6 =	veq.s32 v21, $0x0;
	v7 =	vld [tilespmem:s17+$0x8180]  }
.Ltmp8:
0x156: {  	s19 =	sor.u32 s22, s19;
	s20 =	sor.u32 s22, s20;
	v1 =	vsel vm4, v1, v9;
	v2 =	vsel vm5, v2, v8;
	vm4 =	veq.s32 v4, $0x0;
	v3 =	vld [tilespmem:s17+$0x8000];
	(pc) =	sbr.rel @p1 .LBB2_10-.Ltmp8, $4  }
0x157: {  	s10 =	sadd.s32 s18, s10;
	s3 =	sand.u32 $0x70, s3;
	s18 =	sand.u32 $0x70, s21;
	v6 =	vsel vm6, v6, v13;
	v18 =	vsel vm4, v11, v18;
	v11 =	vsel vm0, v14, v5;
	v4 =	vld [tilespmem:s17+$0x8080];
	[tilespmem:s15+$0x17000] =	vst v1  }
0x158: {  	v10 =	vsel vm1, v12, v10;
	s21 =	sor.u32 s3, s8;
	v9 =	vsel vm2, v15, v17;
	v8 =	vsel vm3, v16, v23;
	s19 =	sor.u32 s18, s19;
	s20 =	sor.u32 s18, s20;
	v5 =	vld [tilespmem:s17+$0x8100];
	[tilespmem:s15+$0x17080] =	vst v2  }
0x159: {  	s8 =	smov.u32 s16;
	s18 =	sor.u32 s3, s10;
	s16 =	smov.u32 s20;
	v1 =	vld [tilespmem:s21+$0x8000];
	v14 =	vand.u32 $0x1, v22;
	v13 =	vand.u32 $0x100, v22;
	v12 =	vand.u32 $0x10000, v22;
	[tilespmem:s15+$0x17100] =	vst v6  }
0x15a: {  	v2 =	vld [tilespmem:s21+$0x8080];
	vm0 =	veq.s32 v14, $0x0;
	v14 =	vand.u32 $0x1000000, v22;
	vm1 =	vgt.f32 v7, $5.000000000e-01;
	[tilespmem:s15+$0x17180] =	vst v18;
	s15 =	smov.u32 s21  }
0x15b: {  	v6 =	vld [tilespmem:s15+$0x8100]  }
0x15c: {  	vm2 =	vgt.f32 v3, $5.000000000e-01;
	vm3 =	veq.s32 v14, $0x0;
	v15 =	vld [tilespmem:s15+$0x8180]  }
0x15d: {  	v35 =	vsel vm1, $0x3F800000, v0;
	v36 =	vld [tilespmem:s19+$0xE000];
	vm11 =	veq.s32 v13, $0x0;
	vm4 =	veq.s32 v12, $0x0  }
0x15e: {  	v17 =	vld [tilespmem:s16+$0x8000];
	v16 =	vsel vm2, $0x3F800000, v0;
	vm10 =	vgt.f32 v4, $5.000000000e-01;
	v7 =	vsel vm3, v7, v35  }
0x15f: {  	v18 =	vld [tilespmem:s18+$0xE000];
	v37 =	vsel vm10, $0x3F800000, v0;
	vm12 =	vgt.f32 v5, $5.000000000e-01;
	v3 =	vsel vm0, v3, v16  }
0x160: {  	[tilespmem:s8+$0x17000] =	vst v11;
	v46 =	vld [tilespmem:s16+$0x8080];
	vm13 =	vgt.f32 v1, $5.000000000e-01;
	v38 =	vsel vm12, $0x3F800000, v0;
	v41 =	vsel vm11, v4, v37  }
0x161: {  	[tilespmem:s8+$0x17080] =	vst v10;
	v50 =	vld [tilespmem:s16+$0x8100];
	v39 =	vsel vm13, $0x3F800000, v0;
	vm14 =	vgt.f32 v2, $5.000000000e-01;
	v43 =	vsel vm4, v5, v38  }
0x162: {  	[tilespmem:s8+$0x17100] =	vst v9;
	v40 =	vsel vm14, $0x3F800000, v0;
	vm15 =	vgt.f32 v6, $5.000000000e-01;
	vm5 =	vgt.f32 v15, $5.000000000e-01  }
0x163: {  	[tilespmem:s8+$0x17180] =	vst v8;
	v44 =	vand.u32 $0x1, v36;
	v45 =	vand.u32 $0x100, v36;
	v47 =	vand.u32 $0x10000, v36  }
0x164: {  	[tilespmem:s17+$0x17000] =	vst v3;
	vm6 =	vgt.f32 v17, $5.000000000e-01;
	v3 =	vand.u32 $0x1000000, v36;
	v49 =	vand.u32 $0x1, v18  }
0x165: {  	[tilespmem:s17+$0x17180] =	vst v7;
	v19 =	vand.u32 $0x100, v18;
	v53 =	vand.u32 $0x10000, v18;
	v54 =	vand.u32 $0x1000000, v18  }
0x166: {  	[tilespmem:s17+$0x17080] =	vst v41;
	vm11 =	vgt.f32 v46, $5.000000000e-01;
	vm14 =	vgt.f32 v50, $5.000000000e-01;
	vm8 =	veq.s32 v49, $0x0  }
0x167: {  	v52 =	vld [tilespmem:s16+$0x8180];
	[tilespmem:s17+$0x17100] =	vst v43;
	v42 =	vsel vm15, $0x3F800000, v0;
	vm9 =	veq.s32 v19, $0x0;
	v1 =	vsel vm8, v1, v39  }
0x168: {  	v48 =	vsel vm5, $0x3F800000, v0;
	vm12 =	veq.s32 v54, $0x0;
	v2 =	vsel vm9, v2, v40;
	[tilespmem:s15+$0x17000] =	vst v1  }
0x169: {  	vm7 =	veq.s32 v44, $0x0;
	vm10 =	veq.s32 v53, $0x0;
	v55 =	vsel vm12, v15, v48;
	[tilespmem:s15+$0x17080] =	vst v2  }
0x16a: {  	v51 =	vsel vm6, $0x3F800000, v0;
	vm13 =	veq.s32 v45, $0x0;
	v1 =	vsel vm10, v6, v42;
	[tilespmem:s15+$0x17180] =	vst v55  }
0x16b: {  	vm15 =	veq.s32 v47, $0x0;
	v2 =	vsel vm11, $0x3F800000, v0;
	[tilespmem:s15+$0x17100] =	vst v1;
	v1 =	vsel vm7, v17, v51  }
0x16c: {  	v56 =	vsel vm14, $0x3F800000, v0;
	vm6 =	vgt.f32 v52, $5.000000000e-01;
	v2 =	vsel vm13, v46, v2;
	[tilespmem:s16+$0x17000] =	vst v1  }
0x16d: {  	vm7 =	veq.s32 v3, $0x0;
	v3 =	vsel vm15, v50, v56;
	v1 =	vsel vm6, $0x3F800000, v0;
	[tilespmem:s16+$0x17080] =	vst v2  }
0x16e: {  	[tilespmem:s16+$0x17100] =	vst v3;
	v1 =	vsel vm7, v52, v1  }
0x16f: {  	[tilespmem:s16+$0x17180] =	vst v1  }
0x170: {  	v1 =	vld [tilespmem:$0xEFF0]  }
0x171: {  	v2 =	vld [tilespmem:$0xBE70]  }
0x172: {  	v3 =	vld [tilespmem:$0xBEF0]  }
0x173: {  	v57 =	vld [tilespmem:$0xBF70]  }
0x174: {  	v59 =	vld [tilespmem:$0xBFF0];
	_ =	sdelay $0x1  }
0x175: {  	v58 =	vand.u32 $0x1, v1  }
0x176: {  	vm8 =	vgt.f32 v2, $5.000000000e-01;
	v61 =	vand.u32 $0x100, v1;
	vm10 =	vgt.f32 v3, $5.000000000e-01  }
0x177: {  	v63 =	vand.u32 $0x10000, v1;
	vm13 =	vgt.f32 v57, $5.000000000e-01;
	v1 =	vand.u32 $0x1000000, v1  }
0x178: {  	vm14 =	vgt.f32 v59, $5.000000000e-01;
	vm9 =	veq.s32 v58, $0x0;
	v60 =	vsel vm8, $0x3F800000, v0  }
0x179: {  	vm11 =	veq.s32 v61, $0x0;
	v62 =	vsel vm10, $0x3F800000, v0;
	v2 =	vsel vm9, v2, v60  }
.Ltmp9:
0x17a: {  	vm15 =	veq.s32 v1, $0x0;
	v1 =	vsel vm14, $0x3F800000, v0;
	v3 =	vsel vm11, v3, v62;
	[tilespmem:$0x1AE70] =	vst v2;
	(pc) =	sbr.rel .LBB2_12-.Ltmp9, $4  }
0x17b: {  	vm12 =	veq.s32 v63, $0x0;
	v1 =	vsel vm15, v59, v1;
	v2 =	vsel vm13, $0x3F800000, v0;
	[tilespmem:$0x1AEF0] =	vst v3  }
0x17c: {  	s3 =	sshll.u32 s9, $0xB;
	[tilespmem:$0x1AFF0] =	vst v1;
	v2 =	vsel vm12, v57, v2  }
0x17d: {  	s29 =	simm.s32 $0x17000;
	s3 =	sadd.s32 s2, s3;
	[tilespmem:$0x1AF70] =	vst v2  }
0x17e: {  	[hbm4b:s3+s4] =	stream.linear.scatter [tilespmem:s29], [sflag:$0x9], $0x4000, $0x38;
	[tilespmem:$0x1B000] =	vst v63  }
.LBB2_14:
0x17f: {  	_ =	sfence.sel $0x180000  }
0x180: {  	[bflag:$0x0] =	sbarrier.arrive $0xFFFF  }
0x181: {  	_ =	strace $0x90000047  }
0x182: {  	s0 =	stileid.u32;
	[bflag:$0x2] =	sbarrier.arrive $0xFFFF  }
0x183: {  	p0 =	sne.s32 s0, $0x0;
	s0 =	rddreg [dreg:$0x3]  }
0x184: {  	s0 =	sadd.s32 @!p0 $0x100000, s0  }
0x185: {  	[sflag:s0] =	ssyncadd.tile.s32 @!p0 $0x1;
	_ =	shalt  }
.Lfunc_end2:
_tile_overlayer_lowered:
.L_overlay_start_2:
0x186: {  	(tag) =	ssettag $0x2  }
0x187: {  	s0 =	rddreg [dreg:$0x0];
	s2 =	stileid.u32  }
0x188: {  	s1 =	rddreg [dreg:$0x1];
	p0 =	sne.s32 s2, $0x0  }
0x189: {  	s3 =	rddreg [dreg:$0x2];
	[bflag:$0x3] =	sbarrier.arrive $0xFFFF;
	s2 =	simm.s32 @!p0 $0x1C0A  }
0x18a: {  	[timem:s3], [sflag:s2] =	dma.local @!p0 [hbm:s0], s1  }
0x18b: {  	s0 =	simm.s32 @!p0 $0xA  }
0x18c: {  	_ =	swait.ge @!p0 [sflag:s0], s1  }
0x18d: {  	s1 =	ssub.s32 @!p0 $0x0, s1;
	[sflag:s0] =	ssyncset.done @!p0 $0x0  }
0x18e: {  	[sflag:s0] =	ssyncadd.s32 @!p0 s1  }
0x18f: {  	[bflag:$0x3] =	sbarrier.arrive $0xFFFF  }
0x190: {  	_ =	shalt  }

</sc_bundles>
